<compile_context>
chip_gen: v7x
topology: tpu7x:2x2x1
jax: 0.10.2.dev20260603
libtpu: 0.0.44.dev20260713+nightly
codegen_flags: <defaults>
</compile_context>

<pallas_src>
import functools

import jax
import jax.numpy as jnp
from jax import lax
from jax.experimental import pallas as pl
from jax.experimental.pallas import tpu as pltpu
from jax.experimental.pallas import tpu_sc as plsc

N = 10000
D = 128
E = 320000
NC = 2
NS = 16
NW = NC * NS
CHUNK = 128
CH = 80
NCH = NW * CH
CH0 = 144
CH1 = 16
P = 16
EP = NCH * CHUNK
NPAD = 10240
STRIPE = NPAD // NS
TRASH = 10016

_mesh = plsc.VectorSubcoreMesh(core_axis_name="c", subcore_axis_name="s")



@functools.partial(
    pl.kernel,
    out_type=jax.ShapeDtypeStruct((NC * NPAD,), jnp.float32),
    mesh=_mesh,
    scratch_types=[
        pltpu.VMEM((CH, CHUNK), jnp.int32),
        pltpu.VMEM((CHUNK,), jnp.float32),
        pltpu.VMEM((STRIPE,), jnp.float32),
        pltpu.VMEM_SHARED((NPAD,), jnp.float32),
    ],
)
def _deg_kernel(dst_hbm, zeros_hbm, out_hbm, dstv, ones_v, zer_v, deg_sh):
    cid = lax.axis_index("c")
    sid = lax.axis_index("s")
    wid = sid * NC + cid
    for i in range(CHUNK // 16):
        ones_v[pl.ds(i * 16, 16)] = jnp.ones((16,), jnp.float32)
    pltpu.sync_copy(zeros_hbm, zer_v)
    pltpu.sync_copy(zer_v, deg_sh.at[pl.ds(sid * STRIPE, STRIPE)])
    plsc.subcore_barrier()
    pltpu.sync_copy(dst_hbm.at[wid], dstv)

    def body(j, c):
        pltpu.sync_copy(ones_v, deg_sh.at[dstv.at[j]], add=True)
        return c

    lax.fori_loop(0, CH, body, 0)
    plsc.subcore_barrier()
    pltpu.sync_copy(deg_sh.at[pl.ds(sid * STRIPE, STRIPE)], zer_v)
    pltpu.sync_copy(zer_v, out_hbm.at[pl.ds(cid * NPAD + sid * STRIPE, STRIPE)])


@functools.partial(
    pl.kernel,
    out_type=jax.ShapeDtypeStruct((NC, NPAD, D), jnp.float32),
    mesh=_mesh,
    scratch_types=[
        pltpu.VMEM((2 * P, CHUNK // 2), jnp.int32),
        pltpu.VMEM((P, CHUNK), jnp.int32),
        pltpu.VMEM((CHUNK, D), jnp.float32),
        pltpu.VMEM((CHUNK, D), jnp.float32),
        pltpu.VMEM_SHARED((NPAD, D), jnp.float32),
        pltpu.SemaphoreType.DMA,
        pltpu.SemaphoreType.DMA,
        pltpu.SemaphoreType.DMA,
        pltpu.SemaphoreType.DMA,
    ],
)
def _msg_kernel(y_hbm, src2_hbm, src_hbm, dst_hbm, zeros_hbm, out_hbm,
                srcv, dstv, rows0, rows1, acc_sh,
                sem0a, sem0b, sem1a, sem1b):
    cid = lax.axis_index("c")
    sid = lax.axis_index("s")
    pltpu.sync_copy(zeros_hbm, rows0)

    def zbody(t, c):
        pltpu.sync_copy(rows0, acc_sh.at[pl.ds(sid * STRIPE + t * CHUNK, CHUNK)])
        return c

    lax.fori_loop(0, STRIPE // CHUNK, zbody, 0)
    plsc.subcore_barrier()

    base = jnp.where(cid == 0, sid * CH0, NS * CH0 + sid * CH1)
    npieces = jnp.where(cid == 0, CH0 // P, CH1 // P)

    Q = CHUNK // 2

    def gat(j, buf, sa, sb):
        for q in range(2):
            pltpu.async_copy(y_hbm.at[srcv.at[2 * j + q]],
                             buf.at[pl.ds(q * Q, Q)], sa if q < 1 else sb)

    def wat(j, buf, sa, sb):
        for q in range(2):
            pltpu.make_async_copy(y_hbm.at[srcv.at[2 * j + q]],
                                  buf.at[pl.ds(q * Q, Q)],
                                  sa if q < 1 else sb).wait()

    def piece(p, c):
        pltpu.sync_copy(src2_hbm.at[pl.ds(2 * (base + p * P), 2 * P)], srcv)
        pltpu.sync_copy(dst_hbm.at[pl.ds(base + p * P, P)], dstv)
        gat(0, rows0, sem0a, sem0b)

        def body(j0, c2):
            j = 2 * j0
            gat(j + 1, rows1, sem1a, sem1b)
            wat(j, rows0, sem0a, sem0b)
            pltpu.sync_copy(rows0, acc_sh.at[dstv.at[j]], add=True)

            @pl.when(j0 < P // 2 - 1)
            def _():
                gat(j + 2, rows0, sem0a, sem0b)

            wat(j + 1, rows1, sem1a, sem1b)
            pltpu.sync_copy(rows1, acc_sh.at[dstv.at[j + 1]], add=True)
            return c2

        lax.fori_loop(0, P // 2, body, 0)
        return c

    lax.fori_loop(0, npieces, piece, 0)
    plsc.subcore_barrier()

    def wbody(t, c):
        r = sid * STRIPE + t * CHUNK
        pltpu.sync_copy(acc_sh.at[pl.ds(r, CHUNK)], rows0)
        pltpu.sync_copy(rows0, out_hbm.at[cid, pl.ds(r, CHUNK)])
        return c

    lax.fori_loop(0, STRIPE // CHUNK, wbody, 0)



BM = 400


def _dinv(dgt_ref):
    return lax.rsqrt(dgt_ref[:, 0:1] + dgt_ref[:, 1:2] + 1.0)


def _elu(v):
    return jnp.where(v > 0.0, v, jnp.exp(v) - 1.0)


def _tca_body(x_ref, w_ref, dgt_ref, y_ref):
    y_ref[...] = jnp.dot(x_ref[...], w_ref[...],
                         preferred_element_type=jnp.float32) * _dinv(dgt_ref)


def _tcb_body(mp_ref, y1_ref, dgt_ref, b_ref, w_ref, y2_ref):
    dv = _dinv(dgt_ref)
    h = _elu(dv * (mp_ref[0] + mp_ref[1] + y1_ref[...]) + b_ref[...])
    y2_ref[...] = jnp.dot(h, w_ref[...],
                          preferred_element_type=jnp.float32) * dv


def _tcc_body(mq_ref, y2_ref, dgt_ref, b_ref, o_ref):
    dv = _dinv(dgt_ref)
    o_ref[...] = _elu(dv * (mq_ref[0] + mq_ref[1] + y2_ref[...]) + b_ref[...])


_row = pl.BlockSpec((BM, D), lambda i: (i, 0))
_full = pl.BlockSpec((D, D), lambda i: (0, 0))
_dgt = pl.BlockSpec((BM, 2), lambda i: (i, 0))
_bias = pl.BlockSpec((1, D), lambda i: (0, 0))
_part = pl.BlockSpec((NC, BM, D), lambda i: (0, i, 0))
_osd = jax.ShapeDtypeStruct((N, D), jnp.float32)

_tca = pl.pallas_call(_tca_body, grid=(N // BM,), out_shape=_osd,
                      in_specs=[_row, _full, _dgt], out_specs=_row)
_tcb = pl.pallas_call(_tcb_body, grid=(N // BM,), out_shape=_osd,
                      in_specs=[_part, _row, _dgt, _bias, _full], out_specs=_row)
_tcc = pl.pallas_call(_tcc_body, grid=(N // BM,), out_shape=_osd,
                      in_specs=[_part, _row, _dgt, _bias], out_specs=_row)



def kernel(x, edge_index, W1, b1, W2, b2):
    src = edge_index[0].astype(jnp.int32)
    dst = edge_index[1].astype(jnp.int32)
    src_w = jnp.concatenate(
        [src, jnp.zeros((EP - E,), jnp.int32)]).reshape(NW, CH, CHUNK)
    dst_w = jnp.concatenate(
        [dst, jnp.full((EP - E,), TRASH, jnp.int32)]).reshape(NW, CH, CHUNK)
    src_f = src_w.reshape(NCH, CHUNK)
    dst_f = dst_w.reshape(NCH, CHUNK)
    zeros1 = jnp.zeros((STRIPE,), jnp.float32)
    zeros2 = jnp.zeros((CHUNK, D), jnp.float32)
    b1r = b1.reshape(1, D)
    b2r = b2.reshape(1, D)

    degp = _deg_kernel(dst_w, zeros1)
    degp_t = degp.reshape(NC, NPAD).T

    src_h2 = src_f.reshape(NCH * 2, CHUNK // 2)

    y1 = _tca(x, W1, degp_t)
    mp = _msg_kernel(y1, src_h2, src_f, dst_f, zeros2)
    y2 = _tcb(mp, y1, degp_t, b1r, W2)
    mq = _msg_kernel(y2, src_h2, src_f, dst_f, zeros2)
    return _tcc(mq, y2, degp_t, b2r)

# --- scband reference (transcript-rebuilt; emitter-appended) ---
"""Pipeline reference for scband-congress-gcn-83665962926170 (READ-ONLY COPY).

The authoritative reference and input builder live on the scoring server;
editing this copy changes nothing except your own understanding.
"""

import jax, jax.numpy as jnp
import numpy as np

N_NODES = 10000
N_EDGES = 320000
IN_DIM = 128
HIDDEN_DIM = 128


def setup_inputs(seed: int = 0) -> dict:
    key = jax.random.key(seed)
    k1, k2, k3, k4, k5, k6 = jax.random.split(key, 6)
    x = jax.random.normal(k1, (N_NODES, IN_DIM), dtype=jnp.float32)
    edge_index = jax.random.randint(k2, (2, N_EDGES), 0, N_NODES, dtype=jnp.int64)
    s1 = 1.0 / np.sqrt(IN_DIM)
    s2 = 1.0 / np.sqrt(HIDDEN_DIM)
    W1 = jax.random.uniform(k3, (IN_DIM, HIDDEN_DIM), dtype=jnp.float32, minval=-s1, maxval=s1)
    b1 = jax.random.uniform(k4, (HIDDEN_DIM,), dtype=jnp.float32, minval=-s1, maxval=s1)
    W2 = jax.random.uniform(k5, (HIDDEN_DIM, HIDDEN_DIM), dtype=jnp.float32, minval=-s2, maxval=s2)
    b2 = jax.random.uniform(k6, (HIDDEN_DIM,), dtype=jnp.float32, minval=-s2, maxval=s2)
    return {"x": x, "edge_index": edge_index, "W1": W1, "b1": b1, "W2": W2, "b2": b2}


def _gcn_conv(x, src, dst, W, b):
    # PyG-style GCNConv: D^{-1/2} (A + I) D^{-1/2} X W + b
    n = x.shape[0]
    loop = jnp.arange(n, dtype=src.dtype)
    s = jnp.concatenate([src, loop])
    d = jnp.concatenate([dst, loop])
    deg = jnp.zeros((n,), dtype=jnp.float32).at[d].add(1.0)
    dinv = jnp.where(deg > 0, jax.lax.rsqrt(deg), 0.0)
    norm = dinv[s] * dinv[d]
    xw = x @ W
    msg = xw[s] * norm[:, None]
    out = jnp.zeros((n, W.shape[1]), dtype=jnp.float32).at[d].add(msg)
    return out + b


def reference(x, edge_index, W1, b1, W2, b2):
    src = edge_index[0]
    dst = edge_index[1]
    h = jax.nn.elu(_gcn_conv(x, src, dst, W1, b1))
    # dropout is identity in eval mode
    h = jax.nn.elu(_gcn_conv(h, src, dst, W2, b2))
    return h

if __name__ == "__main__":
    import jax
    _d = setup_inputs()
    print(jax.jit(kernel)(*tuple(_d.values())))

</pallas_src>

<mosaic_0001>
#map = affine_map<(d0, d1) -> (0, 0, 0)>
#map1 = affine_map<(d0, d1) -> (0)>
module attributes {stable_mosaic.version = 14 : i64} {
  func.func @_deg_kernel(%arg0: i32, %arg1: i32, %arg2: memref<32x80x128xi32, #tpu.memory_space<hbm>>, %arg3: memref<640xf32, #tpu.memory_space<hbm>>, %arg4: memref<20480xf32, #tpu.memory_space<hbm>>, %arg5: memref<80x128xi32, #tpu.memory_space<vmem>>, %arg6: memref<128xf32, #tpu.memory_space<vmem>>, %arg7: memref<640xf32, #tpu.memory_space<vmem>>, %arg8: memref<10240xf32, #tpu.memory_space<vmem_shared>>) attributes {dimension_semantics = [#tpu.dimension_semantics<core_parallel>, #tpu.dimension_semantics<subcore_parallel>], iteration_bounds = array<i64: 2, 16>, scalar_prefetch = 0 : i64, scratch_operands = 4 : i64, tpu.core_type = #tpu.core_type<sc_vector_subcore>, window_params = [{transform_indices = #map}, {transform_indices = #map1}, {transform_indices = #map1}]} {
    %mul3A = arith.constant 2 : i32
    %mul3A_0 = arith.muli %arg1, %mul3A : i32
    %add3A = arith.addi %mul3A_0, %arg0 : i32
    %broadcast_in_dim3A = arith.constant 1.000000e+00 : f32
    %broadcast_in_dim3A_1 = vector.broadcast %broadcast_in_dim3A : f32 to vector<16xf32>
    %swap3A = arith.constant 0 : index
    %swap3A_2 = tpu.vector_load %arg6[%swap3A] {strides = array<i32>} : memref<128xf32, #tpu.memory_space<vmem>>, vector<16xf32>,
    %swap3A_3 = vector.shape_cast %swap3A_2 : vector<16xf32> to vector<16xf32>
    %swap3A_4 = vector.shape_cast %broadcast_in_dim3A_1 : vector<16xf32> to vector<16xf32>
    tpu.vector_store %arg6[%swap3A], %swap3A_4 {strides = array<i32>} : memref<128xf32, #tpu.memory_space<vmem>>, vector<16xf32>,
    %broadcast_in_dim3A_5 = arith.constant 1.000000e+00 : f32
    %broadcast_in_dim3A_6 = vector.broadcast %broadcast_in_dim3A_5 : f32 to vector<16xf32>
    %swap3A_7 = arith.constant 16 : index
    %swap3A_8 = tpu.vector_load %arg6[%swap3A_7] {strides = array<i32>} : memref<128xf32, #tpu.memory_space<vmem>>, vector<16xf32>,
    %swap3A_9 = vector.shape_cast %swap3A_8 : vector<16xf32> to vector<16xf32>
    %swap3A_10 = vector.shape_cast %broadcast_in_dim3A_6 : vector<16xf32> to vector<16xf32>
    tpu.vector_store %arg6[%swap3A_7], %swap3A_10 {strides = array<i32>} : memref<128xf32, #tpu.memory_space<vmem>>, vector<16xf32>,
    %broadcast_in_dim3A_11 = arith.constant 1.000000e+00 : f32
    %broadcast_in_dim3A_12 = vector.broadcast %broadcast_in_dim3A_11 : f32 to vector<16xf32>
    %swap3A_13 = arith.constant 32 : index
    %swap3A_14 = tpu.vector_load %arg6[%swap3A_13] {strides = array<i32>} : memref<128xf32, #tpu.memory_space<vmem>>, vector<16xf32>,
    %swap3A_15 = vector.shape_cast %swap3A_14 : vector<16xf32> to vector<16xf32>
    %swap3A_16 = vector.shape_cast %broadcast_in_dim3A_12 : vector<16xf32> to vector<16xf32>
    tpu.vector_store %arg6[%swap3A_13], %swap3A_16 {strides = array<i32>} : memref<128xf32, #tpu.memory_space<vmem>>, vector<16xf32>,
    %broadcast_in_dim3A_17 = arith.constant 1.000000e+00 : f32
    %broadcast_in_dim3A_18 = vector.broadcast %broadcast_in_dim3A_17 : f32 to vector<16xf32>
    %swap3A_19 = arith.constant 48 : index
    %swap3A_20 = tpu.vector_load %arg6[%swap3A_19] {strides = array<i32>} : memref<128xf32, #tpu.memory_space<vmem>>, vector<16xf32>,
    %swap3A_21 = vector.shape_cast %swap3A_20 : vector<16xf32> to vector<16xf32>
    %swap3A_22 = vector.shape_cast %broadcast_in_dim3A_18 : vector<16xf32> to vector<16xf32>
    tpu.vector_store %arg6[%swap3A_19], %swap3A_22 {strides = array<i32>} : memref<128xf32, #tpu.memory_space<vmem>>, vector<16xf32>,
    %broadcast_in_dim3A_23 = arith.constant 1.000000e+00 : f32
    %broadcast_in_dim3A_24 = vector.broadcast %broadcast_in_dim3A_23 : f32 to vector<16xf32>
    %swap3A_25 = arith.constant 64 : index
    %swap3A_26 = tpu.vector_load %arg6[%swap3A_25] {strides = array<i32>} : memref<128xf32, #tpu.memory_space<vmem>>, vector<16xf32>,
    %swap3A_27 = vector.shape_cast %swap3A_26 : vector<16xf32> to vector<16xf32>
    %swap3A_28 = vector.shape_cast %broadcast_in_dim3A_24 : vector<16xf32> to vector<16xf32>
    tpu.vector_store %arg6[%swap3A_25], %swap3A_28 {strides = array<i32>} : memref<128xf32, #tpu.memory_space<vmem>>, vector<16xf32>,
    %broadcast_in_dim3A_29 = arith.constant 1.000000e+00 : f32
    %broadcast_in_dim3A_30 = vector.broadcast %broadcast_in_dim3A_29 : f32 to vector<16xf32>
    %swap3A_31 = arith.constant 80 : index
    %swap3A_32 = tpu.vector_load %arg6[%swap3A_31] {strides = array<i32>} : memref<128xf32, #tpu.memory_space<vmem>>, vector<16xf32>,
    %swap3A_33 = vector.shape_cast %swap3A_32 : vector<16xf32> to vector<16xf32>
    %swap3A_34 = vector.shape_cast %broadcast_in_dim3A_30 : vector<16xf32> to vector<16xf32>
    tpu.vector_store %arg6[%swap3A_31], %swap3A_34 {strides = array<i32>} : memref<128xf32, #tpu.memory_space<vmem>>, vector<16xf32>,
    %broadcast_in_dim3A_35 = arith.constant 1.000000e+00 : f32
    %broadcast_in_dim3A_36 = vector.broadcast %broadcast_in_dim3A_35 : f32 to vector<16xf32>
    %swap3A_37 = arith.constant 96 : index
    %swap3A_38 = tpu.vector_load %arg6[%swap3A_37] {strides = array<i32>} : memref<128xf32, #tpu.memory_space<vmem>>, vector<16xf32>,
    %swap3A_39 = vector.shape_cast %swap3A_38 : vector<16xf32> to vector<16xf32>
    %swap3A_40 = vector.shape_cast %broadcast_in_dim3A_36 : vector<16xf32> to vector<16xf32>
    tpu.vector_store %arg6[%swap3A_37], %swap3A_40 {strides = array<i32>} : memref<128xf32, #tpu.memory_space<vmem>>, vector<16xf32>,
    %broadcast_in_dim3A_41 = arith.constant 1.000000e+00 : f32
    %broadcast_in_dim3A_42 = vector.broadcast %broadcast_in_dim3A_41 : f32 to vector<16xf32>
    %swap3A_43 = arith.constant 112 : index
    %swap3A_44 = tpu.vector_load %arg6[%swap3A_43] {strides = array<i32>} : memref<128xf32, #tpu.memory_space<vmem>>, vector<16xf32>,
    %swap3A_45 = vector.shape_cast %swap3A_44 : vector<16xf32> to vector<16xf32>
    %swap3A_46 = vector.shape_cast %broadcast_in_dim3A_42 : vector<16xf32> to vector<16xf32>
    tpu.vector_store %arg6[%swap3A_43], %swap3A_46 {strides = array<i32>} : memref<128xf32, #tpu.memory_space<vmem>>, vector<16xf32>,
    "tpu.region"() ({
      %run_scoped3A = tpu.sem_alloc : memref<!tpu.dma_semaphore, #tpu.memory_space<semaphore_mem>>
      tpu.enqueue_dma source(%arg3 : memref<640xf32, #tpu.memory_space<hbm>>) target(%arg7 : memref<640xf32, #tpu.memory_space<vmem>>) target_semaphore(%run_scoped3A : memref<!tpu.dma_semaphore, #tpu.memory_space<semaphore_mem>>)
      tpu.wait_dma2 semaphore(%run_scoped3A : memref<!tpu.dma_semaphore, #tpu.memory_space<semaphore_mem>>) src(%arg3 : memref<640xf32, #tpu.memory_space<hbm>>) dst(%arg7 : memref<640xf32, #tpu.memory_space<vmem>>)
      tpu.yield
    }) : () -> ()
    %mul3A_47 = arith.constant 640 : i32
    %mul3A_48 = arith.muli %arg1, %mul3A_47 : i32
    "tpu.region"() ({
      %run_scoped3A = tpu.sem_alloc : memref<!tpu.dma_semaphore, #tpu.memory_space<semaphore_mem>>
      %dma_start3A = tpu.memref_slice %arg8[%mul3A_48] : memref<10240xf32, #tpu.memory_space<vmem_shared>> -> memref<640xf32, #tpu.memory_space<vmem_shared>>
      %dma_start3A_62 = tpu.memref_slice %arg8[%mul3A_48] : memref<10240xf32, #tpu.memory_space<vmem_shared>> -> memref<640xf32, #tpu.memory_space<vmem_shared>>
      tpu.enqueue_dma source(%arg7 : memref<640xf32, #tpu.memory_space<vmem>>) target(%dma_start3A_62 : memref<640xf32, #tpu.memory_space<vmem_shared>>) target_semaphore(%run_scoped3A : memref<!tpu.dma_semaphore, #tpu.memory_space<semaphore_mem>>)
      %dma_wait3A = tpu.memref_slice %arg8[%mul3A_48] : memref<10240xf32, #tpu.memory_space<vmem_shared>> -> memref<640xf32, #tpu.memory_space<vmem_shared>>
      %dma_wait3A_63 = tpu.memref_slice %arg8[%mul3A_48] : memref<10240xf32, #tpu.memory_space<vmem_shared>> -> memref<640xf32, #tpu.memory_space<vmem_shared>>
      tpu.wait_dma2 semaphore(%run_scoped3A : memref<!tpu.dma_semaphore, #tpu.memory_space<semaphore_mem>>) src(%arg7 : memref<640xf32, #tpu.memory_space<vmem>>) dst(%dma_wait3A_63 : memref<640xf32, #tpu.memory_space<vmem_shared>>)
      tpu.yield
    }) : () -> ()
    %barrier3A = arith.constant 0 : index
    tpu.barrier barrier_id(%barrier3A)
    "tpu.region"() ({
      %run_scoped3A = tpu.sem_alloc : memref<!tpu.dma_semaphore, #tpu.memory_space<semaphore_mem>>
      %dma_start3A = arith.constant 0 : i32
      %dma_start3A_62 = arith.constant 0 : i32
      %dma_start3A_63 = tpu.memref_slice %arg2[%add3A, %dma_start3A, %dma_start3A_62] : memref<32x80x128xi32, #tpu.memory_space<hbm>> -> memref<1x80x128xi32, #tpu.memory_space<hbm>>
      %dma_start3A_64 = tpu.memref_squeeze %dma_start3A_63 : memref<1x80x128xi32, #tpu.memory_space<hbm>> -> memref<80x128xi32, #tpu.memory_space<hbm>>
      %dma_start3A_65 = arith.constant 0 : i32
      %dma_start3A_66 = arith.constant 0 : i32
      %dma_start3A_67 = tpu.memref_slice %arg2[%add3A, %dma_start3A_65, %dma_start3A_66] : memref<32x80x128xi32, #tpu.memory_space<hbm>> -> memref<1x80x128xi32, #tpu.memory_space<hbm>>
      %dma_start3A_68 = tpu.memref_squeeze %dma_start3A_67 : memref<1x80x128xi32, #tpu.memory_space<hbm>> -> memref<80x128xi32, #tpu.memory_space<hbm>>
      tpu.enqueue_dma source(%dma_start3A_68 : memref<80x128xi32, #tpu.memory_space<hbm>>) target(%arg5 : memref<80x128xi32, #tpu.memory_space<vmem>>) target_semaphore(%run_scoped3A : memref<!tpu.dma_semaphore, #tpu.memory_space<semaphore_mem>>)
      %dma_wait3A = arith.constant 0 : i32
      %dma_wait3A_69 = arith.constant 0 : i32
      %dma_wait3A_70 = tpu.memref_slice %arg2[%add3A, %dma_wait3A, %dma_wait3A_69] : memref<32x80x128xi32, #tpu.memory_space<hbm>> -> memref<1x80x128xi32, #tpu.memory_space<hbm>>
      %dma_wait3A_71 = tpu.memref_squeeze %dma_wait3A_70 : memref<1x80x128xi32, #tpu.memory_space<hbm>> -> memref<80x128xi32, #tpu.memory_space<hbm>>
      %dma_wait3A_72 = arith.constant 0 : i32
      %dma_wait3A_73 = arith.constant 0 : i32
      %dma_wait3A_74 = tpu.memref_slice %arg2[%add3A, %dma_wait3A_72, %dma_wait3A_73] : memref<32x80x128xi32, #tpu.memory_space<hbm>> -> memref<1x80x128xi32, #tpu.memory_space<hbm>>
      %dma_wait3A_75 = tpu.memref_squeeze %dma_wait3A_74 : memref<1x80x128xi32, #tpu.memory_space<hbm>> -> memref<80x128xi32, #tpu.memory_space<hbm>>
      tpu.wait_dma2 semaphore(%run_scoped3A : memref<!tpu.dma_semaphore, #tpu.memory_space<semaphore_mem>>) src(%dma_wait3A_75 : memref<80x128xi32, #tpu.memory_space<hbm>>) dst(%arg5 : memref<80x128xi32, #tpu.memory_space<vmem>>)
      tpu.yield
    }) : () -> ()
    %scan3A = arith.constant 0 : i32
    %scan3A_49 = arith.constant 0 : i32
    %scan3A_50 = arith.constant 80 : i32
    %scan3A_51 = arith.addi %scan3A_49, %scan3A_50 : i32
    %scan3A_52 = arith.constant 1 : i32
    scf.for %scan3A_62 = %scan3A_49 to %scan3A_51 step %scan3A_52  : i32 {
      "tpu.region"() ({
        %run_scoped3A = tpu.sem_alloc : memref<!tpu.dma_semaphore, #tpu.memory_space<semaphore_mem>>
        %dma_start3A = arith.constant 0 : i32
        %dma_start3A_63 = tpu.memref_slice %arg5[%scan3A_62, %dma_start3A] : memref<80x128xi32, #tpu.memory_space<vmem>> -> memref<1x128xi32, #tpu.memory_space<vmem>>
        %dma_start3A_64 = tpu.memref_squeeze %dma_start3A_63 : memref<1x128xi32, #tpu.memory_space<vmem>> -> memref<128xi32, #tpu.memory_space<vmem>>
        %dma_start3A_65 = arith.constant 0 : i32
        %dma_start3A_66 = tpu.memref_slice %arg8[%dma_start3A_65] : memref<10240xf32, #tpu.memory_space<vmem_shared>> -> memref<10240xf32, #tpu.memory_space<vmem_shared>>
        tpu.enqueue_indirect_dma source(%arg6 : memref<128xf32, #tpu.memory_space<vmem>>) target(%dma_start3A_66 : memref<10240xf32, #tpu.memory_space<vmem_shared>>) offsets(%dma_start3A_64 : memref<128xi32, #tpu.memory_space<vmem>>) semaphore(%run_scoped3A : memref<!tpu.dma_semaphore, #tpu.memory_space<semaphore_mem>>) {add = true}
        %dma_wait3A = arith.constant 0 : i32
        %dma_wait3A_67 = tpu.memref_slice %arg5[%scan3A_62, %dma_wait3A] : memref<80x128xi32, #tpu.memory_space<vmem>> -> memref<1x128xi32, #tpu.memory_space<vmem>>
        %dma_wait3A_68 = tpu.memref_squeeze %dma_wait3A_67 : memref<1x128xi32, #tpu.memory_space<vmem>> -> memref<128xi32, #tpu.memory_space<vmem>>
        %dma_wait3A_69 = arith.constant 0 : i32
        %dma_wait3A_70 = tpu.memref_slice %arg8[%dma_wait3A_69] : memref<10240xf32, #tpu.memory_space<vmem_shared>> -> memref<10240xf32, #tpu.memory_space<vmem_shared>>
        tpu.wait_indirect_dma semaphore(%run_scoped3A : memref<!tpu.dma_semaphore, #tpu.memory_space<semaphore_mem>>) src(%arg6 : memref<128xf32, #tpu.memory_space<vmem>>) dst(%dma_wait3A_70 : memref<10240xf32, #tpu.memory_space<vmem_shared>>)
        tpu.yield
      }) : () -> ()
    }
    %scan3A_53 = arith.constant 80 : i32
    %barrier3A_54 = arith.constant 0 : index
    tpu.barrier barrier_id(%barrier3A_54)
    %mul3A_55 = arith.constant 640 : i32
    %mul3A_56 = arith.muli %arg1, %mul3A_55 : i32
    "tpu.region"() ({
      %run_scoped3A = tpu.sem_alloc : memref<!tpu.dma_semaphore, #tpu.memory_space<semaphore_mem>>
      %dma_start3A = tpu.memref_slice %arg8[%mul3A_56] : memref<10240xf32, #tpu.memory_space<vmem_shared>> -> memref<640xf32, #tpu.memory_space<vmem_shared>>
      %dma_start3A_62 = tpu.memref_slice %arg8[%mul3A_56] : memref<10240xf32, #tpu.memory_space<vmem_shared>> -> memref<640xf32, #tpu.memory_space<vmem_shared>>
      tpu.enqueue_dma source(%dma_start3A_62 : memref<640xf32, #tpu.memory_space<vmem_shared>>) target(%arg7 : memref<640xf32, #tpu.memory_space<vmem>>) target_semaphore(%run_scoped3A : memref<!tpu.dma_semaphore, #tpu.memory_space<semaphore_mem>>)
      %dma_wait3A = tpu.memref_slice %arg8[%mul3A_56] : memref<10240xf32, #tpu.memory_space<vmem_shared>> -> memref<640xf32, #tpu.memory_space<vmem_shared>>
      %dma_wait3A_63 = tpu.memref_slice %arg8[%mul3A_56] : memref<10240xf32, #tpu.memory_space<vmem_shared>> -> memref<640xf32, #tpu.memory_space<vmem_shared>>
      tpu.wait_dma2 semaphore(%run_scoped3A : memref<!tpu.dma_semaphore, #tpu.memory_space<semaphore_mem>>) src(%dma_wait3A_63 : memref<640xf32, #tpu.memory_space<vmem_shared>>) dst(%arg7 : memref<640xf32, #tpu.memory_space<vmem>>)
      tpu.yield
    }) : () -> ()
    %mul3A_57 = arith.constant 10240 : i32
    %mul3A_58 = arith.muli %arg0, %mul3A_57 : i32
    %mul3A_59 = arith.constant 640 : i32
    %mul3A_60 = arith.muli %arg1, %mul3A_59 : i32
    %add3A_61 = arith.addi %mul3A_58, %mul3A_60 : i32
    "tpu.region"() ({
      %run_scoped3A = tpu.sem_alloc : memref<!tpu.dma_semaphore, #tpu.memory_space<semaphore_mem>>
      %dma_start3A = tpu.memref_slice %arg4[%add3A_61] : memref<20480xf32, #tpu.memory_space<hbm>> -> memref<640xf32, #tpu.memory_space<hbm>>
      %dma_start3A_62 = tpu.memref_slice %arg4[%add3A_61] : memref<20480xf32, #tpu.memory_space<hbm>> -> memref<640xf32, #tpu.memory_space<hbm>>
      tpu.enqueue_dma source(%arg7 : memref<640xf32, #tpu.memory_space<vmem>>) target(%dma_start3A_62 : memref<640xf32, #tpu.memory_space<hbm>>) target_semaphore(%run_scoped3A : memref<!tpu.dma_semaphore, #tpu.memory_space<semaphore_mem>>)
      %dma_wait3A = tpu.memref_slice %arg4[%add3A_61] : memref<20480xf32, #tpu.memory_space<hbm>> -> memref<640xf32, #tpu.memory_space<hbm>>
      %dma_wait3A_63 = tpu.memref_slice %arg4[%add3A_61] : memref<20480xf32, #tpu.memory_space<hbm>> -> memref<640xf32, #tpu.memory_space<hbm>>
      tpu.wait_dma2 semaphore(%run_scoped3A : memref<!tpu.dma_semaphore, #tpu.memory_space<semaphore_mem>>) src(%arg7 : memref<640xf32, #tpu.memory_space<vmem>>) dst(%dma_wait3A_63 : memref<640xf32, #tpu.memory_space<hbm>>)
      tpu.yield
    }) : () -> ()
    return
  }
}

#map = affine_map<(d0, d1) -> (0, 0)>
#map1 = affine_map<(d0, d1) -> (0, 0, 0)>
module attributes {stable_mosaic.version = 14 : i64} {
  func.func @_msg_kernel(%arg0: i32, %arg1: i32, %arg2: memref<10000x128xf32, #tpu.memory_space<hbm>>, %arg3: memref<5120x64xi32, #tpu.memory_space<hbm>>, %arg4: memref<2560x128xi32, #tpu.memory_space<hbm>>, %arg5: memref<2560x128xi32, #tpu.memory_space<hbm>>, %arg6: memref<128x128xf32, #tpu.memory_space<hbm>>, %arg7: memref<2x10240x128xf32, #tpu.memory_space<hbm>>, %arg8: memref<32x64xi32, #tpu.memory_space<vmem>>, %arg9: memref<16x128xi32, #tpu.memory_space<vmem>>, %arg10: memref<128x128xf32, #tpu.memory_space<vmem>>, %arg11: memref<128x128xf32, #tpu.memory_space<vmem>>, %arg12: memref<10240x128xf32, #tpu.memory_space<vmem_shared>>, %arg13: memref<!tpu.dma_semaphore, #tpu.memory_space<semaphore_mem>>, %arg14: memref<!tpu.dma_semaphore, #tpu.memory_space<semaphore_mem>>, %arg15: memref<!tpu.dma_semaphore, #tpu.memory_space<semaphore_mem>>, %arg16: memref<!tpu.dma_semaphore, #tpu.memory_space<semaphore_mem>>) attributes {dimension_semantics = [#tpu.dimension_semantics<core_parallel>, #tpu.dimension_semantics<subcore_parallel>], iteration_bounds = array<i64: 2, 16>, scalar_prefetch = 0 : i64, scratch_operands = 9 : i64, tpu.core_type = #tpu.core_type<sc_vector_subcore>, window_params = [{transform_indices = #map}, {transform_indices = #map}, {transform_indices = #map}, {transform_indices = #map}, {transform_indices = #map}, {transform_indices = #map1}]} {
    "tpu.region"() ({
      %run_scoped3A = tpu.sem_alloc : memref<!tpu.dma_semaphore, #tpu.memory_space<semaphore_mem>>
      tpu.enqueue_dma source(%arg6 : memref<128x128xf32, #tpu.memory_space<hbm>>) target(%arg10 : memref<128x128xf32, #tpu.memory_space<vmem>>) target_semaphore(%run_scoped3A : memref<!tpu.dma_semaphore, #tpu.memory_space<semaphore_mem>>)
      tpu.wait_dma2 semaphore(%run_scoped3A : memref<!tpu.dma_semaphore, #tpu.memory_space<semaphore_mem>>) src(%arg6 : memref<128x128xf32, #tpu.memory_space<hbm>>) dst(%arg10 : memref<128x128xf32, #tpu.memory_space<vmem>>)
      tpu.yield
    }) : () -> ()
    %scan3A = arith.constant 0 : i32
    %scan3A_0 = arith.constant 0 : i32
    %scan3A_1 = arith.constant 5 : i32
    %scan3A_2 = arith.addi %scan3A_0, %scan3A_1 : i32
    %scan3A_3 = arith.constant 1 : i32
    scf.for %scan3A_30 = %scan3A_0 to %scan3A_2 step %scan3A_3  : i32 {
      %mul3A_31 = arith.constant 640 : i32
      %mul3A_32 = arith.muli %arg1, %mul3A_31 : i32
      %mul3A_33 = arith.constant 128 : i32
      %mul3A_34 = arith.muli %scan3A_30, %mul3A_33 : i32
      %add3A_35 = arith.addi %mul3A_32, %mul3A_34 : i32
      "tpu.region"() ({
        %run_scoped3A = tpu.sem_alloc : memref<!tpu.dma_semaphore, #tpu.memory_space<semaphore_mem>>
        %dma_start3A = arith.constant 0 : i32
        %dma_start3A_36 = tpu.memref_slice %arg12[%add3A_35, %dma_start3A] : memref<10240x128xf32, #tpu.memory_space<vmem_shared>> -> memref<128x128xf32, #tpu.memory_space<vmem_shared>>
        %dma_start3A_37 = arith.constant 0 : i32
        %dma_start3A_38 = tpu.memref_slice %arg12[%add3A_35, %dma_start3A_37] : memref<10240x128xf32, #tpu.memory_space<vmem_shared>> -> memref<128x128xf32, #tpu.memory_space<vmem_shared>>
        tpu.enqueue_dma source(%arg10 : memref<128x128xf32, #tpu.memory_space<vmem>>) target(%dma_start3A_38 : memref<128x128xf32, #tpu.memory_space<vmem_shared>>) target_semaphore(%run_scoped3A : memref<!tpu.dma_semaphore, #tpu.memory_space<semaphore_mem>>)
        %dma_wait3A = arith.constant 0 : i32
        %dma_wait3A_39 = tpu.memref_slice %arg12[%add3A_35, %dma_wait3A] : memref<10240x128xf32, #tpu.memory_space<vmem_shared>> -> memref<128x128xf32, #tpu.memory_space<vmem_shared>>
        %dma_wait3A_40 = arith.constant 0 : i32
        %dma_wait3A_41 = tpu.memref_slice %arg12[%add3A_35, %dma_wait3A_40] : memref<10240x128xf32, #tpu.memory_space<vmem_shared>> -> memref<128x128xf32, #tpu.memory_space<vmem_shared>>
        tpu.wait_dma2 semaphore(%run_scoped3A : memref<!tpu.dma_semaphore, #tpu.memory_space<semaphore_mem>>) src(%arg10 : memref<128x128xf32, #tpu.memory_space<vmem>>) dst(%dma_wait3A_41 : memref<128x128xf32, #tpu.memory_space<vmem_shared>>)
        tpu.yield
      }) : () -> ()
    }
    %scan3A_4 = arith.constant 5 : i32
    %barrier3A = arith.constant 0 : index
    tpu.barrier barrier_id(%barrier3A)
    %eq3A = arith.constant 0 : i32
    %eq3A_5 = arith.cmpi eq, %arg0, %eq3A : i32
    %mul3A = arith.constant 144 : i32
    %mul3A_6 = arith.muli %arg1, %mul3A : i32
    %mul3A_7 = arith.constant 16 : i32
    %mul3A_8 = arith.muli %arg1, %mul3A_7 : i32
    %add3A = arith.constant 2304 : i32
    %add3A_9 = arith.addi %add3A, %mul3A_8 : i32
    %select_n3A = arith.select %eq3A_5, %mul3A_6, %add3A_9 : i32
    %eq3A_10 = arith.constant 0 : i32
    %eq3A_11 = arith.cmpi eq, %arg0, %eq3A_10 : i32
    %jit3A = arith.constant 9 : i32
    %jit3A_12 = arith.constant 1 : i32
    %select_n3A_13 = arith.select %eq3A_11, %jit3A, %jit3A_12 : i32
    %while3A = arith.constant 0 : i32
    %while3A_14 = arith.constant 0 : i32
    %while3A_15 = arith.subi %select_n3A_13, %while3A_14 : i32
    %while3A_16 = arith.addi %while3A_14, %while3A_15 : i32
    %while3A_17 = arith.constant 1 : i32
    %while3A_18 = arith.divsi %while3A_15, %while3A_17 : i32
    %while3A_19 = arith.muli %while3A_18, %while3A_17 : i32
    %while3A_20 = arith.addi %while3A_14, %while3A_19 : i32
    %while3A_21 = arith.constant 1 : i32
    scf.for %while3A_30 = %while3A_14 to %while3A_20 step %while3A_21  : i32 {
      %mul3A_31 = arith.constant 16 : i32
      %mul3A_32 = arith.muli %while3A_30, %mul3A_31 : i32
      %add3A_33 = arith.addi %select_n3A, %mul3A_32 : i32
      %mul3A_34 = arith.constant 2 : i32
      %mul3A_35 = arith.muli %mul3A_34, %add3A_33 : i32
      "tpu.region"() ({
        %run_scoped3A = tpu.sem_alloc : memref<!tpu.dma_semaphore, #tpu.memory_space<semaphore_mem>>
        %dma_start3A_64 = arith.constant 0 : i32
        %dma_start3A_65 = tpu.memref_slice %arg3[%mul3A_35, %dma_start3A_64] : memref<5120x64xi32, #tpu.memory_space<hbm>> -> memref<32x64xi32, #tpu.memory_space<hbm>>
        %dma_start3A_66 = arith.constant 0 : i32
        %dma_start3A_67 = tpu.memref_slice %arg3[%mul3A_35, %dma_start3A_66] : memref<5120x64xi32, #tpu.memory_space<hbm>> -> memref<32x64xi32, #tpu.memory_space<hbm>>
        tpu.enqueue_dma source(%dma_start3A_67 : memref<32x64xi32, #tpu.memory_space<hbm>>) target(%arg8 : memref<32x64xi32, #tpu.memory_space<vmem>>) target_semaphore(%run_scoped3A : memref<!tpu.dma_semaphore, #tpu.memory_space<semaphore_mem>>)
        %dma_wait3A = arith.constant 0 : i32
        %dma_wait3A_68 = tpu.memref_slice %arg3[%mul3A_35, %dma_wait3A] : memref<5120x64xi32, #tpu.memory_space<hbm>> -> memref<32x64xi32, #tpu.memory_space<hbm>>
        %dma_wait3A_69 = arith.constant 0 : i32
        %dma_wait3A_70 = tpu.memref_slice %arg3[%mul3A_35, %dma_wait3A_69] : memref<5120x64xi32, #tpu.memory_space<hbm>> -> memref<32x64xi32, #tpu.memory_space<hbm>>
        tpu.wait_dma2 semaphore(%run_scoped3A : memref<!tpu.dma_semaphore, #tpu.memory_space<semaphore_mem>>) src(%dma_wait3A_70 : memref<32x64xi32, #tpu.memory_space<hbm>>) dst(%arg8 : memref<32x64xi32, #tpu.memory_space<vmem>>)
        tpu.yield
      }) : () -> ()
      %mul3A_36 = arith.constant 16 : i32
      %mul3A_37 = arith.muli %while3A_30, %mul3A_36 : i32
      %add3A_38 = arith.addi %select_n3A, %mul3A_37 : i32
      "tpu.region"() ({
        %run_scoped3A = tpu.sem_alloc : memref<!tpu.dma_semaphore, #tpu.memory_space<semaphore_mem>>
        %dma_start3A_64 = arith.constant 0 : i32
        %dma_start3A_65 = tpu.memref_slice %arg5[%add3A_38, %dma_start3A_64] : memref<2560x128xi32, #tpu.memory_space<hbm>> -> memref<16x128xi32, #tpu.memory_space<hbm>>
        %dma_start3A_66 = arith.constant 0 : i32
        %dma_start3A_67 = tpu.memref_slice %arg5[%add3A_38, %dma_start3A_66] : memref<2560x128xi32, #tpu.memory_space<hbm>> -> memref<16x128xi32, #tpu.memory_space<hbm>>
        tpu.enqueue_dma source(%dma_start3A_67 : memref<16x128xi32, #tpu.memory_space<hbm>>) target(%arg9 : memref<16x128xi32, #tpu.memory_space<vmem>>) target_semaphore(%run_scoped3A : memref<!tpu.dma_semaphore, #tpu.memory_space<semaphore_mem>>)
        %dma_wait3A = arith.constant 0 : i32
        %dma_wait3A_68 = tpu.memref_slice %arg5[%add3A_38, %dma_wait3A] : memref<2560x128xi32, #tpu.memory_space<hbm>> -> memref<16x128xi32, #tpu.memory_space<hbm>>
        %dma_wait3A_69 = arith.constant 0 : i32
        %dma_wait3A_70 = tpu.memref_slice %arg5[%add3A_38, %dma_wait3A_69] : memref<2560x128xi32, #tpu.memory_space<hbm>> -> memref<16x128xi32, #tpu.memory_space<hbm>>
        tpu.wait_dma2 semaphore(%run_scoped3A : memref<!tpu.dma_semaphore, #tpu.memory_space<semaphore_mem>>) src(%dma_wait3A_70 : memref<16x128xi32, #tpu.memory_space<hbm>>) dst(%arg9 : memref<16x128xi32, #tpu.memory_space<vmem>>)
        tpu.yield
      }) : () -> ()
      %dma_start3A = arith.constant 0 : i32
      %dma_start3A_39 = arith.constant 0 : i32
      %dma_start3A_40 = arith.constant 0 : i32
      %dma_start3A_41 = tpu.memref_slice %arg10[%dma_start3A_39, %dma_start3A_40] : memref<128x128xf32, #tpu.memory_space<vmem>> -> memref<64x128xf32, #tpu.memory_space<vmem>>
      %dma_start3A_42 = arith.constant 0 : i32
      %dma_start3A_43 = tpu.memref_slice %arg8[%dma_start3A, %dma_start3A_42] : memref<32x64xi32, #tpu.memory_space<vmem>> -> memref<1x64xi32, #tpu.memory_space<vmem>>
      %dma_start3A_44 = tpu.memref_squeeze %dma_start3A_43 : memref<1x64xi32, #tpu.memory_space<vmem>> -> memref<64xi32, #tpu.memory_space<vmem>>
      %dma_start3A_45 = arith.constant 0 : i32
      %dma_start3A_46 = arith.constant 0 : i32
      %dma_start3A_47 = tpu.memref_slice %arg2[%dma_start3A_45, %dma_start3A_46] : memref<10000x128xf32, #tpu.memory_space<hbm>> -> memref<10000x128xf32, #tpu.memory_space<hbm>>
      tpu.enqueue_indirect_dma source(%dma_start3A_47 : memref<10000x128xf32, #tpu.memory_space<hbm>>) target(%dma_start3A_41 : memref<64x128xf32, #tpu.memory_space<vmem>>) offsets(%dma_start3A_44 : memref<64xi32, #tpu.memory_space<vmem>>) semaphore(%arg13 : memref<!tpu.dma_semaphore, #tpu.memory_space<semaphore_mem>>)
      %dma_start3A_48 = arith.constant 1 : i32
      %dma_start3A_49 = arith.constant 64 : i32
      %dma_start3A_50 = arith.constant 0 : i32
      %dma_start3A_51 = tpu.memref_slice %arg10[%dma_start3A_49, %dma_start3A_50] : memref<128x128xf32, #tpu.memory_space<vmem>> -> memref<64x128xf32, #tpu.memory_space<vmem>>
      %dma_start3A_52 = arith.constant 0 : i32
      %dma_start3A_53 = tpu.memref_slice %arg8[%dma_start3A_48, %dma_start3A_52] : memref<32x64xi32, #tpu.memory_space<vmem>> -> memref<1x64xi32, #tpu.memory_space<vmem>>
      %dma_start3A_54 = tpu.memref_squeeze %dma_start3A_53 : memref<1x64xi32, #tpu.memory_space<vmem>> -> memref<64xi32, #tpu.memory_space<vmem>>
      %dma_start3A_55 = arith.constant 0 : i32
      %dma_start3A_56 = arith.constant 0 : i32
      %dma_start3A_57 = tpu.memref_slice %arg2[%dma_start3A_55, %dma_start3A_56] : memref<10000x128xf32, #tpu.memory_space<hbm>> -> memref<10000x128xf32, #tpu.memory_space<hbm>>
      tpu.enqueue_indirect_dma source(%dma_start3A_57 : memref<10000x128xf32, #tpu.memory_space<hbm>>) target(%dma_start3A_51 : memref<64x128xf32, #tpu.memory_space<vmem>>) offsets(%dma_start3A_54 : memref<64xi32, #tpu.memory_space<vmem>>) semaphore(%arg14 : memref<!tpu.dma_semaphore, #tpu.memory_space<semaphore_mem>>)
      %scan3A_58 = arith.constant 0 : i32
      %scan3A_59 = arith.constant 0 : i32
      %scan3A_60 = arith.constant 8 : i32
      %scan3A_61 = arith.addi %scan3A_59, %scan3A_60 : i32
      %scan3A_62 = arith.constant 1 : i32
      scf.for %scan3A_64 = %scan3A_59 to %scan3A_61 step %scan3A_62  : i32 {
        %mul3A_65 = arith.constant 2 : i32
        %mul3A_66 = arith.muli %mul3A_65, %scan3A_64 : i32
        %add3A_67 = arith.constant 1 : i32
        %add3A_68 = arith.addi %mul3A_66, %add3A_67 : i32
        %mul3A_69 = arith.constant 2 : i32
        %mul3A_70 = arith.muli %mul3A_69, %add3A_68 : i32
        %add3A_71 = arith.constant 0 : i32
        %add3A_72 = arith.addi %mul3A_70, %add3A_71 : i32
        %dma_start3A_73 = arith.constant 0 : i32
        %dma_start3A_74 = arith.constant 0 : i32
        %dma_start3A_75 = tpu.memref_slice %arg11[%dma_start3A_73, %dma_start3A_74] : memref<128x128xf32, #tpu.memory_space<vmem>> -> memref<64x128xf32, #tpu.memory_space<vmem>>
        %dma_start3A_76 = arith.constant 0 : i32
        %dma_start3A_77 = tpu.memref_slice %arg8[%add3A_72, %dma_start3A_76] : memref<32x64xi32, #tpu.memory_space<vmem>> -> memref<1x64xi32, #tpu.memory_space<vmem>>
        %dma_start3A_78 = tpu.memref_squeeze %dma_start3A_77 : memref<1x64xi32, #tpu.memory_space<vmem>> -> memref<64xi32, #tpu.memory_space<vmem>>
        %dma_start3A_79 = arith.constant 0 : i32
        %dma_start3A_80 = arith.constant 0 : i32
        %dma_start3A_81 = tpu.memref_slice %arg2[%dma_start3A_79, %dma_start3A_80] : memref<10000x128xf32, #tpu.memory_space<hbm>> -> memref<10000x128xf32, #tpu.memory_space<hbm>>
        tpu.enqueue_indirect_dma source(%dma_start3A_81 : memref<10000x128xf32, #tpu.memory_space<hbm>>) target(%dma_start3A_75 : memref<64x128xf32, #tpu.memory_space<vmem>>) offsets(%dma_start3A_78 : memref<64xi32, #tpu.memory_space<vmem>>) semaphore(%arg15 : memref<!tpu.dma_semaphore, #tpu.memory_space<semaphore_mem>>)
        %mul3A_82 = arith.constant 2 : i32
        %mul3A_83 = arith.muli %mul3A_82, %add3A_68 : i32
        %add3A_84 = arith.constant 1 : i32
        %add3A_85 = arith.addi %mul3A_83, %add3A_84 : i32
        %dma_start3A_86 = arith.constant 64 : i32
        %dma_start3A_87 = arith.constant 0 : i32
        %dma_start3A_88 = tpu.memref_slice %arg11[%dma_start3A_86, %dma_start3A_87] : memref<128x128xf32, #tpu.memory_space<vmem>> -> memref<64x128xf32, #tpu.memory_space<vmem>>
        %dma_start3A_89 = arith.constant 0 : i32
        %dma_start3A_90 = tpu.memref_slice %arg8[%add3A_85, %dma_start3A_89] : memref<32x64xi32, #tpu.memory_space<vmem>> -> memref<1x64xi32, #tpu.memory_space<vmem>>
        %dma_start3A_91 = tpu.memref_squeeze %dma_start3A_90 : memref<1x64xi32, #tpu.memory_space<vmem>> -> memref<64xi32, #tpu.memory_space<vmem>>
        %dma_start3A_92 = arith.constant 0 : i32
        %dma_start3A_93 = arith.constant 0 : i32
        %dma_start3A_94 = tpu.memref_slice %arg2[%dma_start3A_92, %dma_start3A_93] : memref<10000x128xf32, #tpu.memory_space<hbm>> -> memref<10000x128xf32, #tpu.memory_space<hbm>>
        tpu.enqueue_indirect_dma source(%dma_start3A_94 : memref<10000x128xf32, #tpu.memory_space<hbm>>) target(%dma_start3A_88 : memref<64x128xf32, #tpu.memory_space<vmem>>) offsets(%dma_start3A_91 : memref<64xi32, #tpu.memory_space<vmem>>) semaphore(%arg16 : memref<!tpu.dma_semaphore, #tpu.memory_space<semaphore_mem>>)
        %mul3A_95 = arith.constant 2 : i32
        %mul3A_96 = arith.muli %mul3A_95, %mul3A_66 : i32
        %add3A_97 = arith.constant 0 : i32
        %add3A_98 = arith.addi %mul3A_96, %add3A_97 : i32
        %dma_wait3A = arith.constant 0 : i32
        %dma_wait3A_99 = arith.constant 0 : i32
        %dma_wait3A_100 = tpu.memref_slice %arg10[%dma_wait3A, %dma_wait3A_99] : memref<128x128xf32, #tpu.memory_space<vmem>> -> memref<64x128xf32, #tpu.memory_space<vmem>>
        %dma_wait3A_101 = arith.constant 0 : i32
        %dma_wait3A_102 = tpu.memref_slice %arg8[%add3A_98, %dma_wait3A_101] : memref<32x64xi32, #tpu.memory_space<vmem>> -> memref<1x64xi32, #tpu.memory_space<vmem>>
        %dma_wait3A_103 = tpu.memref_squeeze %dma_wait3A_102 : memref<1x64xi32, #tpu.memory_space<vmem>> -> memref<64xi32, #tpu.memory_space<vmem>>
        %dma_wait3A_104 = arith.constant 0 : i32
        %dma_wait3A_105 = arith.constant 0 : i32
        %dma_wait3A_106 = tpu.memref_slice %arg2[%dma_wait3A_104, %dma_wait3A_105] : memref<10000x128xf32, #tpu.memory_space<hbm>> -> memref<10000x128xf32, #tpu.memory_space<hbm>>
        tpu.wait_indirect_dma semaphore(%arg13 : memref<!tpu.dma_semaphore, #tpu.memory_space<semaphore_mem>>) src(%dma_wait3A_106 : memref<10000x128xf32, #tpu.memory_space<hbm>>) dst(%dma_wait3A_100 : memref<64x128xf32, #tpu.memory_space<vmem>>)
        %mul3A_107 = arith.constant 2 : i32
        %mul3A_108 = arith.muli %mul3A_107, %mul3A_66 : i32
        %add3A_109 = arith.constant 1 : i32
        %add3A_110 = arith.addi %mul3A_108, %add3A_109 : i32
        %dma_wait3A_111 = arith.constant 64 : i32
        %dma_wait3A_112 = arith.constant 0 : i32
        %dma_wait3A_113 = tpu.memref_slice %arg10[%dma_wait3A_111, %dma_wait3A_112] : memref<128x128xf32, #tpu.memory_space<vmem>> -> memref<64x128xf32, #tpu.memory_space<vmem>>
        %dma_wait3A_114 = arith.constant 0 : i32
        %dma_wait3A_115 = tpu.memref_slice %arg8[%add3A_110, %dma_wait3A_114] : memref<32x64xi32, #tpu.memory_space<vmem>> -> memref<1x64xi32, #tpu.memory_space<vmem>>
        %dma_wait3A_116 = tpu.memref_squeeze %dma_wait3A_115 : memref<1x64xi32, #tpu.memory_space<vmem>> -> memref<64xi32, #tpu.memory_space<vmem>>
        %dma_wait3A_117 = arith.constant 0 : i32
        %dma_wait3A_118 = arith.constant 0 : i32
        %dma_wait3A_119 = tpu.memref_slice %arg2[%dma_wait3A_117, %dma_wait3A_118] : memref<10000x128xf32, #tpu.memory_space<hbm>> -> memref<10000x128xf32, #tpu.memory_space<hbm>>
        tpu.wait_indirect_dma semaphore(%arg14 : memref<!tpu.dma_semaphore, #tpu.memory_space<semaphore_mem>>) src(%dma_wait3A_119 : memref<10000x128xf32, #tpu.memory_space<hbm>>) dst(%dma_wait3A_113 : memref<64x128xf32, #tpu.memory_space<vmem>>)
        "tpu.region"() ({
          %run_scoped3A = tpu.sem_alloc : memref<!tpu.dma_semaphore, #tpu.memory_space<semaphore_mem>>
          %dma_start3A_152 = arith.constant 0 : i32
          %dma_start3A_153 = tpu.memref_slice %arg9[%mul3A_66, %dma_start3A_152] : memref<16x128xi32, #tpu.memory_space<vmem>> -> memref<1x128xi32, #tpu.memory_space<vmem>>
          %dma_start3A_154 = tpu.memref_squeeze %dma_start3A_153 : memref<1x128xi32, #tpu.memory_space<vmem>> -> memref<128xi32, #tpu.memory_space<vmem>>
          %dma_start3A_155 = arith.constant 0 : i32
          %dma_start3A_156 = arith.constant 0 : i32
          %dma_start3A_157 = tpu.memref_slice %arg12[%dma_start3A_155, %dma_start3A_156] : memref<10240x128xf32, #tpu.memory_space<vmem_shared>> -> memref<10240x128xf32, #tpu.memory_space<vmem_shared>>
          tpu.enqueue_indirect_dma source(%arg10 : memref<128x128xf32, #tpu.memory_space<vmem>>) target(%dma_start3A_157 : memref<10240x128xf32, #tpu.memory_space<vmem_shared>>) offsets(%dma_start3A_154 : memref<128xi32, #tpu.memory_space<vmem>>) semaphore(%run_scoped3A : memref<!tpu.dma_semaphore, #tpu.memory_space<semaphore_mem>>) {add = true}
          %dma_wait3A_158 = arith.constant 0 : i32
          %dma_wait3A_159 = tpu.memref_slice %arg9[%mul3A_66, %dma_wait3A_158] : memref<16x128xi32, #tpu.memory_space<vmem>> -> memref<1x128xi32, #tpu.memory_space<vmem>>
          %dma_wait3A_160 = tpu.memref_squeeze %dma_wait3A_159 : memref<1x128xi32, #tpu.memory_space<vmem>> -> memref<128xi32, #tpu.memory_space<vmem>>
          %dma_wait3A_161 = arith.constant 0 : i32
          %dma_wait3A_162 = arith.constant 0 : i32
          %dma_wait3A_163 = tpu.memref_slice %arg12[%dma_wait3A_161, %dma_wait3A_162] : memref<10240x128xf32, #tpu.memory_space<vmem_shared>> -> memref<10240x128xf32, #tpu.memory_space<vmem_shared>>
          tpu.wait_indirect_dma semaphore(%run_scoped3A : memref<!tpu.dma_semaphore, #tpu.memory_space<semaphore_mem>>) src(%arg10 : memref<128x128xf32, #tpu.memory_space<vmem>>) dst(%dma_wait3A_163 : memref<10240x128xf32, #tpu.memory_space<vmem_shared>>)
          tpu.yield
        }) : () -> ()
        %lt3A = arith.constant 7 : i32
        %lt3A_120 = arith.cmpi slt, %scan3A_64, %lt3A : i32
        %convert_element_type3A = arith.extui %lt3A_120 : i1 to i32
        %cond3A = arith.constant 0 : i32
        %cond3A_121 = arith.cmpi ne, %convert_element_type3A, %cond3A : i32
        scf.if %cond3A_121 {
          %add3A_152 = arith.constant 2 : i32
          %add3A_153 = arith.addi %mul3A_66, %add3A_152 : i32
          %mul3A_154 = arith.constant 2 : i32
          %mul3A_155 = arith.muli %mul3A_154, %add3A_153 : i32
          %add3A_156 = arith.constant 0 : i32
          %add3A_157 = arith.addi %mul3A_155, %add3A_156 : i32
          %dma_start3A_158 = arith.constant 0 : i32
          %dma_start3A_159 = arith.constant 0 : i32
          %dma_start3A_160 = tpu.memref_slice %arg10[%dma_start3A_158, %dma_start3A_159] : memref<128x128xf32, #tpu.memory_space<vmem>> -> memref<64x128xf32, #tpu.memory_space<vmem>>
          %dma_start3A_161 = arith.constant 0 : i32
          %dma_start3A_162 = tpu.memref_slice %arg8[%add3A_157, %dma_start3A_161] : memref<32x64xi32, #tpu.memory_space<vmem>> -> memref<1x64xi32, #tpu.memory_space<vmem>>
          %dma_start3A_163 = tpu.memref_squeeze %dma_start3A_162 : memref<1x64xi32, #tpu.memory_space<vmem>> -> memref<64xi32, #tpu.memory_space<vmem>>
          %dma_start3A_164 = arith.constant 0 : i32
          %dma_start3A_165 = arith.constant 0 : i32
          %dma_start3A_166 = tpu.memref_slice %arg2[%dma_start3A_164, %dma_start3A_165] : memref<10000x128xf32, #tpu.memory_space<hbm>> -> memref<10000x128xf32, #tpu.memory_space<hbm>>
          tpu.enqueue_indirect_dma source(%dma_start3A_166 : memref<10000x128xf32, #tpu.memory_space<hbm>>) target(%dma_start3A_160 : memref<64x128xf32, #tpu.memory_space<vmem>>) offsets(%dma_start3A_163 : memref<64xi32, #tpu.memory_space<vmem>>) semaphore(%arg13 : memref<!tpu.dma_semaphore, #tpu.memory_space<semaphore_mem>>)
          %mul3A_167 = arith.constant 2 : i32
          %mul3A_168 = arith.muli %mul3A_167, %add3A_153 : i32
          %add3A_169 = arith.constant 1 : i32
          %add3A_170 = arith.addi %mul3A_168, %add3A_169 : i32
          %dma_start3A_171 = arith.constant 64 : i32
          %dma_start3A_172 = arith.constant 0 : i32
          %dma_start3A_173 = tpu.memref_slice %arg10[%dma_start3A_171, %dma_start3A_172] : memref<128x128xf32, #tpu.memory_space<vmem>> -> memref<64x128xf32, #tpu.memory_space<vmem>>
          %dma_start3A_174 = arith.constant 0 : i32
          %dma_start3A_175 = tpu.memref_slice %arg8[%add3A_170, %dma_start3A_174] : memref<32x64xi32, #tpu.memory_space<vmem>> -> memref<1x64xi32, #tpu.memory_space<vmem>>
          %dma_start3A_176 = tpu.memref_squeeze %dma_start3A_175 : memref<1x64xi32, #tpu.memory_space<vmem>> -> memref<64xi32, #tpu.memory_space<vmem>>
          %dma_start3A_177 = arith.constant 0 : i32
          %dma_start3A_178 = arith.constant 0 : i32
          %dma_start3A_179 = tpu.memref_slice %arg2[%dma_start3A_177, %dma_start3A_178] : memref<10000x128xf32, #tpu.memory_space<hbm>> -> memref<10000x128xf32, #tpu.memory_space<hbm>>
          tpu.enqueue_indirect_dma source(%dma_start3A_179 : memref<10000x128xf32, #tpu.memory_space<hbm>>) target(%dma_start3A_173 : memref<64x128xf32, #tpu.memory_space<vmem>>) offsets(%dma_start3A_176 : memref<64xi32, #tpu.memory_space<vmem>>) semaphore(%arg14 : memref<!tpu.dma_semaphore, #tpu.memory_space<semaphore_mem>>)
        } else {
        }
        %add3A_122 = arith.constant 1 : i32
        %add3A_123 = arith.addi %mul3A_66, %add3A_122 : i32
        %mul3A_124 = arith.constant 2 : i32
        %mul3A_125 = arith.muli %mul3A_124, %add3A_123 : i32
        %add3A_126 = arith.constant 0 : i32
        %add3A_127 = arith.addi %mul3A_125, %add3A_126 : i32
        %dma_wait3A_128 = arith.constant 0 : i32
        %dma_wait3A_129 = arith.constant 0 : i32
        %dma_wait3A_130 = tpu.memref_slice %arg11[%dma_wait3A_128, %dma_wait3A_129] : memref<128x128xf32, #tpu.memory_space<vmem>> -> memref<64x128xf32, #tpu.memory_space<vmem>>
        %dma_wait3A_131 = arith.constant 0 : i32
        %dma_wait3A_132 = tpu.memref_slice %arg8[%add3A_127, %dma_wait3A_131] : memref<32x64xi32, #tpu.memory_space<vmem>> -> memref<1x64xi32, #tpu.memory_space<vmem>>
        %dma_wait3A_133 = tpu.memref_squeeze %dma_wait3A_132 : memref<1x64xi32, #tpu.memory_space<vmem>> -> memref<64xi32, #tpu.memory_space<vmem>>
        %dma_wait3A_134 = arith.constant 0 : i32
        %dma_wait3A_135 = arith.constant 0 : i32
        %dma_wait3A_136 = tpu.memref_slice %arg2[%dma_wait3A_134, %dma_wait3A_135] : memref<10000x128xf32, #tpu.memory_space<hbm>> -> memref<10000x128xf32, #tpu.memory_space<hbm>>
        tpu.wait_indirect_dma semaphore(%arg15 : memref<!tpu.dma_semaphore, #tpu.memory_space<semaphore_mem>>) src(%dma_wait3A_136 : memref<10000x128xf32, #tpu.memory_space<hbm>>) dst(%dma_wait3A_130 : memref<64x128xf32, #tpu.memory_space<vmem>>)
        %mul3A_137 = arith.constant 2 : i32
        %mul3A_138 = arith.muli %mul3A_137, %add3A_123 : i32
        %add3A_139 = arith.constant 1 : i32
        %add3A_140 = arith.addi %mul3A_138, %add3A_139 : i32
        %dma_wait3A_141 = arith.constant 64 : i32
        %dma_wait3A_142 = arith.constant 0 : i32
        %dma_wait3A_143 = tpu.memref_slice %arg11[%dma_wait3A_141, %dma_wait3A_142] : memref<128x128xf32, #tpu.memory_space<vmem>> -> memref<64x128xf32, #tpu.memory_space<vmem>>
        %dma_wait3A_144 = arith.constant 0 : i32
        %dma_wait3A_145 = tpu.memref_slice %arg8[%add3A_140, %dma_wait3A_144] : memref<32x64xi32, #tpu.memory_space<vmem>> -> memref<1x64xi32, #tpu.memory_space<vmem>>
        %dma_wait3A_146 = tpu.memref_squeeze %dma_wait3A_145 : memref<1x64xi32, #tpu.memory_space<vmem>> -> memref<64xi32, #tpu.memory_space<vmem>>
        %dma_wait3A_147 = arith.constant 0 : i32
        %dma_wait3A_148 = arith.constant 0 : i32
        %dma_wait3A_149 = tpu.memref_slice %arg2[%dma_wait3A_147, %dma_wait3A_148] : memref<10000x128xf32, #tpu.memory_space<hbm>> -> memref<10000x128xf32, #tpu.memory_space<hbm>>
        tpu.wait_indirect_dma semaphore(%arg16 : memref<!tpu.dma_semaphore, #tpu.memory_space<semaphore_mem>>) src(%dma_wait3A_149 : memref<10000x128xf32, #tpu.memory_space<hbm>>) dst(%dma_wait3A_143 : memref<64x128xf32, #tpu.memory_space<vmem>>)
        %add3A_150 = arith.constant 1 : i32
        %add3A_151 = arith.addi %mul3A_66, %add3A_150 : i32
        "tpu.region"() ({
          %run_scoped3A = tpu.sem_alloc : memref<!tpu.dma_semaphore, #tpu.memory_space<semaphore_mem>>
          %dma_start3A_152 = arith.constant 0 : i32
          %dma_start3A_153 = tpu.memref_slice %arg9[%add3A_151, %dma_start3A_152] : memref<16x128xi32, #tpu.memory_space<vmem>> -> memref<1x128xi32, #tpu.memory_space<vmem>>
          %dma_start3A_154 = tpu.memref_squeeze %dma_start3A_153 : memref<1x128xi32, #tpu.memory_space<vmem>> -> memref<128xi32, #tpu.memory_space<vmem>>
          %dma_start3A_155 = arith.constant 0 : i32
          %dma_start3A_156 = arith.constant 0 : i32
          %dma_start3A_157 = tpu.memref_slice %arg12[%dma_start3A_155, %dma_start3A_156] : memref<10240x128xf32, #tpu.memory_space<vmem_shared>> -> memref<10240x128xf32, #tpu.memory_space<vmem_shared>>
          tpu.enqueue_indirect_dma source(%arg11 : memref<128x128xf32, #tpu.memory_space<vmem>>) target(%dma_start3A_157 : memref<10240x128xf32, #tpu.memory_space<vmem_shared>>) offsets(%dma_start3A_154 : memref<128xi32, #tpu.memory_space<vmem>>) semaphore(%run_scoped3A : memref<!tpu.dma_semaphore, #tpu.memory_space<semaphore_mem>>) {add = true}
          %dma_wait3A_158 = arith.constant 0 : i32
          %dma_wait3A_159 = tpu.memref_slice %arg9[%add3A_151, %dma_wait3A_158] : memref<16x128xi32, #tpu.memory_space<vmem>> -> memref<1x128xi32, #tpu.memory_space<vmem>>
          %dma_wait3A_160 = tpu.memref_squeeze %dma_wait3A_159 : memref<1x128xi32, #tpu.memory_space<vmem>> -> memref<128xi32, #tpu.memory_space<vmem>>
          %dma_wait3A_161 = arith.constant 0 : i32
          %dma_wait3A_162 = arith.constant 0 : i32
          %dma_wait3A_163 = tpu.memref_slice %arg12[%dma_wait3A_161, %dma_wait3A_162] : memref<10240x128xf32, #tpu.memory_space<vmem_shared>> -> memref<10240x128xf32, #tpu.memory_space<vmem_shared>>
          tpu.wait_indirect_dma semaphore(%run_scoped3A : memref<!tpu.dma_semaphore, #tpu.memory_space<semaphore_mem>>) src(%arg11 : memref<128x128xf32, #tpu.memory_space<vmem>>) dst(%dma_wait3A_163 : memref<10240x128xf32, #tpu.memory_space<vmem_shared>>)
          tpu.yield
        }) : () -> ()
      }
      %scan3A_63 = arith.constant 8 : i32
    }
    %while3A_22 = arith.constant 1 : i32
    scf.for %while3A_30 = %while3A_20 to %while3A_16 step %while3A_22  : i32 {
      %mul3A_31 = arith.constant 16 : i32
      %mul3A_32 = arith.muli %while3A_30, %mul3A_31 : i32
      %add3A_33 = arith.addi %select_n3A, %mul3A_32 : i32
      %mul3A_34 = arith.constant 2 : i32
      %mul3A_35 = arith.muli %mul3A_34, %add3A_33 : i32
      "tpu.region"() ({
        %run_scoped3A = tpu.sem_alloc : memref<!tpu.dma_semaphore, #tpu.memory_space<semaphore_mem>>
        %dma_start3A_64 = arith.constant 0 : i32
        %dma_start3A_65 = tpu.memref_slice %arg3[%mul3A_35, %dma_start3A_64] : memref<5120x64xi32, #tpu.memory_space<hbm>> -> memref<32x64xi32, #tpu.memory_space<hbm>>
        %dma_start3A_66 = arith.constant 0 : i32
        %dma_start3A_67 = tpu.memref_slice %arg3[%mul3A_35, %dma_start3A_66] : memref<5120x64xi32, #tpu.memory_space<hbm>> -> memref<32x64xi32, #tpu.memory_space<hbm>>
        tpu.enqueue_dma source(%dma_start3A_67 : memref<32x64xi32, #tpu.memory_space<hbm>>) target(%arg8 : memref<32x64xi32, #tpu.memory_space<vmem>>) target_semaphore(%run_scoped3A : memref<!tpu.dma_semaphore, #tpu.memory_space<semaphore_mem>>)
        %dma_wait3A = arith.constant 0 : i32
        %dma_wait3A_68 = tpu.memref_slice %arg3[%mul3A_35, %dma_wait3A] : memref<5120x64xi32, #tpu.memory_space<hbm>> -> memref<32x64xi32, #tpu.memory_space<hbm>>
        %dma_wait3A_69 = arith.constant 0 : i32
        %dma_wait3A_70 = tpu.memref_slice %arg3[%mul3A_35, %dma_wait3A_69] : memref<5120x64xi32, #tpu.memory_space<hbm>> -> memref<32x64xi32, #tpu.memory_space<hbm>>
        tpu.wait_dma2 semaphore(%run_scoped3A : memref<!tpu.dma_semaphore, #tpu.memory_space<semaphore_mem>>) src(%dma_wait3A_70 : memref<32x64xi32, #tpu.memory_space<hbm>>) dst(%arg8 : memref<32x64xi32, #tpu.memory_space<vmem>>)
        tpu.yield
      }) : () -> ()
      %mul3A_36 = arith.constant 16 : i32
      %mul3A_37 = arith.muli %while3A_30, %mul3A_36 : i32
      %add3A_38 = arith.addi %select_n3A, %mul3A_37 : i32
      "tpu.region"() ({
        %run_scoped3A = tpu.sem_alloc : memref<!tpu.dma_semaphore, #tpu.memory_space<semaphore_mem>>
        %dma_start3A_64 = arith.constant 0 : i32
        %dma_start3A_65 = tpu.memref_slice %arg5[%add3A_38, %dma_start3A_64] : memref<2560x128xi32, #tpu.memory_space<hbm>> -> memref<16x128xi32, #tpu.memory_space<hbm>>
        %dma_start3A_66 = arith.constant 0 : i32
        %dma_start3A_67 = tpu.memref_slice %arg5[%add3A_38, %dma_start3A_66] : memref<2560x128xi32, #tpu.memory_space<hbm>> -> memref<16x128xi32, #tpu.memory_space<hbm>>
        tpu.enqueue_dma source(%dma_start3A_67 : memref<16x128xi32, #tpu.memory_space<hbm>>) target(%arg9 : memref<16x128xi32, #tpu.memory_space<vmem>>) target_semaphore(%run_scoped3A : memref<!tpu.dma_semaphore, #tpu.memory_space<semaphore_mem>>)
        %dma_wait3A = arith.constant 0 : i32
        %dma_wait3A_68 = tpu.memref_slice %arg5[%add3A_38, %dma_wait3A] : memref<2560x128xi32, #tpu.memory_space<hbm>> -> memref<16x128xi32, #tpu.memory_space<hbm>>
        %dma_wait3A_69 = arith.constant 0 : i32
        %dma_wait3A_70 = tpu.memref_slice %arg5[%add3A_38, %dma_wait3A_69] : memref<2560x128xi32, #tpu.memory_space<hbm>> -> memref<16x128xi32, #tpu.memory_space<hbm>>
        tpu.wait_dma2 semaphore(%run_scoped3A : memref<!tpu.dma_semaphore, #tpu.memory_space<semaphore_mem>>) src(%dma_wait3A_70 : memref<16x128xi32, #tpu.memory_space<hbm>>) dst(%arg9 : memref<16x128xi32, #tpu.memory_space<vmem>>)
        tpu.yield
      }) : () -> ()
      %dma_start3A = arith.constant 0 : i32
      %dma_start3A_39 = arith.constant 0 : i32
      %dma_start3A_40 = arith.constant 0 : i32
      %dma_start3A_41 = tpu.memref_slice %arg10[%dma_start3A_39, %dma_start3A_40] : memref<128x128xf32, #tpu.memory_space<vmem>> -> memref<64x128xf32, #tpu.memory_space<vmem>>
      %dma_start3A_42 = arith.constant 0 : i32
      %dma_start3A_43 = tpu.memref_slice %arg8[%dma_start3A, %dma_start3A_42] : memref<32x64xi32, #tpu.memory_space<vmem>> -> memref<1x64xi32, #tpu.memory_space<vmem>>
      %dma_start3A_44 = tpu.memref_squeeze %dma_start3A_43 : memref<1x64xi32, #tpu.memory_space<vmem>> -> memref<64xi32, #tpu.memory_space<vmem>>
      %dma_start3A_45 = arith.constant 0 : i32
      %dma_start3A_46 = arith.constant 0 : i32
      %dma_start3A_47 = tpu.memref_slice %arg2[%dma_start3A_45, %dma_start3A_46] : memref<10000x128xf32, #tpu.memory_space<hbm>> -> memref<10000x128xf32, #tpu.memory_space<hbm>>
      tpu.enqueue_indirect_dma source(%dma_start3A_47 : memref<10000x128xf32, #tpu.memory_space<hbm>>) target(%dma_start3A_41 : memref<64x128xf32, #tpu.memory_space<vmem>>) offsets(%dma_start3A_44 : memref<64xi32, #tpu.memory_space<vmem>>) semaphore(%arg13 : memref<!tpu.dma_semaphore, #tpu.memory_space<semaphore_mem>>)
      %dma_start3A_48 = arith.constant 1 : i32
      %dma_start3A_49 = arith.constant 64 : i32
      %dma_start3A_50 = arith.constant 0 : i32
      %dma_start3A_51 = tpu.memref_slice %arg10[%dma_start3A_49, %dma_start3A_50] : memref<128x128xf32, #tpu.memory_space<vmem>> -> memref<64x128xf32, #tpu.memory_space<vmem>>
      %dma_start3A_52 = arith.constant 0 : i32
      %dma_start3A_53 = tpu.memref_slice %arg8[%dma_start3A_48, %dma_start3A_52] : memref<32x64xi32, #tpu.memory_space<vmem>> -> memref<1x64xi32, #tpu.memory_space<vmem>>
      %dma_start3A_54 = tpu.memref_squeeze %dma_start3A_53 : memref<1x64xi32, #tpu.memory_space<vmem>> -> memref<64xi32, #tpu.memory_space<vmem>>
      %dma_start3A_55 = arith.constant 0 : i32
      %dma_start3A_56 = arith.constant 0 : i32
      %dma_start3A_57 = tpu.memref_slice %arg2[%dma_start3A_55, %dma_start3A_56] : memref<10000x128xf32, #tpu.memory_space<hbm>> -> memref<10000x128xf32, #tpu.memory_space<hbm>>
      tpu.enqueue_indirect_dma source(%dma_start3A_57 : memref<10000x128xf32, #tpu.memory_space<hbm>>) target(%dma_start3A_51 : memref<64x128xf32, #tpu.memory_space<vmem>>) offsets(%dma_start3A_54 : memref<64xi32, #tpu.memory_space<vmem>>) semaphore(%arg14 : memref<!tpu.dma_semaphore, #tpu.memory_space<semaphore_mem>>)
      %scan3A_58 = arith.constant 0 : i32
      %scan3A_59 = arith.constant 0 : i32
      %scan3A_60 = arith.constant 8 : i32
      %scan3A_61 = arith.addi %scan3A_59, %scan3A_60 : i32
      %scan3A_62 = arith.constant 1 : i32
      scf.for %scan3A_64 = %scan3A_59 to %scan3A_61 step %scan3A_62  : i32 {
        %mul3A_65 = arith.constant 2 : i32
        %mul3A_66 = arith.muli %mul3A_65, %scan3A_64 : i32
        %add3A_67 = arith.constant 1 : i32
        %add3A_68 = arith.addi %mul3A_66, %add3A_67 : i32
        %mul3A_69 = arith.constant 2 : i32
        %mul3A_70 = arith.muli %mul3A_69, %add3A_68 : i32
        %add3A_71 = arith.constant 0 : i32
        %add3A_72 = arith.addi %mul3A_70, %add3A_71 : i32
        %dma_start3A_73 = arith.constant 0 : i32
        %dma_start3A_74 = arith.constant 0 : i32
        %dma_start3A_75 = tpu.memref_slice %arg11[%dma_start3A_73, %dma_start3A_74] : memref<128x128xf32, #tpu.memory_space<vmem>> -> memref<64x128xf32, #tpu.memory_space<vmem>>
        %dma_start3A_76 = arith.constant 0 : i32
        %dma_start3A_77 = tpu.memref_slice %arg8[%add3A_72, %dma_start3A_76] : memref<32x64xi32, #tpu.memory_space<vmem>> -> memref<1x64xi32, #tpu.memory_space<vmem>>
        %dma_start3A_78 = tpu.memref_squeeze %dma_start3A_77 : memref<1x64xi32, #tpu.memory_space<vmem>> -> memref<64xi32, #tpu.memory_space<vmem>>
        %dma_start3A_79 = arith.constant 0 : i32
        %dma_start3A_80 = arith.constant 0 : i32
        %dma_start3A_81 = tpu.memref_slice %arg2[%dma_start3A_79, %dma_start3A_80] : memref<10000x128xf32, #tpu.memory_space<hbm>> -> memref<10000x128xf32, #tpu.memory_space<hbm>>
        tpu.enqueue_indirect_dma source(%dma_start3A_81 : memref<10000x128xf32, #tpu.memory_space<hbm>>) target(%dma_start3A_75 : memref<64x128xf32, #tpu.memory_space<vmem>>) offsets(%dma_start3A_78 : memref<64xi32, #tpu.memory_space<vmem>>) semaphore(%arg15 : memref<!tpu.dma_semaphore, #tpu.memory_space<semaphore_mem>>)
        %mul3A_82 = arith.constant 2 : i32
        %mul3A_83 = arith.muli %mul3A_82, %add3A_68 : i32
        %add3A_84 = arith.constant 1 : i32
        %add3A_85 = arith.addi %mul3A_83, %add3A_84 : i32
        %dma_start3A_86 = arith.constant 64 : i32
        %dma_start3A_87 = arith.constant 0 : i32
        %dma_start3A_88 = tpu.memref_slice %arg11[%dma_start3A_86, %dma_start3A_87] : memref<128x128xf32, #tpu.memory_space<vmem>> -> memref<64x128xf32, #tpu.memory_space<vmem>>
        %dma_start3A_89 = arith.constant 0 : i32
        %dma_start3A_90 = tpu.memref_slice %arg8[%add3A_85, %dma_start3A_89] : memref<32x64xi32, #tpu.memory_space<vmem>> -> memref<1x64xi32, #tpu.memory_space<vmem>>
        %dma_start3A_91 = tpu.memref_squeeze %dma_start3A_90 : memref<1x64xi32, #tpu.memory_space<vmem>> -> memref<64xi32, #tpu.memory_space<vmem>>
        %dma_start3A_92 = arith.constant 0 : i32
        %dma_start3A_93 = arith.constant 0 : i32
        %dma_start3A_94 = tpu.memref_slice %arg2[%dma_start3A_92, %dma_start3A_93] : memref<10000x128xf32, #tpu.memory_space<hbm>> -> memref<10000x128xf32, #tpu.memory_space<hbm>>
        tpu.enqueue_indirect_dma source(%dma_start3A_94 : memref<10000x128xf32, #tpu.memory_space<hbm>>) target(%dma_start3A_88 : memref<64x128xf32, #tpu.memory_space<vmem>>) offsets(%dma_start3A_91 : memref<64xi32, #tpu.memory_space<vmem>>) semaphore(%arg16 : memref<!tpu.dma_semaphore, #tpu.memory_space<semaphore_mem>>)
        %mul3A_95 = arith.constant 2 : i32
        %mul3A_96 = arith.muli %mul3A_95, %mul3A_66 : i32
        %add3A_97 = arith.constant 0 : i32
        %add3A_98 = arith.addi %mul3A_96, %add3A_97 : i32
        %dma_wait3A = arith.constant 0 : i32
        %dma_wait3A_99 = arith.constant 0 : i32
        %dma_wait3A_100 = tpu.memref_slice %arg10[%dma_wait3A, %dma_wait3A_99] : memref<128x128xf32, #tpu.memory_space<vmem>> -> memref<64x128xf32, #tpu.memory_space<vmem>>
        %dma_wait3A_101 = arith.constant 0 : i32
        %dma_wait3A_102 = tpu.memref_slice %arg8[%add3A_98, %dma_wait3A_101] : memref<32x64xi32, #tpu.memory_space<vmem>> -> memref<1x64xi32, #tpu.memory_space<vmem>>
        %dma_wait3A_103 = tpu.memref_squeeze %dma_wait3A_102 : memref<1x64xi32, #tpu.memory_space<vmem>> -> memref<64xi32, #tpu.memory_space<vmem>>
        %dma_wait3A_104 = arith.constant 0 : i32
        %dma_wait3A_105 = arith.constant 0 : i32
        %dma_wait3A_106 = tpu.memref_slice %arg2[%dma_wait3A_104, %dma_wait3A_105] : memref<10000x128xf32, #tpu.memory_space<hbm>> -> memref<10000x128xf32, #tpu.memory_space<hbm>>
        tpu.wait_indirect_dma semaphore(%arg13 : memref<!tpu.dma_semaphore, #tpu.memory_space<semaphore_mem>>) src(%dma_wait3A_106 : memref<10000x128xf32, #tpu.memory_space<hbm>>) dst(%dma_wait3A_100 : memref<64x128xf32, #tpu.memory_space<vmem>>)
        %mul3A_107 = arith.constant 2 : i32
        %mul3A_108 = arith.muli %mul3A_107, %mul3A_66 : i32
        %add3A_109 = arith.constant 1 : i32
        %add3A_110 = arith.addi %mul3A_108, %add3A_109 : i32
        %dma_wait3A_111 = arith.constant 64 : i32
        %dma_wait3A_112 = arith.constant 0 : i32
        %dma_wait3A_113 = tpu.memref_slice %arg10[%dma_wait3A_111, %dma_wait3A_112] : memref<128x128xf32, #tpu.memory_space<vmem>> -> memref<64x128xf32, #tpu.memory_space<vmem>>
        %dma_wait3A_114 = arith.constant 0 : i32
        %dma_wait3A_115 = tpu.memref_slice %arg8[%add3A_110, %dma_wait3A_114] : memref<32x64xi32, #tpu.memory_space<vmem>> -> memref<1x64xi32, #tpu.memory_space<vmem>>
        %dma_wait3A_116 = tpu.memref_squeeze %dma_wait3A_115 : memref<1x64xi32, #tpu.memory_space<vmem>> -> memref<64xi32, #tpu.memory_space<vmem>>
        %dma_wait3A_117 = arith.constant 0 : i32
        %dma_wait3A_118 = arith.constant 0 : i32
        %dma_wait3A_119 = tpu.memref_slice %arg2[%dma_wait3A_117, %dma_wait3A_118] : memref<10000x128xf32, #tpu.memory_space<hbm>> -> memref<10000x128xf32, #tpu.memory_space<hbm>>
        tpu.wait_indirect_dma semaphore(%arg14 : memref<!tpu.dma_semaphore, #tpu.memory_space<semaphore_mem>>) src(%dma_wait3A_119 : memref<10000x128xf32, #tpu.memory_space<hbm>>) dst(%dma_wait3A_113 : memref<64x128xf32, #tpu.memory_space<vmem>>)
        "tpu.region"() ({
          %run_scoped3A = tpu.sem_alloc : memref<!tpu.dma_semaphore, #tpu.memory_space<semaphore_mem>>
          %dma_start3A_152 = arith.constant 0 : i32
          %dma_start3A_153 = tpu.memref_slice %arg9[%mul3A_66, %dma_start3A_152] : memref<16x128xi32, #tpu.memory_space<vmem>> -> memref<1x128xi32, #tpu.memory_space<vmem>>
          %dma_start3A_154 = tpu.memref_squeeze %dma_start3A_153 : memref<1x128xi32, #tpu.memory_space<vmem>> -> memref<128xi32, #tpu.memory_space<vmem>>
          %dma_start3A_155 = arith.constant 0 : i32
          %dma_start3A_156 = arith.constant 0 : i32
          %dma_start3A_157 = tpu.memref_slice %arg12[%dma_start3A_155, %dma_start3A_156] : memref<10240x128xf32, #tpu.memory_space<vmem_shared>> -> memref<10240x128xf32, #tpu.memory_space<vmem_shared>>
          tpu.enqueue_indirect_dma source(%arg10 : memref<128x128xf32, #tpu.memory_space<vmem>>) target(%dma_start3A_157 : memref<10240x128xf32, #tpu.memory_space<vmem_shared>>) offsets(%dma_start3A_154 : memref<128xi32, #tpu.memory_space<vmem>>) semaphore(%run_scoped3A : memref<!tpu.dma_semaphore, #tpu.memory_space<semaphore_mem>>) {add = true}
          %dma_wait3A_158 = arith.constant 0 : i32
          %dma_wait3A_159 = tpu.memref_slice %arg9[%mul3A_66, %dma_wait3A_158] : memref<16x128xi32, #tpu.memory_space<vmem>> -> memref<1x128xi32, #tpu.memory_space<vmem>>
          %dma_wait3A_160 = tpu.memref_squeeze %dma_wait3A_159 : memref<1x128xi32, #tpu.memory_space<vmem>> -> memref<128xi32, #tpu.memory_space<vmem>>
          %dma_wait3A_161 = arith.constant 0 : i32
          %dma_wait3A_162 = arith.constant 0 : i32
          %dma_wait3A_163 = tpu.memref_slice %arg12[%dma_wait3A_161, %dma_wait3A_162] : memref<10240x128xf32, #tpu.memory_space<vmem_shared>> -> memref<10240x128xf32, #tpu.memory_space<vmem_shared>>
          tpu.wait_indirect_dma semaphore(%run_scoped3A : memref<!tpu.dma_semaphore, #tpu.memory_space<semaphore_mem>>) src(%arg10 : memref<128x128xf32, #tpu.memory_space<vmem>>) dst(%dma_wait3A_163 : memref<10240x128xf32, #tpu.memory_space<vmem_shared>>)
          tpu.yield
        }) : () -> ()
        %lt3A = arith.constant 7 : i32
        %lt3A_120 = arith.cmpi slt, %scan3A_64, %lt3A : i32
        %convert_element_type3A = arith.extui %lt3A_120 : i1 to i32
        %cond3A = arith.constant 0 : i32
        %cond3A_121 = arith.cmpi ne, %convert_element_type3A, %cond3A : i32
        scf.if %cond3A_121 {
          %add3A_152 = arith.constant 2 : i32
          %add3A_153 = arith.addi %mul3A_66, %add3A_152 : i32
          %mul3A_154 = arith.constant 2 : i32
          %mul3A_155 = arith.muli %mul3A_154, %add3A_153 : i32
          %add3A_156 = arith.constant 0 : i32
          %add3A_157 = arith.addi %mul3A_155, %add3A_156 : i32
          %dma_start3A_158 = arith.constant 0 : i32
          %dma_start3A_159 = arith.constant 0 : i32
          %dma_start3A_160 = tpu.memref_slice %arg10[%dma_start3A_158, %dma_start3A_159] : memref<128x128xf32, #tpu.memory_space<vmem>> -> memref<64x128xf32, #tpu.memory_space<vmem>>
          %dma_start3A_161 = arith.constant 0 : i32
          %dma_start3A_162 = tpu.memref_slice %arg8[%add3A_157, %dma_start3A_161] : memref<32x64xi32, #tpu.memory_space<vmem>> -> memref<1x64xi32, #tpu.memory_space<vmem>>
          %dma_start3A_163 = tpu.memref_squeeze %dma_start3A_162 : memref<1x64xi32, #tpu.memory_space<vmem>> -> memref<64xi32, #tpu.memory_space<vmem>>
          %dma_start3A_164 = arith.constant 0 : i32
          %dma_start3A_165 = arith.constant 0 : i32
          %dma_start3A_166 = tpu.memref_slice %arg2[%dma_start3A_164, %dma_start3A_165] : memref<10000x128xf32, #tpu.memory_space<hbm>> -> memref<10000x128xf32, #tpu.memory_space<hbm>>
          tpu.enqueue_indirect_dma source(%dma_start3A_166 : memref<10000x128xf32, #tpu.memory_space<hbm>>) target(%dma_start3A_160 : memref<64x128xf32, #tpu.memory_space<vmem>>) offsets(%dma_start3A_163 : memref<64xi32, #tpu.memory_space<vmem>>) semaphore(%arg13 : memref<!tpu.dma_semaphore, #tpu.memory_space<semaphore_mem>>)
          %mul3A_167 = arith.constant 2 : i32
          %mul3A_168 = arith.muli %mul3A_167, %add3A_153 : i32
          %add3A_169 = arith.constant 1 : i32
          %add3A_170 = arith.addi %mul3A_168, %add3A_169 : i32
          %dma_start3A_171 = arith.constant 64 : i32
          %dma_start3A_172 = arith.constant 0 : i32
          %dma_start3A_173 = tpu.memref_slice %arg10[%dma_start3A_171, %dma_start3A_172] : memref<128x128xf32, #tpu.memory_space<vmem>> -> memref<64x128xf32, #tpu.memory_space<vmem>>
          %dma_start3A_174 = arith.constant 0 : i32
          %dma_start3A_175 = tpu.memref_slice %arg8[%add3A_170, %dma_start3A_174] : memref<32x64xi32, #tpu.memory_space<vmem>> -> memref<1x64xi32, #tpu.memory_space<vmem>>
          %dma_start3A_176 = tpu.memref_squeeze %dma_start3A_175 : memref<1x64xi32, #tpu.memory_space<vmem>> -> memref<64xi32, #tpu.memory_space<vmem>>
          %dma_start3A_177 = arith.constant 0 : i32
          %dma_start3A_178 = arith.constant 0 : i32
          %dma_start3A_179 = tpu.memref_slice %arg2[%dma_start3A_177, %dma_start3A_178] : memref<10000x128xf32, #tpu.memory_space<hbm>> -> memref<10000x128xf32, #tpu.memory_space<hbm>>
          tpu.enqueue_indirect_dma source(%dma_start3A_179 : memref<10000x128xf32, #tpu.memory_space<hbm>>) target(%dma_start3A_173 : memref<64x128xf32, #tpu.memory_space<vmem>>) offsets(%dma_start3A_176 : memref<64xi32, #tpu.memory_space<vmem>>) semaphore(%arg14 : memref<!tpu.dma_semaphore, #tpu.memory_space<semaphore_mem>>)
        } else {
        }
        %add3A_122 = arith.constant 1 : i32
        %add3A_123 = arith.addi %mul3A_66, %add3A_122 : i32
        %mul3A_124 = arith.constant 2 : i32
        %mul3A_125 = arith.muli %mul3A_124, %add3A_123 : i32
        %add3A_126 = arith.constant 0 : i32
        %add3A_127 = arith.addi %mul3A_125, %add3A_126 : i32
        %dma_wait3A_128 = arith.constant 0 : i32
        %dma_wait3A_129 = arith.constant 0 : i32
        %dma_wait3A_130 = tpu.memref_slice %arg11[%dma_wait3A_128, %dma_wait3A_129] : memref<128x128xf32, #tpu.memory_space<vmem>> -> memref<64x128xf32, #tpu.memory_space<vmem>>
        %dma_wait3A_131 = arith.constant 0 : i32
        %dma_wait3A_132 = tpu.memref_slice %arg8[%add3A_127, %dma_wait3A_131] : memref<32x64xi32, #tpu.memory_space<vmem>> -> memref<1x64xi32, #tpu.memory_space<vmem>>
        %dma_wait3A_133 = tpu.memref_squeeze %dma_wait3A_132 : memref<1x64xi32, #tpu.memory_space<vmem>> -> memref<64xi32, #tpu.memory_space<vmem>>
        %dma_wait3A_134 = arith.constant 0 : i32
        %dma_wait3A_135 = arith.constant 0 : i32
        %dma_wait3A_136 = tpu.memref_slice %arg2[%dma_wait3A_134, %dma_wait3A_135] : memref<10000x128xf32, #tpu.memory_space<hbm>> -> memref<10000x128xf32, #tpu.memory_space<hbm>>
        tpu.wait_indirect_dma semaphore(%arg15 : memref<!tpu.dma_semaphore, #tpu.memory_space<semaphore_mem>>) src(%dma_wait3A_136 : memref<10000x128xf32, #tpu.memory_space<hbm>>) dst(%dma_wait3A_130 : memref<64x128xf32, #tpu.memory_space<vmem>>)
        %mul3A_137 = arith.constant 2 : i32
        %mul3A_138 = arith.muli %mul3A_137, %add3A_123 : i32
        %add3A_139 = arith.constant 1 : i32
        %add3A_140 = arith.addi %mul3A_138, %add3A_139 : i32
        %dma_wait3A_141 = arith.constant 64 : i32
        %dma_wait3A_142 = arith.constant 0 : i32
        %dma_wait3A_143 = tpu.memref_slice %arg11[%dma_wait3A_141, %dma_wait3A_142] : memref<128x128xf32, #tpu.memory_space<vmem>> -> memref<64x128xf32, #tpu.memory_space<vmem>>
        %dma_wait3A_144 = arith.constant 0 : i32
        %dma_wait3A_145 = tpu.memref_slice %arg8[%add3A_140, %dma_wait3A_144] : memref<32x64xi32, #tpu.memory_space<vmem>> -> memref<1x64xi32, #tpu.memory_space<vmem>>
        %dma_wait3A_146 = tpu.memref_squeeze %dma_wait3A_145 : memref<1x64xi32, #tpu.memory_space<vmem>> -> memref<64xi32, #tpu.memory_space<vmem>>
        %dma_wait3A_147 = arith.constant 0 : i32
        %dma_wait3A_148 = arith.constant 0 : i32
        %dma_wait3A_149 = tpu.memref_slice %arg2[%dma_wait3A_147, %dma_wait3A_148] : memref<10000x128xf32, #tpu.memory_space<hbm>> -> memref<10000x128xf32, #tpu.memory_space<hbm>>
        tpu.wait_indirect_dma semaphore(%arg16 : memref<!tpu.dma_semaphore, #tpu.memory_space<semaphore_mem>>) src(%dma_wait3A_149 : memref<10000x128xf32, #tpu.memory_space<hbm>>) dst(%dma_wait3A_143 : memref<64x128xf32, #tpu.memory_space<vmem>>)
        %add3A_150 = arith.constant 1 : i32
        %add3A_151 = arith.addi %mul3A_66, %add3A_150 : i32
        "tpu.region"() ({
          %run_scoped3A = tpu.sem_alloc : memref<!tpu.dma_semaphore, #tpu.memory_space<semaphore_mem>>
          %dma_start3A_152 = arith.constant 0 : i32
          %dma_start3A_153 = tpu.memref_slice %arg9[%add3A_151, %dma_start3A_152] : memref<16x128xi32, #tpu.memory_space<vmem>> -> memref<1x128xi32, #tpu.memory_space<vmem>>
          %dma_start3A_154 = tpu.memref_squeeze %dma_start3A_153 : memref<1x128xi32, #tpu.memory_space<vmem>> -> memref<128xi32, #tpu.memory_space<vmem>>
          %dma_start3A_155 = arith.constant 0 : i32
          %dma_start3A_156 = arith.constant 0 : i32
          %dma_start3A_157 = tpu.memref_slice %arg12[%dma_start3A_155, %dma_start3A_156] : memref<10240x128xf32, #tpu.memory_space<vmem_shared>> -> memref<10240x128xf32, #tpu.memory_space<vmem_shared>>
          tpu.enqueue_indirect_dma source(%arg11 : memref<128x128xf32, #tpu.memory_space<vmem>>) target(%dma_start3A_157 : memref<10240x128xf32, #tpu.memory_space<vmem_shared>>) offsets(%dma_start3A_154 : memref<128xi32, #tpu.memory_space<vmem>>) semaphore(%run_scoped3A : memref<!tpu.dma_semaphore, #tpu.memory_space<semaphore_mem>>) {add = true}
          %dma_wait3A_158 = arith.constant 0 : i32
          %dma_wait3A_159 = tpu.memref_slice %arg9[%add3A_151, %dma_wait3A_158] : memref<16x128xi32, #tpu.memory_space<vmem>> -> memref<1x128xi32, #tpu.memory_space<vmem>>
          %dma_wait3A_160 = tpu.memref_squeeze %dma_wait3A_159 : memref<1x128xi32, #tpu.memory_space<vmem>> -> memref<128xi32, #tpu.memory_space<vmem>>
          %dma_wait3A_161 = arith.constant 0 : i32
          %dma_wait3A_162 = arith.constant 0 : i32
          %dma_wait3A_163 = tpu.memref_slice %arg12[%dma_wait3A_161, %dma_wait3A_162] : memref<10240x128xf32, #tpu.memory_space<vmem_shared>> -> memref<10240x128xf32, #tpu.memory_space<vmem_shared>>
          tpu.wait_indirect_dma semaphore(%run_scoped3A : memref<!tpu.dma_semaphore, #tpu.memory_space<semaphore_mem>>) src(%arg11 : memref<128x128xf32, #tpu.memory_space<vmem>>) dst(%dma_wait3A_163 : memref<10240x128xf32, #tpu.memory_space<vmem_shared>>)
          tpu.yield
        }) : () -> ()
      }
      %scan3A_63 = arith.constant 8 : i32
    }
    %barrier3A_23 = arith.constant 0 : index
    tpu.barrier barrier_id(%barrier3A_23)
    %scan3A_24 = arith.constant 0 : i32
    %scan3A_25 = arith.constant 0 : i32
    %scan3A_26 = arith.constant 5 : i32
    %scan3A_27 = arith.addi %scan3A_25, %scan3A_26 : i32
    %scan3A_28 = arith.constant 1 : i32
    scf.for %scan3A_30 = %scan3A_25 to %scan3A_27 step %scan3A_28  : i32 {
      %mul3A_31 = arith.constant 640 : i32
      %mul3A_32 = arith.muli %arg1, %mul3A_31 : i32
      %mul3A_33 = arith.constant 128 : i32
      %mul3A_34 = arith.muli %scan3A_30, %mul3A_33 : i32
      %add3A_35 = arith.addi %mul3A_32, %mul3A_34 : i32
      "tpu.region"() ({
        %run_scoped3A = tpu.sem_alloc : memref<!tpu.dma_semaphore, #tpu.memory_space<semaphore_mem>>
        %dma_start3A = arith.constant 0 : i32
        %dma_start3A_36 = tpu.memref_slice %arg12[%add3A_35, %dma_start3A] : memref<10240x128xf32, #tpu.memory_space<vmem_shared>> -> memref<128x128xf32, #tpu.memory_space<vmem_shared>>
        %dma_start3A_37 = arith.constant 0 : i32
        %dma_start3A_38 = tpu.memref_slice %arg12[%add3A_35, %dma_start3A_37] : memref<10240x128xf32, #tpu.memory_space<vmem_shared>> -> memref<128x128xf32, #tpu.memory_space<vmem_shared>>
        tpu.enqueue_dma source(%dma_start3A_38 : memref<128x128xf32, #tpu.memory_space<vmem_shared>>) target(%arg10 : memref<128x128xf32, #tpu.memory_space<vmem>>) target_semaphore(%run_scoped3A : memref<!tpu.dma_semaphore, #tpu.memory_space<semaphore_mem>>)
        %dma_wait3A = arith.constant 0 : i32
        %dma_wait3A_39 = tpu.memref_slice %arg12[%add3A_35, %dma_wait3A] : memref<10240x128xf32, #tpu.memory_space<vmem_shared>> -> memref<128x128xf32, #tpu.memory_space<vmem_shared>>
        %dma_wait3A_40 = arith.constant 0 : i32
        %dma_wait3A_41 = tpu.memref_slice %arg12[%add3A_35, %dma_wait3A_40] : memref<10240x128xf32, #tpu.memory_space<vmem_shared>> -> memref<128x128xf32, #tpu.memory_space<vmem_shared>>
        tpu.wait_dma2 semaphore(%run_scoped3A : memref<!tpu.dma_semaphore, #tpu.memory_space<semaphore_mem>>) src(%dma_wait3A_41 : memref<128x128xf32, #tpu.memory_space<vmem_shared>>) dst(%arg10 : memref<128x128xf32, #tpu.memory_space<vmem>>)
        tpu.yield
      }) : () -> ()
      "tpu.region"() ({
        %run_scoped3A = tpu.sem_alloc : memref<!tpu.dma_semaphore, #tpu.memory_space<semaphore_mem>>
        %dma_start3A = arith.constant 0 : i32
        %dma_start3A_36 = tpu.memref_slice %arg7[%arg0, %add3A_35, %dma_start3A] : memref<2x10240x128xf32, #tpu.memory_space<hbm>> -> memref<1x128x128xf32, #tpu.memory_space<hbm>>
        %dma_start3A_37 = tpu.memref_squeeze %dma_start3A_36 : memref<1x128x128xf32, #tpu.memory_space<hbm>> -> memref<128x128xf32, #tpu.memory_space<hbm>>
        %dma_start3A_38 = arith.constant 0 : i32
        %dma_start3A_39 = tpu.memref_slice %arg7[%arg0, %add3A_35, %dma_start3A_38] : memref<2x10240x128xf32, #tpu.memory_space<hbm>> -> memref<1x128x128xf32, #tpu.memory_space<hbm>>
        %dma_start3A_40 = tpu.memref_squeeze %dma_start3A_39 : memref<1x128x128xf32, #tpu.memory_space<hbm>> -> memref<128x128xf32, #tpu.memory_space<hbm>>
        tpu.enqueue_dma source(%arg10 : memref<128x128xf32, #tpu.memory_space<vmem>>) target(%dma_start3A_40 : memref<128x128xf32, #tpu.memory_space<hbm>>) target_semaphore(%run_scoped3A : memref<!tpu.dma_semaphore, #tpu.memory_space<semaphore_mem>>)
        %dma_wait3A = arith.constant 0 : i32
        %dma_wait3A_41 = tpu.memref_slice %arg7[%arg0, %add3A_35, %dma_wait3A] : memref<2x10240x128xf32, #tpu.memory_space<hbm>> -> memref<1x128x128xf32, #tpu.memory_space<hbm>>
        %dma_wait3A_42 = tpu.memref_squeeze %dma_wait3A_41 : memref<1x128x128xf32, #tpu.memory_space<hbm>> -> memref<128x128xf32, #tpu.memory_space<hbm>>
        %dma_wait3A_43 = arith.constant 0 : i32
        %dma_wait3A_44 = tpu.memref_slice %arg7[%arg0, %add3A_35, %dma_wait3A_43] : memref<2x10240x128xf32, #tpu.memory_space<hbm>> -> memref<1x128x128xf32, #tpu.memory_space<hbm>>
        %dma_wait3A_45 = tpu.memref_squeeze %dma_wait3A_44 : memref<1x128x128xf32, #tpu.memory_space<hbm>> -> memref<128x128xf32, #tpu.memory_space<hbm>>
        tpu.wait_dma2 semaphore(%run_scoped3A : memref<!tpu.dma_semaphore, #tpu.memory_space<semaphore_mem>>) src(%arg10 : memref<128x128xf32, #tpu.memory_space<vmem>>) dst(%dma_wait3A_45 : memref<128x128xf32, #tpu.memory_space<hbm>>)
        tpu.yield
      }) : () -> ()
    }
    %scan3A_29 = arith.constant 5 : i32
    return
  }
}

#map = affine_map<(d0, d1) -> (0, 0)>
#map1 = affine_map<(d0, d1) -> (0, 0, 0)>
module attributes {stable_mosaic.version = 14 : i64} {
  func.func @_msg_kernel(%arg0: i32, %arg1: i32, %arg2: memref<10000x128xf32, #tpu.memory_space<hbm>>, %arg3: memref<5120x64xi32, #tpu.memory_space<hbm>>, %arg4: memref<2560x128xi32, #tpu.memory_space<hbm>>, %arg5: memref<2560x128xi32, #tpu.memory_space<hbm>>, %arg6: memref<128x128xf32, #tpu.memory_space<hbm>>, %arg7: memref<2x10240x128xf32, #tpu.memory_space<hbm>>, %arg8: memref<32x64xi32, #tpu.memory_space<vmem>>, %arg9: memref<16x128xi32, #tpu.memory_space<vmem>>, %arg10: memref<128x128xf32, #tpu.memory_space<vmem>>, %arg11: memref<128x128xf32, #tpu.memory_space<vmem>>, %arg12: memref<10240x128xf32, #tpu.memory_space<vmem_shared>>, %arg13: memref<!tpu.dma_semaphore, #tpu.memory_space<semaphore_mem>>, %arg14: memref<!tpu.dma_semaphore, #tpu.memory_space<semaphore_mem>>, %arg15: memref<!tpu.dma_semaphore, #tpu.memory_space<semaphore_mem>>, %arg16: memref<!tpu.dma_semaphore, #tpu.memory_space<semaphore_mem>>) attributes {dimension_semantics = [#tpu.dimension_semantics<core_parallel>, #tpu.dimension_semantics<subcore_parallel>], iteration_bounds = array<i64: 2, 16>, scalar_prefetch = 0 : i64, scratch_operands = 9 : i64, tpu.core_type = #tpu.core_type<sc_vector_subcore>, window_params = [{transform_indices = #map}, {transform_indices = #map}, {transform_indices = #map}, {transform_indices = #map}, {transform_indices = #map}, {transform_indices = #map1}]} {
    "tpu.region"() ({
      %run_scoped3A = tpu.sem_alloc : memref<!tpu.dma_semaphore, #tpu.memory_space<semaphore_mem>>
      tpu.enqueue_dma source(%arg6 : memref<128x128xf32, #tpu.memory_space<hbm>>) target(%arg10 : memref<128x128xf32, #tpu.memory_space<vmem>>) target_semaphore(%run_scoped3A : memref<!tpu.dma_semaphore, #tpu.memory_space<semaphore_mem>>)
      tpu.wait_dma2 semaphore(%run_scoped3A : memref<!tpu.dma_semaphore, #tpu.memory_space<semaphore_mem>>) src(%arg6 : memref<128x128xf32, #tpu.memory_space<hbm>>) dst(%arg10 : memref<128x128xf32, #tpu.memory_space<vmem>>)
      tpu.yield
    }) : () -> ()
    %scan3A = arith.constant 0 : i32
    %scan3A_0 = arith.constant 0 : i32
    %scan3A_1 = arith.constant 5 : i32
    %scan3A_2 = arith.addi %scan3A_0, %scan3A_1 : i32
    %scan3A_3 = arith.constant 1 : i32
    scf.for %scan3A_30 = %scan3A_0 to %scan3A_2 step %scan3A_3  : i32 {
      %mul3A_31 = arith.constant 640 : i32
      %mul3A_32 = arith.muli %arg1, %mul3A_31 : i32
      %mul3A_33 = arith.constant 128 : i32
      %mul3A_34 = arith.muli %scan3A_30, %mul3A_33 : i32
      %add3A_35 = arith.addi %mul3A_32, %mul3A_34 : i32
      "tpu.region"() ({
        %run_scoped3A = tpu.sem_alloc : memref<!tpu.dma_semaphore, #tpu.memory_space<semaphore_mem>>
        %dma_start3A = arith.constant 0 : i32
        %dma_start3A_36 = tpu.memref_slice %arg12[%add3A_35, %dma_start3A] : memref<10240x128xf32, #tpu.memory_space<vmem_shared>> -> memref<128x128xf32, #tpu.memory_space<vmem_shared>>
        %dma_start3A_37 = arith.constant 0 : i32
        %dma_start3A_38 = tpu.memref_slice %arg12[%add3A_35, %dma_start3A_37] : memref<10240x128xf32, #tpu.memory_space<vmem_shared>> -> memref<128x128xf32, #tpu.memory_space<vmem_shared>>
        tpu.enqueue_dma source(%arg10 : memref<128x128xf32, #tpu.memory_space<vmem>>) target(%dma_start3A_38 : memref<128x128xf32, #tpu.memory_space<vmem_shared>>) target_semaphore(%run_scoped3A : memref<!tpu.dma_semaphore, #tpu.memory_space<semaphore_mem>>)
        %dma_wait3A = arith.constant 0 : i32
        %dma_wait3A_39 = tpu.memref_slice %arg12[%add3A_35, %dma_wait3A] : memref<10240x128xf32, #tpu.memory_space<vmem_shared>> -> memref<128x128xf32, #tpu.memory_space<vmem_shared>>
        %dma_wait3A_40 = arith.constant 0 : i32
        %dma_wait3A_41 = tpu.memref_slice %arg12[%add3A_35, %dma_wait3A_40] : memref<10240x128xf32, #tpu.memory_space<vmem_shared>> -> memref<128x128xf32, #tpu.memory_space<vmem_shared>>
        tpu.wait_dma2 semaphore(%run_scoped3A : memref<!tpu.dma_semaphore, #tpu.memory_space<semaphore_mem>>) src(%arg10 : memref<128x128xf32, #tpu.memory_space<vmem>>) dst(%dma_wait3A_41 : memref<128x128xf32, #tpu.memory_space<vmem_shared>>)
        tpu.yield
      }) : () -> ()
    }
    %scan3A_4 = arith.constant 5 : i32
    %barrier3A = arith.constant 0 : index
    tpu.barrier barrier_id(%barrier3A)
    %eq3A = arith.constant 0 : i32
    %eq3A_5 = arith.cmpi eq, %arg0, %eq3A : i32
    %mul3A = arith.constant 144 : i32
    %mul3A_6 = arith.muli %arg1, %mul3A : i32
    %mul3A_7 = arith.constant 16 : i32
    %mul3A_8 = arith.muli %arg1, %mul3A_7 : i32
    %add3A = arith.constant 2304 : i32
    %add3A_9 = arith.addi %add3A, %mul3A_8 : i32
    %select_n3A = arith.select %eq3A_5, %mul3A_6, %add3A_9 : i32
    %eq3A_10 = arith.constant 0 : i32
    %eq3A_11 = arith.cmpi eq, %arg0, %eq3A_10 : i32
    %jit3A = arith.constant 9 : i32
    %jit3A_12 = arith.constant 1 : i32
    %select_n3A_13 = arith.select %eq3A_11, %jit3A, %jit3A_12 : i32
    %while3A = arith.constant 0 : i32
    %while3A_14 = arith.constant 0 : i32
    %while3A_15 = arith.subi %select_n3A_13, %while3A_14 : i32
    %while3A_16 = arith.addi %while3A_14, %while3A_15 : i32
    %while3A_17 = arith.constant 1 : i32
    %while3A_18 = arith.divsi %while3A_15, %while3A_17 : i32
    %while3A_19 = arith.muli %while3A_18, %while3A_17 : i32
    %while3A_20 = arith.addi %while3A_14, %while3A_19 : i32
    %while3A_21 = arith.constant 1 : i32
    scf.for %while3A_30 = %while3A_14 to %while3A_20 step %while3A_21  : i32 {
      %mul3A_31 = arith.constant 16 : i32
      %mul3A_32 = arith.muli %while3A_30, %mul3A_31 : i32
      %add3A_33 = arith.addi %select_n3A, %mul3A_32 : i32
      %mul3A_34 = arith.constant 2 : i32
      %mul3A_35 = arith.muli %mul3A_34, %add3A_33 : i32
      "tpu.region"() ({
        %run_scoped3A = tpu.sem_alloc : memref<!tpu.dma_semaphore, #tpu.memory_space<semaphore_mem>>
        %dma_start3A_64 = arith.constant 0 : i32
        %dma_start3A_65 = tpu.memref_slice %arg3[%mul3A_35, %dma_start3A_64] : memref<5120x64xi32, #tpu.memory_space<hbm>> -> memref<32x64xi32, #tpu.memory_space<hbm>>
        %dma_start3A_66 = arith.constant 0 : i32
        %dma_start3A_67 = tpu.memref_slice %arg3[%mul3A_35, %dma_start3A_66] : memref<5120x64xi32, #tpu.memory_space<hbm>> -> memref<32x64xi32, #tpu.memory_space<hbm>>
        tpu.enqueue_dma source(%dma_start3A_67 : memref<32x64xi32, #tpu.memory_space<hbm>>) target(%arg8 : memref<32x64xi32, #tpu.memory_space<vmem>>) target_semaphore(%run_scoped3A : memref<!tpu.dma_semaphore, #tpu.memory_space<semaphore_mem>>)
        %dma_wait3A = arith.constant 0 : i32
        %dma_wait3A_68 = tpu.memref_slice %arg3[%mul3A_35, %dma_wait3A] : memref<5120x64xi32, #tpu.memory_space<hbm>> -> memref<32x64xi32, #tpu.memory_space<hbm>>
        %dma_wait3A_69 = arith.constant 0 : i32
        %dma_wait3A_70 = tpu.memref_slice %arg3[%mul3A_35, %dma_wait3A_69] : memref<5120x64xi32, #tpu.memory_space<hbm>> -> memref<32x64xi32, #tpu.memory_space<hbm>>
        tpu.wait_dma2 semaphore(%run_scoped3A : memref<!tpu.dma_semaphore, #tpu.memory_space<semaphore_mem>>) src(%dma_wait3A_70 : memref<32x64xi32, #tpu.memory_space<hbm>>) dst(%arg8 : memref<32x64xi32, #tpu.memory_space<vmem>>)
        tpu.yield
      }) : () -> ()
      %mul3A_36 = arith.constant 16 : i32
      %mul3A_37 = arith.muli %while3A_30, %mul3A_36 : i32
      %add3A_38 = arith.addi %select_n3A, %mul3A_37 : i32
      "tpu.region"() ({
        %run_scoped3A = tpu.sem_alloc : memref<!tpu.dma_semaphore, #tpu.memory_space<semaphore_mem>>
        %dma_start3A_64 = arith.constant 0 : i32
        %dma_start3A_65 = tpu.memref_slice %arg5[%add3A_38, %dma_start3A_64] : memref<2560x128xi32, #tpu.memory_space<hbm>> -> memref<16x128xi32, #tpu.memory_space<hbm>>
        %dma_start3A_66 = arith.constant 0 : i32
        %dma_start3A_67 = tpu.memref_slice %arg5[%add3A_38, %dma_start3A_66] : memref<2560x128xi32, #tpu.memory_space<hbm>> -> memref<16x128xi32, #tpu.memory_space<hbm>>
        tpu.enqueue_dma source(%dma_start3A_67 : memref<16x128xi32, #tpu.memory_space<hbm>>) target(%arg9 : memref<16x128xi32, #tpu.memory_space<vmem>>) target_semaphore(%run_scoped3A : memref<!tpu.dma_semaphore, #tpu.memory_space<semaphore_mem>>)
        %dma_wait3A = arith.constant 0 : i32
        %dma_wait3A_68 = tpu.memref_slice %arg5[%add3A_38, %dma_wait3A] : memref<2560x128xi32, #tpu.memory_space<hbm>> -> memref<16x128xi32, #tpu.memory_space<hbm>>
        %dma_wait3A_69 = arith.constant 0 : i32
        %dma_wait3A_70 = tpu.memref_slice %arg5[%add3A_38, %dma_wait3A_69] : memref<2560x128xi32, #tpu.memory_space<hbm>> -> memref<16x128xi32, #tpu.memory_space<hbm>>
        tpu.wait_dma2 semaphore(%run_scoped3A : memref<!tpu.dma_semaphore, #tpu.memory_space<semaphore_mem>>) src(%dma_wait3A_70 : memref<16x128xi32, #tpu.memory_space<hbm>>) dst(%arg9 : memref<16x128xi32, #tpu.memory_space<vmem>>)
        tpu.yield
      }) : () -> ()
      %dma_start3A = arith.constant 0 : i32
      %dma_start3A_39 = arith.constant 0 : i32
      %dma_start3A_40 = arith.constant 0 : i32
      %dma_start3A_41 = tpu.memref_slice %arg10[%dma_start3A_39, %dma_start3A_40] : memref<128x128xf32, #tpu.memory_space<vmem>> -> memref<64x128xf32, #tpu.memory_space<vmem>>
      %dma_start3A_42 = arith.constant 0 : i32
      %dma_start3A_43 = tpu.memref_slice %arg8[%dma_start3A, %dma_start3A_42] : memref<32x64xi32, #tpu.memory_space<vmem>> -> memref<1x64xi32, #tpu.memory_space<vmem>>
      %dma_start3A_44 = tpu.memref_squeeze %dma_start3A_43 : memref<1x64xi32, #tpu.memory_space<vmem>> -> memref<64xi32, #tpu.memory_space<vmem>>
      %dma_start3A_45 = arith.constant 0 : i32
      %dma_start3A_46 = arith.constant 0 : i32
      %dma_start3A_47 = tpu.memref_slice %arg2[%dma_start3A_45, %dma_start3A_46] : memref<10000x128xf32, #tpu.memory_space<hbm>> -> memref<10000x128xf32, #tpu.memory_space<hbm>>
      tpu.enqueue_indirect_dma source(%dma_start3A_47 : memref<10000x128xf32, #tpu.memory_space<hbm>>) target(%dma_start3A_41 : memref<64x128xf32, #tpu.memory_space<vmem>>) offsets(%dma_start3A_44 : memref<64xi32, #tpu.memory_space<vmem>>) semaphore(%arg13 : memref<!tpu.dma_semaphore, #tpu.memory_space<semaphore_mem>>)
      %dma_start3A_48 = arith.constant 1 : i32
      %dma_start3A_49 = arith.constant 64 : i32
      %dma_start3A_50 = arith.constant 0 : i32
      %dma_start3A_51 = tpu.memref_slice %arg10[%dma_start3A_49, %dma_start3A_50] : memref<128x128xf32, #tpu.memory_space<vmem>> -> memref<64x128xf32, #tpu.memory_space<vmem>>
      %dma_start3A_52 = arith.constant 0 : i32
      %dma_start3A_53 = tpu.memref_slice %arg8[%dma_start3A_48, %dma_start3A_52] : memref<32x64xi32, #tpu.memory_space<vmem>> -> memref<1x64xi32, #tpu.memory_space<vmem>>
      %dma_start3A_54 = tpu.memref_squeeze %dma_start3A_53 : memref<1x64xi32, #tpu.memory_space<vmem>> -> memref<64xi32, #tpu.memory_space<vmem>>
      %dma_start3A_55 = arith.constant 0 : i32
      %dma_start3A_56 = arith.constant 0 : i32
      %dma_start3A_57 = tpu.memref_slice %arg2[%dma_start3A_55, %dma_start3A_56] : memref<10000x128xf32, #tpu.memory_space<hbm>> -> memref<10000x128xf32, #tpu.memory_space<hbm>>
      tpu.enqueue_indirect_dma source(%dma_start3A_57 : memref<10000x128xf32, #tpu.memory_space<hbm>>) target(%dma_start3A_51 : memref<64x128xf32, #tpu.memory_space<vmem>>) offsets(%dma_start3A_54 : memref<64xi32, #tpu.memory_space<vmem>>) semaphore(%arg14 : memref<!tpu.dma_semaphore, #tpu.memory_space<semaphore_mem>>)
      %scan3A_58 = arith.constant 0 : i32
      %scan3A_59 = arith.constant 0 : i32
      %scan3A_60 = arith.constant 8 : i32
      %scan3A_61 = arith.addi %scan3A_59, %scan3A_60 : i32
      %scan3A_62 = arith.constant 1 : i32
      scf.for %scan3A_64 = %scan3A_59 to %scan3A_61 step %scan3A_62  : i32 {
        %mul3A_65 = arith.constant 2 : i32
        %mul3A_66 = arith.muli %mul3A_65, %scan3A_64 : i32
        %add3A_67 = arith.constant 1 : i32
        %add3A_68 = arith.addi %mul3A_66, %add3A_67 : i32
        %mul3A_69 = arith.constant 2 : i32
        %mul3A_70 = arith.muli %mul3A_69, %add3A_68 : i32
        %add3A_71 = arith.constant 0 : i32
        %add3A_72 = arith.addi %mul3A_70, %add3A_71 : i32
        %dma_start3A_73 = arith.constant 0 : i32
        %dma_start3A_74 = arith.constant 0 : i32
        %dma_start3A_75 = tpu.memref_slice %arg11[%dma_start3A_73, %dma_start3A_74] : memref<128x128xf32, #tpu.memory_space<vmem>> -> memref<64x128xf32, #tpu.memory_space<vmem>>
        %dma_start3A_76 = arith.constant 0 : i32
        %dma_start3A_77 = tpu.memref_slice %arg8[%add3A_72, %dma_start3A_76] : memref<32x64xi32, #tpu.memory_space<vmem>> -> memref<1x64xi32, #tpu.memory_space<vmem>>
        %dma_start3A_78 = tpu.memref_squeeze %dma_start3A_77 : memref<1x64xi32, #tpu.memory_space<vmem>> -> memref<64xi32, #tpu.memory_space<vmem>>
        %dma_start3A_79 = arith.constant 0 : i32
        %dma_start3A_80 = arith.constant 0 : i32
        %dma_start3A_81 = tpu.memref_slice %arg2[%dma_start3A_79, %dma_start3A_80] : memref<10000x128xf32, #tpu.memory_space<hbm>> -> memref<10000x128xf32, #tpu.memory_space<hbm>>
        tpu.enqueue_indirect_dma source(%dma_start3A_81 : memref<10000x128xf32, #tpu.memory_space<hbm>>) target(%dma_start3A_75 : memref<64x128xf32, #tpu.memory_space<vmem>>) offsets(%dma_start3A_78 : memref<64xi32, #tpu.memory_space<vmem>>) semaphore(%arg15 : memref<!tpu.dma_semaphore, #tpu.memory_space<semaphore_mem>>)
        %mul3A_82 = arith.constant 2 : i32
        %mul3A_83 = arith.muli %mul3A_82, %add3A_68 : i32
        %add3A_84 = arith.constant 1 : i32
        %add3A_85 = arith.addi %mul3A_83, %add3A_84 : i32
        %dma_start3A_86 = arith.constant 64 : i32
        %dma_start3A_87 = arith.constant 0 : i32
        %dma_start3A_88 = tpu.memref_slice %arg11[%dma_start3A_86, %dma_start3A_87] : memref<128x128xf32, #tpu.memory_space<vmem>> -> memref<64x128xf32, #tpu.memory_space<vmem>>
        %dma_start3A_89 = arith.constant 0 : i32
        %dma_start3A_90 = tpu.memref_slice %arg8[%add3A_85, %dma_start3A_89] : memref<32x64xi32, #tpu.memory_space<vmem>> -> memref<1x64xi32, #tpu.memory_space<vmem>>
        %dma_start3A_91 = tpu.memref_squeeze %dma_start3A_90 : memref<1x64xi32, #tpu.memory_space<vmem>> -> memref<64xi32, #tpu.memory_space<vmem>>
        %dma_start3A_92 = arith.constant 0 : i32
        %dma_start3A_93 = arith.constant 0 : i32
        %dma_start3A_94 = tpu.memref_slice %arg2[%dma_start3A_92, %dma_start3A_93] : memref<10000x128xf32, #tpu.memory_space<hbm>> -> memref<10000x128xf32, #tpu.memory_space<hbm>>
        tpu.enqueue_indirect_dma source(%dma_start3A_94 : memref<10000x128xf32, #tpu.memory_space<hbm>>) target(%dma_start3A_88 : memref<64x128xf32, #tpu.memory_space<vmem>>) offsets(%dma_start3A_91 : memref<64xi32, #tpu.memory_space<vmem>>) semaphore(%arg16 : memref<!tpu.dma_semaphore, #tpu.memory_space<semaphore_mem>>)
        %mul3A_95 = arith.constant 2 : i32
        %mul3A_96 = arith.muli %mul3A_95, %mul3A_66 : i32
        %add3A_97 = arith.constant 0 : i32
        %add3A_98 = arith.addi %mul3A_96, %add3A_97 : i32
        %dma_wait3A = arith.constant 0 : i32
        %dma_wait3A_99 = arith.constant 0 : i32
        %dma_wait3A_100 = tpu.memref_slice %arg10[%dma_wait3A, %dma_wait3A_99] : memref<128x128xf32, #tpu.memory_space<vmem>> -> memref<64x128xf32, #tpu.memory_space<vmem>>
        %dma_wait3A_101 = arith.constant 0 : i32
        %dma_wait3A_102 = tpu.memref_slice %arg8[%add3A_98, %dma_wait3A_101] : memref<32x64xi32, #tpu.memory_space<vmem>> -> memref<1x64xi32, #tpu.memory_space<vmem>>
        %dma_wait3A_103 = tpu.memref_squeeze %dma_wait3A_102 : memref<1x64xi32, #tpu.memory_space<vmem>> -> memref<64xi32, #tpu.memory_space<vmem>>
        %dma_wait3A_104 = arith.constant 0 : i32
        %dma_wait3A_105 = arith.constant 0 : i32
        %dma_wait3A_106 = tpu.memref_slice %arg2[%dma_wait3A_104, %dma_wait3A_105] : memref<10000x128xf32, #tpu.memory_space<hbm>> -> memref<10000x128xf32, #tpu.memory_space<hbm>>
        tpu.wait_indirect_dma semaphore(%arg13 : memref<!tpu.dma_semaphore, #tpu.memory_space<semaphore_mem>>) src(%dma_wait3A_106 : memref<10000x128xf32, #tpu.memory_space<hbm>>) dst(%dma_wait3A_100 : memref<64x128xf32, #tpu.memory_space<vmem>>)
        %mul3A_107 = arith.constant 2 : i32
        %mul3A_108 = arith.muli %mul3A_107, %mul3A_66 : i32
        %add3A_109 = arith.constant 1 : i32
        %add3A_110 = arith.addi %mul3A_108, %add3A_109 : i32
        %dma_wait3A_111 = arith.constant 64 : i32
        %dma_wait3A_112 = arith.constant 0 : i32
        %dma_wait3A_113 = tpu.memref_slice %arg10[%dma_wait3A_111, %dma_wait3A_112] : memref<128x128xf32, #tpu.memory_space<vmem>> -> memref<64x128xf32, #tpu.memory_space<vmem>>
        %dma_wait3A_114 = arith.constant 0 : i32
        %dma_wait3A_115 = tpu.memref_slice %arg8[%add3A_110, %dma_wait3A_114] : memref<32x64xi32, #tpu.memory_space<vmem>> -> memref<1x64xi32, #tpu.memory_space<vmem>>
        %dma_wait3A_116 = tpu.memref_squeeze %dma_wait3A_115 : memref<1x64xi32, #tpu.memory_space<vmem>> -> memref<64xi32, #tpu.memory_space<vmem>>
        %dma_wait3A_117 = arith.constant 0 : i32
        %dma_wait3A_118 = arith.constant 0 : i32
        %dma_wait3A_119 = tpu.memref_slice %arg2[%dma_wait3A_117, %dma_wait3A_118] : memref<10000x128xf32, #tpu.memory_space<hbm>> -> memref<10000x128xf32, #tpu.memory_space<hbm>>
        tpu.wait_indirect_dma semaphore(%arg14 : memref<!tpu.dma_semaphore, #tpu.memory_space<semaphore_mem>>) src(%dma_wait3A_119 : memref<10000x128xf32, #tpu.memory_space<hbm>>) dst(%dma_wait3A_113 : memref<64x128xf32, #tpu.memory_space<vmem>>)
        "tpu.region"() ({
          %run_scoped3A = tpu.sem_alloc : memref<!tpu.dma_semaphore, #tpu.memory_space<semaphore_mem>>
          %dma_start3A_152 = arith.constant 0 : i32
          %dma_start3A_153 = tpu.memref_slice %arg9[%mul3A_66, %dma_start3A_152] : memref<16x128xi32, #tpu.memory_space<vmem>> -> memref<1x128xi32, #tpu.memory_space<vmem>>
          %dma_start3A_154 = tpu.memref_squeeze %dma_start3A_153 : memref<1x128xi32, #tpu.memory_space<vmem>> -> memref<128xi32, #tpu.memory_space<vmem>>
          %dma_start3A_155 = arith.constant 0 : i32
          %dma_start3A_156 = arith.constant 0 : i32
          %dma_start3A_157 = tpu.memref_slice %arg12[%dma_start3A_155, %dma_start3A_156] : memref<10240x128xf32, #tpu.memory_space<vmem_shared>> -> memref<10240x128xf32, #tpu.memory_space<vmem_shared>>
          tpu.enqueue_indirect_dma source(%arg10 : memref<128x128xf32, #tpu.memory_space<vmem>>) target(%dma_start3A_157 : memref<10240x128xf32, #tpu.memory_space<vmem_shared>>) offsets(%dma_start3A_154 : memref<128xi32, #tpu.memory_space<vmem>>) semaphore(%run_scoped3A : memref<!tpu.dma_semaphore, #tpu.memory_space<semaphore_mem>>) {add = true}
          %dma_wait3A_158 = arith.constant 0 : i32
          %dma_wait3A_159 = tpu.memref_slice %arg9[%mul3A_66, %dma_wait3A_158] : memref<16x128xi32, #tpu.memory_space<vmem>> -> memref<1x128xi32, #tpu.memory_space<vmem>>
          %dma_wait3A_160 = tpu.memref_squeeze %dma_wait3A_159 : memref<1x128xi32, #tpu.memory_space<vmem>> -> memref<128xi32, #tpu.memory_space<vmem>>
          %dma_wait3A_161 = arith.constant 0 : i32
          %dma_wait3A_162 = arith.constant 0 : i32
          %dma_wait3A_163 = tpu.memref_slice %arg12[%dma_wait3A_161, %dma_wait3A_162] : memref<10240x128xf32, #tpu.memory_space<vmem_shared>> -> memref<10240x128xf32, #tpu.memory_space<vmem_shared>>
          tpu.wait_indirect_dma semaphore(%run_scoped3A : memref<!tpu.dma_semaphore, #tpu.memory_space<semaphore_mem>>) src(%arg10 : memref<128x128xf32, #tpu.memory_space<vmem>>) dst(%dma_wait3A_163 : memref<10240x128xf32, #tpu.memory_space<vmem_shared>>)
          tpu.yield
        }) : () -> ()
        %lt3A = arith.constant 7 : i32
        %lt3A_120 = arith.cmpi slt, %scan3A_64, %lt3A : i32
        %convert_element_type3A = arith.extui %lt3A_120 : i1 to i32
        %cond3A = arith.constant 0 : i32
        %cond3A_121 = arith.cmpi ne, %convert_element_type3A, %cond3A : i32
        scf.if %cond3A_121 {
          %add3A_152 = arith.constant 2 : i32
          %add3A_153 = arith.addi %mul3A_66, %add3A_152 : i32
          %mul3A_154 = arith.constant 2 : i32
          %mul3A_155 = arith.muli %mul3A_154, %add3A_153 : i32
          %add3A_156 = arith.constant 0 : i32
          %add3A_157 = arith.addi %mul3A_155, %add3A_156 : i32
          %dma_start3A_158 = arith.constant 0 : i32
          %dma_start3A_159 = arith.constant 0 : i32
          %dma_start3A_160 = tpu.memref_slice %arg10[%dma_start3A_158, %dma_start3A_159] : memref<128x128xf32, #tpu.memory_space<vmem>> -> memref<64x128xf32, #tpu.memory_space<vmem>>
          %dma_start3A_161 = arith.constant 0 : i32
          %dma_start3A_162 = tpu.memref_slice %arg8[%add3A_157, %dma_start3A_161] : memref<32x64xi32, #tpu.memory_space<vmem>> -> memref<1x64xi32, #tpu.memory_space<vmem>>
          %dma_start3A_163 = tpu.memref_squeeze %dma_start3A_162 : memref<1x64xi32, #tpu.memory_space<vmem>> -> memref<64xi32, #tpu.memory_space<vmem>>
          %dma_start3A_164 = arith.constant 0 : i32
          %dma_start3A_165 = arith.constant 0 : i32
          %dma_start3A_166 = tpu.memref_slice %arg2[%dma_start3A_164, %dma_start3A_165] : memref<10000x128xf32, #tpu.memory_space<hbm>> -> memref<10000x128xf32, #tpu.memory_space<hbm>>
          tpu.enqueue_indirect_dma source(%dma_start3A_166 : memref<10000x128xf32, #tpu.memory_space<hbm>>) target(%dma_start3A_160 : memref<64x128xf32, #tpu.memory_space<vmem>>) offsets(%dma_start3A_163 : memref<64xi32, #tpu.memory_space<vmem>>) semaphore(%arg13 : memref<!tpu.dma_semaphore, #tpu.memory_space<semaphore_mem>>)
          %mul3A_167 = arith.constant 2 : i32
          %mul3A_168 = arith.muli %mul3A_167, %add3A_153 : i32
          %add3A_169 = arith.constant 1 : i32
          %add3A_170 = arith.addi %mul3A_168, %add3A_169 : i32
          %dma_start3A_171 = arith.constant 64 : i32
          %dma_start3A_172 = arith.constant 0 : i32
          %dma_start3A_173 = tpu.memref_slice %arg10[%dma_start3A_171, %dma_start3A_172] : memref<128x128xf32, #tpu.memory_space<vmem>> -> memref<64x128xf32, #tpu.memory_space<vmem>>
          %dma_start3A_174 = arith.constant 0 : i32
          %dma_start3A_175 = tpu.memref_slice %arg8[%add3A_170, %dma_start3A_174] : memref<32x64xi32, #tpu.memory_space<vmem>> -> memref<1x64xi32, #tpu.memory_space<vmem>>
          %dma_start3A_176 = tpu.memref_squeeze %dma_start3A_175 : memref<1x64xi32, #tpu.memory_space<vmem>> -> memref<64xi32, #tpu.memory_space<vmem>>
          %dma_start3A_177 = arith.constant 0 : i32
          %dma_start3A_178 = arith.constant 0 : i32
          %dma_start3A_179 = tpu.memref_slice %arg2[%dma_start3A_177, %dma_start3A_178] : memref<10000x128xf32, #tpu.memory_space<hbm>> -> memref<10000x128xf32, #tpu.memory_space<hbm>>
          tpu.enqueue_indirect_dma source(%dma_start3A_179 : memref<10000x128xf32, #tpu.memory_space<hbm>>) target(%dma_start3A_173 : memref<64x128xf32, #tpu.memory_space<vmem>>) offsets(%dma_start3A_176 : memref<64xi32, #tpu.memory_space<vmem>>) semaphore(%arg14 : memref<!tpu.dma_semaphore, #tpu.memory_space<semaphore_mem>>)
        } else {
        }
        %add3A_122 = arith.constant 1 : i32
        %add3A_123 = arith.addi %mul3A_66, %add3A_122 : i32
        %mul3A_124 = arith.constant 2 : i32
        %mul3A_125 = arith.muli %mul3A_124, %add3A_123 : i32
        %add3A_126 = arith.constant 0 : i32
        %add3A_127 = arith.addi %mul3A_125, %add3A_126 : i32
        %dma_wait3A_128 = arith.constant 0 : i32
        %dma_wait3A_129 = arith.constant 0 : i32
        %dma_wait3A_130 = tpu.memref_slice %arg11[%dma_wait3A_128, %dma_wait3A_129] : memref<128x128xf32, #tpu.memory_space<vmem>> -> memref<64x128xf32, #tpu.memory_space<vmem>>
        %dma_wait3A_131 = arith.constant 0 : i32
        %dma_wait3A_132 = tpu.memref_slice %arg8[%add3A_127, %dma_wait3A_131] : memref<32x64xi32, #tpu.memory_space<vmem>> -> memref<1x64xi32, #tpu.memory_space<vmem>>
        %dma_wait3A_133 = tpu.memref_squeeze %dma_wait3A_132 : memref<1x64xi32, #tpu.memory_space<vmem>> -> memref<64xi32, #tpu.memory_space<vmem>>
        %dma_wait3A_134 = arith.constant 0 : i32
        %dma_wait3A_135 = arith.constant 0 : i32
        %dma_wait3A_136 = tpu.memref_slice %arg2[%dma_wait3A_134, %dma_wait3A_135] : memref<10000x128xf32, #tpu.memory_space<hbm>> -> memref<10000x128xf32, #tpu.memory_space<hbm>>
        tpu.wait_indirect_dma semaphore(%arg15 : memref<!tpu.dma_semaphore, #tpu.memory_space<semaphore_mem>>) src(%dma_wait3A_136 : memref<10000x128xf32, #tpu.memory_space<hbm>>) dst(%dma_wait3A_130 : memref<64x128xf32, #tpu.memory_space<vmem>>)
        %mul3A_137 = arith.constant 2 : i32
        %mul3A_138 = arith.muli %mul3A_137, %add3A_123 : i32
        %add3A_139 = arith.constant 1 : i32
        %add3A_140 = arith.addi %mul3A_138, %add3A_139 : i32
        %dma_wait3A_141 = arith.constant 64 : i32
        %dma_wait3A_142 = arith.constant 0 : i32
        %dma_wait3A_143 = tpu.memref_slice %arg11[%dma_wait3A_141, %dma_wait3A_142] : memref<128x128xf32, #tpu.memory_space<vmem>> -> memref<64x128xf32, #tpu.memory_space<vmem>>
        %dma_wait3A_144 = arith.constant 0 : i32
        %dma_wait3A_145 = tpu.memref_slice %arg8[%add3A_140, %dma_wait3A_144] : memref<32x64xi32, #tpu.memory_space<vmem>> -> memref<1x64xi32, #tpu.memory_space<vmem>>
        %dma_wait3A_146 = tpu.memref_squeeze %dma_wait3A_145 : memref<1x64xi32, #tpu.memory_space<vmem>> -> memref<64xi32, #tpu.memory_space<vmem>>
        %dma_wait3A_147 = arith.constant 0 : i32
        %dma_wait3A_148 = arith.constant 0 : i32
        %dma_wait3A_149 = tpu.memref_slice %arg2[%dma_wait3A_147, %dma_wait3A_148] : memref<10000x128xf32, #tpu.memory_space<hbm>> -> memref<10000x128xf32, #tpu.memory_space<hbm>>
        tpu.wait_indirect_dma semaphore(%arg16 : memref<!tpu.dma_semaphore, #tpu.memory_space<semaphore_mem>>) src(%dma_wait3A_149 : memref<10000x128xf32, #tpu.memory_space<hbm>>) dst(%dma_wait3A_143 : memref<64x128xf32, #tpu.memory_space<vmem>>)
        %add3A_150 = arith.constant 1 : i32
        %add3A_151 = arith.addi %mul3A_66, %add3A_150 : i32
        "tpu.region"() ({
          %run_scoped3A = tpu.sem_alloc : memref<!tpu.dma_semaphore, #tpu.memory_space<semaphore_mem>>
          %dma_start3A_152 = arith.constant 0 : i32
          %dma_start3A_153 = tpu.memref_slice %arg9[%add3A_151, %dma_start3A_152] : memref<16x128xi32, #tpu.memory_space<vmem>> -> memref<1x128xi32, #tpu.memory_space<vmem>>
          %dma_start3A_154 = tpu.memref_squeeze %dma_start3A_153 : memref<1x128xi32, #tpu.memory_space<vmem>> -> memref<128xi32, #tpu.memory_space<vmem>>
          %dma_start3A_155 = arith.constant 0 : i32
          %dma_start3A_156 = arith.constant 0 : i32
          %dma_start3A_157 = tpu.memref_slice %arg12[%dma_start3A_155, %dma_start3A_156] : memref<10240x128xf32, #tpu.memory_space<vmem_shared>> -> memref<10240x128xf32, #tpu.memory_space<vmem_shared>>
          tpu.enqueue_indirect_dma source(%arg11 : memref<128x128xf32, #tpu.memory_space<vmem>>) target(%dma_start3A_157 : memref<10240x128xf32, #tpu.memory_space<vmem_shared>>) offsets(%dma_start3A_154 : memref<128xi32, #tpu.memory_space<vmem>>) semaphore(%run_scoped3A : memref<!tpu.dma_semaphore, #tpu.memory_space<semaphore_mem>>) {add = true}
          %dma_wait3A_158 = arith.constant 0 : i32
          %dma_wait3A_159 = tpu.memref_slice %arg9[%add3A_151, %dma_wait3A_158] : memref<16x128xi32, #tpu.memory_space<vmem>> -> memref<1x128xi32, #tpu.memory_space<vmem>>
          %dma_wait3A_160 = tpu.memref_squeeze %dma_wait3A_159 : memref<1x128xi32, #tpu.memory_space<vmem>> -> memref<128xi32, #tpu.memory_space<vmem>>
          %dma_wait3A_161 = arith.constant 0 : i32
          %dma_wait3A_162 = arith.constant 0 : i32
          %dma_wait3A_163 = tpu.memref_slice %arg12[%dma_wait3A_161, %dma_wait3A_162] : memref<10240x128xf32, #tpu.memory_space<vmem_shared>> -> memref<10240x128xf32, #tpu.memory_space<vmem_shared>>
          tpu.wait_indirect_dma semaphore(%run_scoped3A : memref<!tpu.dma_semaphore, #tpu.memory_space<semaphore_mem>>) src(%arg11 : memref<128x128xf32, #tpu.memory_space<vmem>>) dst(%dma_wait3A_163 : memref<10240x128xf32, #tpu.memory_space<vmem_shared>>)
          tpu.yield
        }) : () -> ()
      }
      %scan3A_63 = arith.constant 8 : i32
    }
    %while3A_22 = arith.constant 1 : i32
    scf.for %while3A_30 = %while3A_20 to %while3A_16 step %while3A_22  : i32 {
      %mul3A_31 = arith.constant 16 : i32
      %mul3A_32 = arith.muli %while3A_30, %mul3A_31 : i32
      %add3A_33 = arith.addi %select_n3A, %mul3A_32 : i32
      %mul3A_34 = arith.constant 2 : i32
      %mul3A_35 = arith.muli %mul3A_34, %add3A_33 : i32
      "tpu.region"() ({
        %run_scoped3A = tpu.sem_alloc : memref<!tpu.dma_semaphore, #tpu.memory_space<semaphore_mem>>
        %dma_start3A_64 = arith.constant 0 : i32
        %dma_start3A_65 = tpu.memref_slice %arg3[%mul3A_35, %dma_start3A_64] : memref<5120x64xi32, #tpu.memory_space<hbm>> -> memref<32x64xi32, #tpu.memory_space<hbm>>
        %dma_start3A_66 = arith.constant 0 : i32
        %dma_start3A_67 = tpu.memref_slice %arg3[%mul3A_35, %dma_start3A_66] : memref<5120x64xi32, #tpu.memory_space<hbm>> -> memref<32x64xi32, #tpu.memory_space<hbm>>
        tpu.enqueue_dma source(%dma_start3A_67 : memref<32x64xi32, #tpu.memory_space<hbm>>) target(%arg8 : memref<32x64xi32, #tpu.memory_space<vmem>>) target_semaphore(%run_scoped3A : memref<!tpu.dma_semaphore, #tpu.memory_space<semaphore_mem>>)
        %dma_wait3A = arith.constant 0 : i32
        %dma_wait3A_68 = tpu.memref_slice %arg3[%mul3A_35, %dma_wait3A] : memref<5120x64xi32, #tpu.memory_space<hbm>> -> memref<32x64xi32, #tpu.memory_space<hbm>>
        %dma_wait3A_69 = arith.constant 0 : i32
        %dma_wait3A_70 = tpu.memref_slice %arg3[%mul3A_35, %dma_wait3A_69] : memref<5120x64xi32, #tpu.memory_space<hbm>> -> memref<32x64xi32, #tpu.memory_space<hbm>>
        tpu.wait_dma2 semaphore(%run_scoped3A : memref<!tpu.dma_semaphore, #tpu.memory_space<semaphore_mem>>) src(%dma_wait3A_70 : memref<32x64xi32, #tpu.memory_space<hbm>>) dst(%arg8 : memref<32x64xi32, #tpu.memory_space<vmem>>)
        tpu.yield
      }) : () -> ()
      %mul3A_36 = arith.constant 16 : i32
      %mul3A_37 = arith.muli %while3A_30, %mul3A_36 : i32
      %add3A_38 = arith.addi %select_n3A, %mul3A_37 : i32
      "tpu.region"() ({
        %run_scoped3A = tpu.sem_alloc : memref<!tpu.dma_semaphore, #tpu.memory_space<semaphore_mem>>
        %dma_start3A_64 = arith.constant 0 : i32
        %dma_start3A_65 = tpu.memref_slice %arg5[%add3A_38, %dma_start3A_64] : memref<2560x128xi32, #tpu.memory_space<hbm>> -> memref<16x128xi32, #tpu.memory_space<hbm>>
        %dma_start3A_66 = arith.constant 0 : i32
        %dma_start3A_67 = tpu.memref_slice %arg5[%add3A_38, %dma_start3A_66] : memref<2560x128xi32, #tpu.memory_space<hbm>> -> memref<16x128xi32, #tpu.memory_space<hbm>>
        tpu.enqueue_dma source(%dma_start3A_67 : memref<16x128xi32, #tpu.memory_space<hbm>>) target(%arg9 : memref<16x128xi32, #tpu.memory_space<vmem>>) target_semaphore(%run_scoped3A : memref<!tpu.dma_semaphore, #tpu.memory_space<semaphore_mem>>)
        %dma_wait3A = arith.constant 0 : i32
        %dma_wait3A_68 = tpu.memref_slice %arg5[%add3A_38, %dma_wait3A] : memref<2560x128xi32, #tpu.memory_space<hbm>> -> memref<16x128xi32, #tpu.memory_space<hbm>>
        %dma_wait3A_69 = arith.constant 0 : i32
        %dma_wait3A_70 = tpu.memref_slice %arg5[%add3A_38, %dma_wait3A_69] : memref<2560x128xi32, #tpu.memory_space<hbm>> -> memref<16x128xi32, #tpu.memory_space<hbm>>
        tpu.wait_dma2 semaphore(%run_scoped3A : memref<!tpu.dma_semaphore, #tpu.memory_space<semaphore_mem>>) src(%dma_wait3A_70 : memref<16x128xi32, #tpu.memory_space<hbm>>) dst(%arg9 : memref<16x128xi32, #tpu.memory_space<vmem>>)
        tpu.yield
      }) : () -> ()
      %dma_start3A = arith.constant 0 : i32
      %dma_start3A_39 = arith.constant 0 : i32
      %dma_start3A_40 = arith.constant 0 : i32
      %dma_start3A_41 = tpu.memref_slice %arg10[%dma_start3A_39, %dma_start3A_40] : memref<128x128xf32, #tpu.memory_space<vmem>> -> memref<64x128xf32, #tpu.memory_space<vmem>>
      %dma_start3A_42 = arith.constant 0 : i32
      %dma_start3A_43 = tpu.memref_slice %arg8[%dma_start3A, %dma_start3A_42] : memref<32x64xi32, #tpu.memory_space<vmem>> -> memref<1x64xi32, #tpu.memory_space<vmem>>
      %dma_start3A_44 = tpu.memref_squeeze %dma_start3A_43 : memref<1x64xi32, #tpu.memory_space<vmem>> -> memref<64xi32, #tpu.memory_space<vmem>>
      %dma_start3A_45 = arith.constant 0 : i32
      %dma_start3A_46 = arith.constant 0 : i32
      %dma_start3A_47 = tpu.memref_slice %arg2[%dma_start3A_45, %dma_start3A_46] : memref<10000x128xf32, #tpu.memory_space<hbm>> -> memref<10000x128xf32, #tpu.memory_space<hbm>>
      tpu.enqueue_indirect_dma source(%dma_start3A_47 : memref<10000x128xf32, #tpu.memory_space<hbm>>) target(%dma_start3A_41 : memref<64x128xf32, #tpu.memory_space<vmem>>) offsets(%dma_start3A_44 : memref<64xi32, #tpu.memory_space<vmem>>) semaphore(%arg13 : memref<!tpu.dma_semaphore, #tpu.memory_space<semaphore_mem>>)
      %dma_start3A_48 = arith.constant 1 : i32
      %dma_start3A_49 = arith.constant 64 : i32
      %dma_start3A_50 = arith.constant 0 : i32
      %dma_start3A_51 = tpu.memref_slice %arg10[%dma_start3A_49, %dma_start3A_50] : memref<128x128xf32, #tpu.memory_space<vmem>> -> memref<64x128xf32, #tpu.memory_space<vmem>>
      %dma_start3A_52 = arith.constant 0 : i32
      %dma_start3A_53 = tpu.memref_slice %arg8[%dma_start3A_48, %dma_start3A_52] : memref<32x64xi32, #tpu.memory_space<vmem>> -> memref<1x64xi32, #tpu.memory_space<vmem>>
      %dma_start3A_54 = tpu.memref_squeeze %dma_start3A_53 : memref<1x64xi32, #tpu.memory_space<vmem>> -> memref<64xi32, #tpu.memory_space<vmem>>
      %dma_start3A_55 = arith.constant 0 : i32
      %dma_start3A_56 = arith.constant 0 : i32
      %dma_start3A_57 = tpu.memref_slice %arg2[%dma_start3A_55, %dma_start3A_56] : memref<10000x128xf32, #tpu.memory_space<hbm>> -> memref<10000x128xf32, #tpu.memory_space<hbm>>
      tpu.enqueue_indirect_dma source(%dma_start3A_57 : memref<10000x128xf32, #tpu.memory_space<hbm>>) target(%dma_start3A_51 : memref<64x128xf32, #tpu.memory_space<vmem>>) offsets(%dma_start3A_54 : memref<64xi32, #tpu.memory_space<vmem>>) semaphore(%arg14 : memref<!tpu.dma_semaphore, #tpu.memory_space<semaphore_mem>>)
      %scan3A_58 = arith.constant 0 : i32
      %scan3A_59 = arith.constant 0 : i32
      %scan3A_60 = arith.constant 8 : i32
      %scan3A_61 = arith.addi %scan3A_59, %scan3A_60 : i32
      %scan3A_62 = arith.constant 1 : i32
      scf.for %scan3A_64 = %scan3A_59 to %scan3A_61 step %scan3A_62  : i32 {
        %mul3A_65 = arith.constant 2 : i32
        %mul3A_66 = arith.muli %mul3A_65, %scan3A_64 : i32
        %add3A_67 = arith.constant 1 : i32
        %add3A_68 = arith.addi %mul3A_66, %add3A_67 : i32
        %mul3A_69 = arith.constant 2 : i32
        %mul3A_70 = arith.muli %mul3A_69, %add3A_68 : i32
        %add3A_71 = arith.constant 0 : i32
        %add3A_72 = arith.addi %mul3A_70, %add3A_71 : i32
        %dma_start3A_73 = arith.constant 0 : i32
        %dma_start3A_74 = arith.constant 0 : i32
        %dma_start3A_75 = tpu.memref_slice %arg11[%dma_start3A_73, %dma_start3A_74] : memref<128x128xf32, #tpu.memory_space<vmem>> -> memref<64x128xf32, #tpu.memory_space<vmem>>
        %dma_start3A_76 = arith.constant 0 : i32
        %dma_start3A_77 = tpu.memref_slice %arg8[%add3A_72, %dma_start3A_76] : memref<32x64xi32, #tpu.memory_space<vmem>> -> memref<1x64xi32, #tpu.memory_space<vmem>>
        %dma_start3A_78 = tpu.memref_squeeze %dma_start3A_77 : memref<1x64xi32, #tpu.memory_space<vmem>> -> memref<64xi32, #tpu.memory_space<vmem>>
        %dma_start3A_79 = arith.constant 0 : i32
        %dma_start3A_80 = arith.constant 0 : i32
        %dma_start3A_81 = tpu.memref_slice %arg2[%dma_start3A_79, %dma_start3A_80] : memref<10000x128xf32, #tpu.memory_space<hbm>> -> memref<10000x128xf32, #tpu.memory_space<hbm>>
        tpu.enqueue_indirect_dma source(%dma_start3A_81 : memref<10000x128xf32, #tpu.memory_space<hbm>>) target(%dma_start3A_75 : memref<64x128xf32, #tpu.memory_space<vmem>>) offsets(%dma_start3A_78 : memref<64xi32, #tpu.memory_space<vmem>>) semaphore(%arg15 : memref<!tpu.dma_semaphore, #tpu.memory_space<semaphore_mem>>)
        %mul3A_82 = arith.constant 2 : i32
        %mul3A_83 = arith.muli %mul3A_82, %add3A_68 : i32
        %add3A_84 = arith.constant 1 : i32
        %add3A_85 = arith.addi %mul3A_83, %add3A_84 : i32
        %dma_start3A_86 = arith.constant 64 : i32
        %dma_start3A_87 = arith.constant 0 : i32
        %dma_start3A_88 = tpu.memref_slice %arg11[%dma_start3A_86, %dma_start3A_87] : memref<128x128xf32, #tpu.memory_space<vmem>> -> memref<64x128xf32, #tpu.memory_space<vmem>>
        %dma_start3A_89 = arith.constant 0 : i32
        %dma_start3A_90 = tpu.memref_slice %arg8[%add3A_85, %dma_start3A_89] : memref<32x64xi32, #tpu.memory_space<vmem>> -> memref<1x64xi32, #tpu.memory_space<vmem>>
        %dma_start3A_91 = tpu.memref_squeeze %dma_start3A_90 : memref<1x64xi32, #tpu.memory_space<vmem>> -> memref<64xi32, #tpu.memory_space<vmem>>
        %dma_start3A_92 = arith.constant 0 : i32
        %dma_start3A_93 = arith.constant 0 : i32
        %dma_start3A_94 = tpu.memref_slice %arg2[%dma_start3A_92, %dma_start3A_93] : memref<10000x128xf32, #tpu.memory_space<hbm>> -> memref<10000x128xf32, #tpu.memory_space<hbm>>
        tpu.enqueue_indirect_dma source(%dma_start3A_94 : memref<10000x128xf32, #tpu.memory_space<hbm>>) target(%dma_start3A_88 : memref<64x128xf32, #tpu.memory_space<vmem>>) offsets(%dma_start3A_91 : memref<64xi32, #tpu.memory_space<vmem>>) semaphore(%arg16 : memref<!tpu.dma_semaphore, #tpu.memory_space<semaphore_mem>>)
        %mul3A_95 = arith.constant 2 : i32
        %mul3A_96 = arith.muli %mul3A_95, %mul3A_66 : i32
        %add3A_97 = arith.constant 0 : i32
        %add3A_98 = arith.addi %mul3A_96, %add3A_97 : i32
        %dma_wait3A = arith.constant 0 : i32
        %dma_wait3A_99 = arith.constant 0 : i32
        %dma_wait3A_100 = tpu.memref_slice %arg10[%dma_wait3A, %dma_wait3A_99] : memref<128x128xf32, #tpu.memory_space<vmem>> -> memref<64x128xf32, #tpu.memory_space<vmem>>
        %dma_wait3A_101 = arith.constant 0 : i32
        %dma_wait3A_102 = tpu.memref_slice %arg8[%add3A_98, %dma_wait3A_101] : memref<32x64xi32, #tpu.memory_space<vmem>> -> memref<1x64xi32, #tpu.memory_space<vmem>>
        %dma_wait3A_103 = tpu.memref_squeeze %dma_wait3A_102 : memref<1x64xi32, #tpu.memory_space<vmem>> -> memref<64xi32, #tpu.memory_space<vmem>>
        %dma_wait3A_104 = arith.constant 0 : i32
        %dma_wait3A_105 = arith.constant 0 : i32
        %dma_wait3A_106 = tpu.memref_slice %arg2[%dma_wait3A_104, %dma_wait3A_105] : memref<10000x128xf32, #tpu.memory_space<hbm>> -> memref<10000x128xf32, #tpu.memory_space<hbm>>
        tpu.wait_indirect_dma semaphore(%arg13 : memref<!tpu.dma_semaphore, #tpu.memory_space<semaphore_mem>>) src(%dma_wait3A_106 : memref<10000x128xf32, #tpu.memory_space<hbm>>) dst(%dma_wait3A_100 : memref<64x128xf32, #tpu.memory_space<vmem>>)
        %mul3A_107 = arith.constant 2 : i32
        %mul3A_108 = arith.muli %mul3A_107, %mul3A_66 : i32
        %add3A_109 = arith.constant 1 : i32
        %add3A_110 = arith.addi %mul3A_108, %add3A_109 : i32
        %dma_wait3A_111 = arith.constant 64 : i32
        %dma_wait3A_112 = arith.constant 0 : i32
        %dma_wait3A_113 = tpu.memref_slice %arg10[%dma_wait3A_111, %dma_wait3A_112] : memref<128x128xf32, #tpu.memory_space<vmem>> -> memref<64x128xf32, #tpu.memory_space<vmem>>
        %dma_wait3A_114 = arith.constant 0 : i32
        %dma_wait3A_115 = tpu.memref_slice %arg8[%add3A_110, %dma_wait3A_114] : memref<32x64xi32, #tpu.memory_space<vmem>> -> memref<1x64xi32, #tpu.memory_space<vmem>>
        %dma_wait3A_116 = tpu.memref_squeeze %dma_wait3A_115 : memref<1x64xi32, #tpu.memory_space<vmem>> -> memref<64xi32, #tpu.memory_space<vmem>>
        %dma_wait3A_117 = arith.constant 0 : i32
        %dma_wait3A_118 = arith.constant 0 : i32
        %dma_wait3A_119 = tpu.memref_slice %arg2[%dma_wait3A_117, %dma_wait3A_118] : memref<10000x128xf32, #tpu.memory_space<hbm>> -> memref<10000x128xf32, #tpu.memory_space<hbm>>
        tpu.wait_indirect_dma semaphore(%arg14 : memref<!tpu.dma_semaphore, #tpu.memory_space<semaphore_mem>>) src(%dma_wait3A_119 : memref<10000x128xf32, #tpu.memory_space<hbm>>) dst(%dma_wait3A_113 : memref<64x128xf32, #tpu.memory_space<vmem>>)
        "tpu.region"() ({
          %run_scoped3A = tpu.sem_alloc : memref<!tpu.dma_semaphore, #tpu.memory_space<semaphore_mem>>
          %dma_start3A_152 = arith.constant 0 : i32
          %dma_start3A_153 = tpu.memref_slice %arg9[%mul3A_66, %dma_start3A_152] : memref<16x128xi32, #tpu.memory_space<vmem>> -> memref<1x128xi32, #tpu.memory_space<vmem>>
          %dma_start3A_154 = tpu.memref_squeeze %dma_start3A_153 : memref<1x128xi32, #tpu.memory_space<vmem>> -> memref<128xi32, #tpu.memory_space<vmem>>
          %dma_start3A_155 = arith.constant 0 : i32
          %dma_start3A_156 = arith.constant 0 : i32
          %dma_start3A_157 = tpu.memref_slice %arg12[%dma_start3A_155, %dma_start3A_156] : memref<10240x128xf32, #tpu.memory_space<vmem_shared>> -> memref<10240x128xf32, #tpu.memory_space<vmem_shared>>
          tpu.enqueue_indirect_dma source(%arg10 : memref<128x128xf32, #tpu.memory_space<vmem>>) target(%dma_start3A_157 : memref<10240x128xf32, #tpu.memory_space<vmem_shared>>) offsets(%dma_start3A_154 : memref<128xi32, #tpu.memory_space<vmem>>) semaphore(%run_scoped3A : memref<!tpu.dma_semaphore, #tpu.memory_space<semaphore_mem>>) {add = true}
          %dma_wait3A_158 = arith.constant 0 : i32
          %dma_wait3A_159 = tpu.memref_slice %arg9[%mul3A_66, %dma_wait3A_158] : memref<16x128xi32, #tpu.memory_space<vmem>> -> memref<1x128xi32, #tpu.memory_space<vmem>>
          %dma_wait3A_160 = tpu.memref_squeeze %dma_wait3A_159 : memref<1x128xi32, #tpu.memory_space<vmem>> -> memref<128xi32, #tpu.memory_space<vmem>>
          %dma_wait3A_161 = arith.constant 0 : i32
          %dma_wait3A_162 = arith.constant 0 : i32
          %dma_wait3A_163 = tpu.memref_slice %arg12[%dma_wait3A_161, %dma_wait3A_162] : memref<10240x128xf32, #tpu.memory_space<vmem_shared>> -> memref<10240x128xf32, #tpu.memory_space<vmem_shared>>
          tpu.wait_indirect_dma semaphore(%run_scoped3A : memref<!tpu.dma_semaphore, #tpu.memory_space<semaphore_mem>>) src(%arg10 : memref<128x128xf32, #tpu.memory_space<vmem>>) dst(%dma_wait3A_163 : memref<10240x128xf32, #tpu.memory_space<vmem_shared>>)
          tpu.yield
        }) : () -> ()
        %lt3A = arith.constant 7 : i32
        %lt3A_120 = arith.cmpi slt, %scan3A_64, %lt3A : i32
        %convert_element_type3A = arith.extui %lt3A_120 : i1 to i32
        %cond3A = arith.constant 0 : i32
        %cond3A_121 = arith.cmpi ne, %convert_element_type3A, %cond3A : i32
        scf.if %cond3A_121 {
          %add3A_152 = arith.constant 2 : i32
          %add3A_153 = arith.addi %mul3A_66, %add3A_152 : i32
          %mul3A_154 = arith.constant 2 : i32
          %mul3A_155 = arith.muli %mul3A_154, %add3A_153 : i32
          %add3A_156 = arith.constant 0 : i32
          %add3A_157 = arith.addi %mul3A_155, %add3A_156 : i32
          %dma_start3A_158 = arith.constant 0 : i32
          %dma_start3A_159 = arith.constant 0 : i32
          %dma_start3A_160 = tpu.memref_slice %arg10[%dma_start3A_158, %dma_start3A_159] : memref<128x128xf32, #tpu.memory_space<vmem>> -> memref<64x128xf32, #tpu.memory_space<vmem>>
          %dma_start3A_161 = arith.constant 0 : i32
          %dma_start3A_162 = tpu.memref_slice %arg8[%add3A_157, %dma_start3A_161] : memref<32x64xi32, #tpu.memory_space<vmem>> -> memref<1x64xi32, #tpu.memory_space<vmem>>
          %dma_start3A_163 = tpu.memref_squeeze %dma_start3A_162 : memref<1x64xi32, #tpu.memory_space<vmem>> -> memref<64xi32, #tpu.memory_space<vmem>>
          %dma_start3A_164 = arith.constant 0 : i32
          %dma_start3A_165 = arith.constant 0 : i32
          %dma_start3A_166 = tpu.memref_slice %arg2[%dma_start3A_164, %dma_start3A_165] : memref<10000x128xf32, #tpu.memory_space<hbm>> -> memref<10000x128xf32, #tpu.memory_space<hbm>>
          tpu.enqueue_indirect_dma source(%dma_start3A_166 : memref<10000x128xf32, #tpu.memory_space<hbm>>) target(%dma_start3A_160 : memref<64x128xf32, #tpu.memory_space<vmem>>) offsets(%dma_start3A_163 : memref<64xi32, #tpu.memory_space<vmem>>) semaphore(%arg13 : memref<!tpu.dma_semaphore, #tpu.memory_space<semaphore_mem>>)
          %mul3A_167 = arith.constant 2 : i32
          %mul3A_168 = arith.muli %mul3A_167, %add3A_153 : i32
          %add3A_169 = arith.constant 1 : i32
          %add3A_170 = arith.addi %mul3A_168, %add3A_169 : i32
          %dma_start3A_171 = arith.constant 64 : i32
          %dma_start3A_172 = arith.constant 0 : i32
          %dma_start3A_173 = tpu.memref_slice %arg10[%dma_start3A_171, %dma_start3A_172] : memref<128x128xf32, #tpu.memory_space<vmem>> -> memref<64x128xf32, #tpu.memory_space<vmem>>
          %dma_start3A_174 = arith.constant 0 : i32
          %dma_start3A_175 = tpu.memref_slice %arg8[%add3A_170, %dma_start3A_174] : memref<32x64xi32, #tpu.memory_space<vmem>> -> memref<1x64xi32, #tpu.memory_space<vmem>>
          %dma_start3A_176 = tpu.memref_squeeze %dma_start3A_175 : memref<1x64xi32, #tpu.memory_space<vmem>> -> memref<64xi32, #tpu.memory_space<vmem>>
          %dma_start3A_177 = arith.constant 0 : i32
          %dma_start3A_178 = arith.constant 0 : i32
          %dma_start3A_179 = tpu.memref_slice %arg2[%dma_start3A_177, %dma_start3A_178] : memref<10000x128xf32, #tpu.memory_space<hbm>> -> memref<10000x128xf32, #tpu.memory_space<hbm>>
          tpu.enqueue_indirect_dma source(%dma_start3A_179 : memref<10000x128xf32, #tpu.memory_space<hbm>>) target(%dma_start3A_173 : memref<64x128xf32, #tpu.memory_space<vmem>>) offsets(%dma_start3A_176 : memref<64xi32, #tpu.memory_space<vmem>>) semaphore(%arg14 : memref<!tpu.dma_semaphore, #tpu.memory_space<semaphore_mem>>)
        } else {
        }
        %add3A_122 = arith.constant 1 : i32
        %add3A_123 = arith.addi %mul3A_66, %add3A_122 : i32
        %mul3A_124 = arith.constant 2 : i32
        %mul3A_125 = arith.muli %mul3A_124, %add3A_123 : i32
        %add3A_126 = arith.constant 0 : i32
        %add3A_127 = arith.addi %mul3A_125, %add3A_126 : i32
        %dma_wait3A_128 = arith.constant 0 : i32
        %dma_wait3A_129 = arith.constant 0 : i32
        %dma_wait3A_130 = tpu.memref_slice %arg11[%dma_wait3A_128, %dma_wait3A_129] : memref<128x128xf32, #tpu.memory_space<vmem>> -> memref<64x128xf32, #tpu.memory_space<vmem>>
        %dma_wait3A_131 = arith.constant 0 : i32
        %dma_wait3A_132 = tpu.memref_slice %arg8[%add3A_127, %dma_wait3A_131] : memref<32x64xi32, #tpu.memory_space<vmem>> -> memref<1x64xi32, #tpu.memory_space<vmem>>
        %dma_wait3A_133 = tpu.memref_squeeze %dma_wait3A_132 : memref<1x64xi32, #tpu.memory_space<vmem>> -> memref<64xi32, #tpu.memory_space<vmem>>
        %dma_wait3A_134 = arith.constant 0 : i32
        %dma_wait3A_135 = arith.constant 0 : i32
        %dma_wait3A_136 = tpu.memref_slice %arg2[%dma_wait3A_134, %dma_wait3A_135] : memref<10000x128xf32, #tpu.memory_space<hbm>> -> memref<10000x128xf32, #tpu.memory_space<hbm>>
        tpu.wait_indirect_dma semaphore(%arg15 : memref<!tpu.dma_semaphore, #tpu.memory_space<semaphore_mem>>) src(%dma_wait3A_136 : memref<10000x128xf32, #tpu.memory_space<hbm>>) dst(%dma_wait3A_130 : memref<64x128xf32, #tpu.memory_space<vmem>>)
        %mul3A_137 = arith.constant 2 : i32
        %mul3A_138 = arith.muli %mul3A_137, %add3A_123 : i32
        %add3A_139 = arith.constant 1 : i32
        %add3A_140 = arith.addi %mul3A_138, %add3A_139 : i32
        %dma_wait3A_141 = arith.constant 64 : i32
        %dma_wait3A_142 = arith.constant 0 : i32
        %dma_wait3A_143 = tpu.memref_slice %arg11[%dma_wait3A_141, %dma_wait3A_142] : memref<128x128xf32, #tpu.memory_space<vmem>> -> memref<64x128xf32, #tpu.memory_space<vmem>>
        %dma_wait3A_144 = arith.constant 0 : i32
        %dma_wait3A_145 = tpu.memref_slice %arg8[%add3A_140, %dma_wait3A_144] : memref<32x64xi32, #tpu.memory_space<vmem>> -> memref<1x64xi32, #tpu.memory_space<vmem>>
        %dma_wait3A_146 = tpu.memref_squeeze %dma_wait3A_145 : memref<1x64xi32, #tpu.memory_space<vmem>> -> memref<64xi32, #tpu.memory_space<vmem>>
        %dma_wait3A_147 = arith.constant 0 : i32
        %dma_wait3A_148 = arith.constant 0 : i32
        %dma_wait3A_149 = tpu.memref_slice %arg2[%dma_wait3A_147, %dma_wait3A_148] : memref<10000x128xf32, #tpu.memory_space<hbm>> -> memref<10000x128xf32, #tpu.memory_space<hbm>>
        tpu.wait_indirect_dma semaphore(%arg16 : memref<!tpu.dma_semaphore, #tpu.memory_space<semaphore_mem>>) src(%dma_wait3A_149 : memref<10000x128xf32, #tpu.memory_space<hbm>>) dst(%dma_wait3A_143 : memref<64x128xf32, #tpu.memory_space<vmem>>)
        %add3A_150 = arith.constant 1 : i32
        %add3A_151 = arith.addi %mul3A_66, %add3A_150 : i32
        "tpu.region"() ({
          %run_scoped3A = tpu.sem_alloc : memref<!tpu.dma_semaphore, #tpu.memory_space<semaphore_mem>>
          %dma_start3A_152 = arith.constant 0 : i32
          %dma_start3A_153 = tpu.memref_slice %arg9[%add3A_151, %dma_start3A_152] : memref<16x128xi32, #tpu.memory_space<vmem>> -> memref<1x128xi32, #tpu.memory_space<vmem>>
          %dma_start3A_154 = tpu.memref_squeeze %dma_start3A_153 : memref<1x128xi32, #tpu.memory_space<vmem>> -> memref<128xi32, #tpu.memory_space<vmem>>
          %dma_start3A_155 = arith.constant 0 : i32
          %dma_start3A_156 = arith.constant 0 : i32
          %dma_start3A_157 = tpu.memref_slice %arg12[%dma_start3A_155, %dma_start3A_156] : memref<10240x128xf32, #tpu.memory_space<vmem_shared>> -> memref<10240x128xf32, #tpu.memory_space<vmem_shared>>
          tpu.enqueue_indirect_dma source(%arg11 : memref<128x128xf32, #tpu.memory_space<vmem>>) target(%dma_start3A_157 : memref<10240x128xf32, #tpu.memory_space<vmem_shared>>) offsets(%dma_start3A_154 : memref<128xi32, #tpu.memory_space<vmem>>) semaphore(%run_scoped3A : memref<!tpu.dma_semaphore, #tpu.memory_space<semaphore_mem>>) {add = true}
          %dma_wait3A_158 = arith.constant 0 : i32
          %dma_wait3A_159 = tpu.memref_slice %arg9[%add3A_151, %dma_wait3A_158] : memref<16x128xi32, #tpu.memory_space<vmem>> -> memref<1x128xi32, #tpu.memory_space<vmem>>
          %dma_wait3A_160 = tpu.memref_squeeze %dma_wait3A_159 : memref<1x128xi32, #tpu.memory_space<vmem>> -> memref<128xi32, #tpu.memory_space<vmem>>
          %dma_wait3A_161 = arith.constant 0 : i32
          %dma_wait3A_162 = arith.constant 0 : i32
          %dma_wait3A_163 = tpu.memref_slice %arg12[%dma_wait3A_161, %dma_wait3A_162] : memref<10240x128xf32, #tpu.memory_space<vmem_shared>> -> memref<10240x128xf32, #tpu.memory_space<vmem_shared>>
          tpu.wait_indirect_dma semaphore(%run_scoped3A : memref<!tpu.dma_semaphore, #tpu.memory_space<semaphore_mem>>) src(%arg11 : memref<128x128xf32, #tpu.memory_space<vmem>>) dst(%dma_wait3A_163 : memref<10240x128xf32, #tpu.memory_space<vmem_shared>>)
          tpu.yield
        }) : () -> ()
      }
      %scan3A_63 = arith.constant 8 : i32
    }
    %barrier3A_23 = arith.constant 0 : index
    tpu.barrier barrier_id(%barrier3A_23)
    %scan3A_24 = arith.constant 0 : i32
    %scan3A_25 = arith.constant 0 : i32
    %scan3A_26 = arith.constant 5 : i32
    %scan3A_27 = arith.addi %scan3A_25, %scan3A_26 : i32
    %scan3A_28 = arith.constant 1 : i32
    scf.for %scan3A_30 = %scan3A_25 to %scan3A_27 step %scan3A_28  : i32 {
      %mul3A_31 = arith.constant 640 : i32
      %mul3A_32 = arith.muli %arg1, %mul3A_31 : i32
      %mul3A_33 = arith.constant 128 : i32
      %mul3A_34 = arith.muli %scan3A_30, %mul3A_33 : i32
      %add3A_35 = arith.addi %mul3A_32, %mul3A_34 : i32
      "tpu.region"() ({
        %run_scoped3A = tpu.sem_alloc : memref<!tpu.dma_semaphore, #tpu.memory_space<semaphore_mem>>
        %dma_start3A = arith.constant 0 : i32
        %dma_start3A_36 = tpu.memref_slice %arg12[%add3A_35, %dma_start3A] : memref<10240x128xf32, #tpu.memory_space<vmem_shared>> -> memref<128x128xf32, #tpu.memory_space<vmem_shared>>
        %dma_start3A_37 = arith.constant 0 : i32
        %dma_start3A_38 = tpu.memref_slice %arg12[%add3A_35, %dma_start3A_37] : memref<10240x128xf32, #tpu.memory_space<vmem_shared>> -> memref<128x128xf32, #tpu.memory_space<vmem_shared>>
        tpu.enqueue_dma source(%dma_start3A_38 : memref<128x128xf32, #tpu.memory_space<vmem_shared>>) target(%arg10 : memref<128x128xf32, #tpu.memory_space<vmem>>) target_semaphore(%run_scoped3A : memref<!tpu.dma_semaphore, #tpu.memory_space<semaphore_mem>>)
        %dma_wait3A = arith.constant 0 : i32
        %dma_wait3A_39 = tpu.memref_slice %arg12[%add3A_35, %dma_wait3A] : memref<10240x128xf32, #tpu.memory_space<vmem_shared>> -> memref<128x128xf32, #tpu.memory_space<vmem_shared>>
        %dma_wait3A_40 = arith.constant 0 : i32
        %dma_wait3A_41 = tpu.memref_slice %arg12[%add3A_35, %dma_wait3A_40] : memref<10240x128xf32, #tpu.memory_space<vmem_shared>> -> memref<128x128xf32, #tpu.memory_space<vmem_shared>>
        tpu.wait_dma2 semaphore(%run_scoped3A : memref<!tpu.dma_semaphore, #tpu.memory_space<semaphore_mem>>) src(%dma_wait3A_41 : memref<128x128xf32, #tpu.memory_space<vmem_shared>>) dst(%arg10 : memref<128x128xf32, #tpu.memory_space<vmem>>)
        tpu.yield
      }) : () -> ()
      "tpu.region"() ({
        %run_scoped3A = tpu.sem_alloc : memref<!tpu.dma_semaphore, #tpu.memory_space<semaphore_mem>>
        %dma_start3A = arith.constant 0 : i32
        %dma_start3A_36 = tpu.memref_slice %arg7[%arg0, %add3A_35, %dma_start3A] : memref<2x10240x128xf32, #tpu.memory_space<hbm>> -> memref<1x128x128xf32, #tpu.memory_space<hbm>>
        %dma_start3A_37 = tpu.memref_squeeze %dma_start3A_36 : memref<1x128x128xf32, #tpu.memory_space<hbm>> -> memref<128x128xf32, #tpu.memory_space<hbm>>
        %dma_start3A_38 = arith.constant 0 : i32
        %dma_start3A_39 = tpu.memref_slice %arg7[%arg0, %add3A_35, %dma_start3A_38] : memref<2x10240x128xf32, #tpu.memory_space<hbm>> -> memref<1x128x128xf32, #tpu.memory_space<hbm>>
        %dma_start3A_40 = tpu.memref_squeeze %dma_start3A_39 : memref<1x128x128xf32, #tpu.memory_space<hbm>> -> memref<128x128xf32, #tpu.memory_space<hbm>>
        tpu.enqueue_dma source(%arg10 : memref<128x128xf32, #tpu.memory_space<vmem>>) target(%dma_start3A_40 : memref<128x128xf32, #tpu.memory_space<hbm>>) target_semaphore(%run_scoped3A : memref<!tpu.dma_semaphore, #tpu.memory_space<semaphore_mem>>)
        %dma_wait3A = arith.constant 0 : i32
        %dma_wait3A_41 = tpu.memref_slice %arg7[%arg0, %add3A_35, %dma_wait3A] : memref<2x10240x128xf32, #tpu.memory_space<hbm>> -> memref<1x128x128xf32, #tpu.memory_space<hbm>>
        %dma_wait3A_42 = tpu.memref_squeeze %dma_wait3A_41 : memref<1x128x128xf32, #tpu.memory_space<hbm>> -> memref<128x128xf32, #tpu.memory_space<hbm>>
        %dma_wait3A_43 = arith.constant 0 : i32
        %dma_wait3A_44 = tpu.memref_slice %arg7[%arg0, %add3A_35, %dma_wait3A_43] : memref<2x10240x128xf32, #tpu.memory_space<hbm>> -> memref<1x128x128xf32, #tpu.memory_space<hbm>>
        %dma_wait3A_45 = tpu.memref_squeeze %dma_wait3A_44 : memref<1x128x128xf32, #tpu.memory_space<hbm>> -> memref<128x128xf32, #tpu.memory_space<hbm>>
        tpu.wait_dma2 semaphore(%run_scoped3A : memref<!tpu.dma_semaphore, #tpu.memory_space<semaphore_mem>>) src(%arg10 : memref<128x128xf32, #tpu.memory_space<vmem>>) dst(%dma_wait3A_45 : memref<128x128xf32, #tpu.memory_space<hbm>>)
        tpu.yield
      }) : () -> ()
    }
    %scan3A_29 = arith.constant 5 : i32
    return
  }
}

module attributes {stable_mosaic.version = 14 : i64} {
  func.func @_tca_body(%arg0: i32, %arg1: memref<400x128xf32, #tpu.memory_space<vmem>>, %arg2: memref<128x128xf32, #tpu.memory_space<vmem>>, %arg3: memref<400x2xf32, #tpu.memory_space<vmem>>, %arg4: memref<400x128xf32, #tpu.memory_space<vmem>>) attributes {dimension_semantics = [#tpu.dimension_semantics<arbitrary>], iteration_bounds = array<i64: 25>, scalar_prefetch = 0 : i64, scratch_operands = 0 : i64, tpu.core_type = #tpu.core_type<tc>, window_params = [{transform_indices = @transform_0, window_bounds = array<i64: 400, 128>}, {pipeline_mode = #tpu.pipeline_mode<synchronous>, transform_indices = @transform_1, window_bounds = array<i64: 128, 128>}, {transform_indices = @transform_2, window_bounds = array<i64: 400, 2>}, {transform_indices = @transform_3, window_bounds = array<i64: 400, 128>}]} {
    %get3A = arith.constant 0 : index
    %get3A_0 = arith.constant 0 : index
    %get3A_1 = vector.load %arg1[%get3A, %get3A_0] : memref<400x128xf32, #tpu.memory_space<vmem>>, vector<400x128xf32>
    %get3A_2 = arith.constant 0 : index
    %get3A_3 = arith.constant 0 : index
    %get3A_4 = vector.load %arg2[%get3A_2, %get3A_3] : memref<128x128xf32, #tpu.memory_space<vmem>>, vector<128x128xf32>
    %dot_general3A = arith.constant dense<0.000000e+00> : vector<400x128xf32>
    %dot_general3A_5 = tpu.matmul %get3A_1, %get3A_4, %dot_general3A {dimension_numbers = #tpu.dot_dimension_numbers<[1], [0], [0], [1], [0, 0, 1, 1], [], []>, transpose_lhs_hint = false} : vector<400x128xf32>, vector<128x128xf32>, vector<400x128xf32> -> vector<400x128xf32>
    %get3A_6 = arith.constant 0 : index
    %get3A_7 = arith.constant 0 : index
    %get3A_8 = vector.load %arg3[%get3A_6, %get3A_7] : memref<400x2xf32, #tpu.memory_space<vmem>>, vector<400x1xf32>
    %get3A_9 = arith.constant 0 : index
    %get3A_10 = arith.constant 1 : index
    %get3A_11 = vector.load %arg3[%get3A_9, %get3A_10] : memref<400x2xf32, #tpu.memory_space<vmem>>, vector<400x1xf32>
    %add3A = arith.addf %get3A_8, %get3A_11 : vector<400x1xf32>
    %add3A_12 = arith.constant 1.000000e+00 : f32
    %add3A_13 = vector.broadcast %add3A_12 : f32 to vector<400x1xf32>
    %add3A_14 = arith.addf %add3A, %add3A_13 : vector<400x1xf32>
    %rsqrt3A = math.rsqrt %add3A_14 : vector<400x1xf32>
    %mul3A = vector.broadcast %rsqrt3A : vector<400x1xf32> to vector<400x128xf32>
    %mul3A_15 = arith.mulf %dot_general3A_5, %mul3A : vector<400x128xf32>
    %swap3A = arith.constant 0 : index
    %swap3A_16 = arith.constant 0 : index
    %swap3A_17 = vector.load %arg4[%swap3A, %swap3A_16] : memref<400x128xf32, #tpu.memory_space<vmem>>, vector<400x128xf32>
    tpu.vector_store %arg4[%swap3A, %swap3A_16], %mul3A_15 {strides = array<i32>} : memref<400x128xf32, #tpu.memory_space<vmem>>, vector<400x128xf32>,
    return
  }
  func.func @transform_0(%arg0: i32) -> (i32, i32) {
    %c0_i32 = arith.constant 0 : i32
    %c0_i32_0 = arith.constant 0 : i32
    return %arg0, %c0_i32 : i32, i32
  }
  func.func @transform_1(%arg0: i32) -> (i32, i32) {
    %c0_i32 = arith.constant 0 : i32
    %c0_i32_0 = arith.constant 0 : i32
    %c0_i32_1 = arith.constant 0 : i32
    return %c0_i32, %c0_i32_0 : i32, i32
  }
  func.func @transform_2(%arg0: i32) -> (i32, i32) {
    %c0_i32 = arith.constant 0 : i32
    %c0_i32_0 = arith.constant 0 : i32
    return %arg0, %c0_i32 : i32, i32
  }
  func.func @transform_3(%arg0: i32) -> (i32, i32) {
    %c0_i32 = arith.constant 0 : i32
    %c0_i32_0 = arith.constant 0 : i32
    return %arg0, %c0_i32 : i32, i32
  }
}

module attributes {stable_mosaic.version = 14 : i64} {
  func.func @_tcb_body(%arg0: i32, %arg1: memref<2x400x128xf32, #tpu.memory_space<vmem>>, %arg2: memref<400x128xf32, #tpu.memory_space<vmem>>, %arg3: memref<400x2xf32, #tpu.memory_space<vmem>>, %arg4: memref<1x128xf32, #tpu.memory_space<vmem>>, %arg5: memref<128x128xf32, #tpu.memory_space<vmem>>, %arg6: memref<400x128xf32, #tpu.memory_space<vmem>>) attributes {dimension_semantics = [#tpu.dimension_semantics<arbitrary>], iteration_bounds = array<i64: 25>, scalar_prefetch = 0 : i64, scratch_operands = 0 : i64, tpu.core_type = #tpu.core_type<tc>, window_params = [{transform_indices = @transform_0, window_bounds = array<i64: 2, 400, 128>}, {transform_indices = @transform_1, window_bounds = array<i64: 400, 128>}, {transform_indices = @transform_2, window_bounds = array<i64: 400, 2>}, {pipeline_mode = #tpu.pipeline_mode<synchronous>, transform_indices = @transform_3, window_bounds = array<i64: 1, 128>}, {pipeline_mode = #tpu.pipeline_mode<synchronous>, transform_indices = @transform_4, window_bounds = array<i64: 128, 128>}, {transform_indices = @transform_5, window_bounds = array<i64: 400, 128>}]} {
    %get3A = arith.constant 0 : index
    %get3A_0 = arith.constant 0 : index
    %get3A_1 = vector.load %arg3[%get3A, %get3A_0] : memref<400x2xf32, #tpu.memory_space<vmem>>, vector<400x1xf32>
    %get3A_2 = arith.constant 0 : index
    %get3A_3 = arith.constant 1 : index
    %get3A_4 = vector.load %arg3[%get3A_2, %get3A_3] : memref<400x2xf32, #tpu.memory_space<vmem>>, vector<400x1xf32>
    %add3A = arith.addf %get3A_1, %get3A_4 : vector<400x1xf32>
    %add3A_5 = arith.constant 1.000000e+00 : f32
    %add3A_6 = vector.broadcast %add3A_5 : f32 to vector<400x1xf32>
    %add3A_7 = arith.addf %add3A, %add3A_6 : vector<400x1xf32>
    %rsqrt3A = math.rsqrt %add3A_7 : vector<400x1xf32>
    %get3A_8 = arith.constant 0 : index
    %get3A_9 = arith.constant 0 : index
    %get3A_10 = arith.constant 0 : index
    %get3A_11 = vector.load %arg1[%get3A_8, %get3A_9, %get3A_10] : memref<2x400x128xf32, #tpu.memory_space<vmem>>, vector<1x400x128xf32>
    %get3A_12 = vector.shape_cast %get3A_11 : vector<1x400x128xf32> to vector<400x128xf32>
    %get3A_13 = arith.constant 1 : index
    %get3A_14 = arith.constant 0 : index
    %get3A_15 = arith.constant 0 : index
    %get3A_16 = vector.load %arg1[%get3A_13, %get3A_14, %get3A_15] : memref<2x400x128xf32, #tpu.memory_space<vmem>>, vector<1x400x128xf32>
    %get3A_17 = vector.shape_cast %get3A_16 : vector<1x400x128xf32> to vector<400x128xf32>
    %add3A_18 = arith.addf %get3A_12, %get3A_17 : vector<400x128xf32>
    %get3A_19 = arith.constant 0 : index
    %get3A_20 = arith.constant 0 : index
    %get3A_21 = vector.load %arg2[%get3A_19, %get3A_20] : memref<400x128xf32, #tpu.memory_space<vmem>>, vector<400x128xf32>
    %add3A_22 = arith.addf %add3A_18, %get3A_21 : vector<400x128xf32>
    %mul3A = vector.broadcast %rsqrt3A : vector<400x1xf32> to vector<400x128xf32>
    %mul3A_23 = arith.mulf %mul3A, %add3A_22 : vector<400x128xf32>
    %get3A_24 = arith.constant 0 : index
    %get3A_25 = arith.constant 0 : index
    %get3A_26 = vector.load %arg4[%get3A_24, %get3A_25] : memref<1x128xf32, #tpu.memory_space<vmem>>, vector<1x128xf32>
    %add3A_27 = vector.broadcast %get3A_26 : vector<1x128xf32> to vector<400x128xf32>
    %add3A_28 = arith.addf %mul3A_23, %add3A_27 : vector<400x128xf32>
    %gt3A = arith.constant 0.000000e+00 : f32
    %gt3A_29 = vector.broadcast %gt3A : f32 to vector<400x128xf32>
    %gt3A_30 = arith.cmpf ogt, %add3A_28, %gt3A_29 : vector<400x128xf32>
    %exp3A = math.exp %add3A_28 : vector<400x128xf32>
    %sub3A = arith.constant 1.000000e+00 : f32
    %sub3A_31 = vector.broadcast %sub3A : f32 to vector<400x128xf32>
    %sub3A_32 = arith.subf %exp3A, %sub3A_31 : vector<400x128xf32>
    %select_n3A = arith.select %gt3A_30, %add3A_28, %sub3A_32 : vector<400x128xi1>, vector<400x128xf32>
    %get3A_33 = arith.constant 0 : index
    %get3A_34 = arith.constant 0 : index
    %get3A_35 = vector.load %arg5[%get3A_33, %get3A_34] : memref<128x128xf32, #tpu.memory_space<vmem>>, vector<128x128xf32>
    %dot_general3A = arith.constant dense<0.000000e+00> : vector<400x128xf32>
    %dot_general3A_36 = tpu.matmul %select_n3A, %get3A_35, %dot_general3A {dimension_numbers = #tpu.dot_dimension_numbers<[1], [0], [0], [1], [0, 0, 1, 1], [], []>, transpose_lhs_hint = false} : vector<400x128xf32>, vector<128x128xf32>, vector<400x128xf32> -> vector<400x128xf32>
    %mul3A_37 = vector.broadcast %rsqrt3A : vector<400x1xf32> to vector<400x128xf32>
    %mul3A_38 = arith.mulf %dot_general3A_36, %mul3A_37 : vector<400x128xf32>
    %swap3A = arith.constant 0 : index
    %swap3A_39 = arith.constant 0 : index
    %swap3A_40 = vector.load %arg6[%swap3A, %swap3A_39] : memref<400x128xf32, #tpu.memory_space<vmem>>, vector<400x128xf32>
    tpu.vector_store %arg6[%swap3A, %swap3A_39], %mul3A_38 {strides = array<i32>} : memref<400x128xf32, #tpu.memory_space<vmem>>, vector<400x128xf32>,
    return
  }
  func.func @transform_0(%arg0: i32) -> (i32, i32, i32) {
    %c0_i32 = arith.constant 0 : i32
    %c0_i32_0 = arith.constant 0 : i32
    %c0_i32_1 = arith.constant 0 : i32
    return %c0_i32, %arg0, %c0_i32_0 : i32, i32, i32
  }
  func.func @transform_1(%arg0: i32) -> (i32, i32) {
    %c0_i32 = arith.constant 0 : i32
    %c0_i32_0 = arith.constant 0 : i32
    return %arg0, %c0_i32 : i32, i32
  }
  func.func @transform_2(%arg0: i32) -> (i32, i32) {
    %c0_i32 = arith.constant 0 : i32
    %c0_i32_0 = arith.constant 0 : i32
    return %arg0, %c0_i32 : i32, i32
  }
  func.func @transform_3(%arg0: i32) -> (i32, i32) {
    %c0_i32 = arith.constant 0 : i32
    %c0_i32_0 = arith.constant 0 : i32
    %c0_i32_1 = arith.constant 0 : i32
    return %c0_i32, %c0_i32_0 : i32, i32
  }
  func.func @transform_4(%arg0: i32) -> (i32, i32) {
    %c0_i32 = arith.constant 0 : i32
    %c0_i32_0 = arith.constant 0 : i32
    %c0_i32_1 = arith.constant 0 : i32
    return %c0_i32, %c0_i32_0 : i32, i32
  }
  func.func @transform_5(%arg0: i32) -> (i32, i32) {
    %c0_i32 = arith.constant 0 : i32
    %c0_i32_0 = arith.constant 0 : i32
    return %arg0, %c0_i32 : i32, i32
  }
}

module attributes {stable_mosaic.version = 14 : i64} {
  func.func @_tcc_body(%arg0: i32, %arg1: memref<2x400x128xf32, #tpu.memory_space<vmem>>, %arg2: memref<400x128xf32, #tpu.memory_space<vmem>>, %arg3: memref<400x2xf32, #tpu.memory_space<vmem>>, %arg4: memref<1x128xf32, #tpu.memory_space<vmem>>, %arg5: memref<400x128xf32, #tpu.memory_space<vmem>>) attributes {dimension_semantics = [#tpu.dimension_semantics<arbitrary>], iteration_bounds = array<i64: 25>, scalar_prefetch = 0 : i64, scratch_operands = 0 : i64, tpu.core_type = #tpu.core_type<tc>, window_params = [{transform_indices = @transform_0, window_bounds = array<i64: 2, 400, 128>}, {transform_indices = @transform_1, window_bounds = array<i64: 400, 128>}, {transform_indices = @transform_2, window_bounds = array<i64: 400, 2>}, {pipeline_mode = #tpu.pipeline_mode<synchronous>, transform_indices = @transform_3, window_bounds = array<i64: 1, 128>}, {transform_indices = @transform_4, window_bounds = array<i64: 400, 128>}]} {
    %get3A = arith.constant 0 : index
    %get3A_0 = arith.constant 0 : index
    %get3A_1 = vector.load %arg3[%get3A, %get3A_0] : memref<400x2xf32, #tpu.memory_space<vmem>>, vector<400x1xf32>
    %get3A_2 = arith.constant 0 : index
    %get3A_3 = arith.constant 1 : index
    %get3A_4 = vector.load %arg3[%get3A_2, %get3A_3] : memref<400x2xf32, #tpu.memory_space<vmem>>, vector<400x1xf32>
    %add3A = arith.addf %get3A_1, %get3A_4 : vector<400x1xf32>
    %add3A_5 = arith.constant 1.000000e+00 : f32
    %add3A_6 = vector.broadcast %add3A_5 : f32 to vector<400x1xf32>
    %add3A_7 = arith.addf %add3A, %add3A_6 : vector<400x1xf32>
    %rsqrt3A = math.rsqrt %add3A_7 : vector<400x1xf32>
    %get3A_8 = arith.constant 0 : index
    %get3A_9 = arith.constant 0 : index
    %get3A_10 = arith.constant 0 : index
    %get3A_11 = vector.load %arg1[%get3A_8, %get3A_9, %get3A_10] : memref<2x400x128xf32, #tpu.memory_space<vmem>>, vector<1x400x128xf32>
    %get3A_12 = vector.shape_cast %get3A_11 : vector<1x400x128xf32> to vector<400x128xf32>
    %get3A_13 = arith.constant 1 : index
    %get3A_14 = arith.constant 0 : index
    %get3A_15 = arith.constant 0 : index
    %get3A_16 = vector.load %arg1[%get3A_13, %get3A_14, %get3A_15] : memref<2x400x128xf32, #tpu.memory_space<vmem>>, vector<1x400x128xf32>
    %get3A_17 = vector.shape_cast %get3A_16 : vector<1x400x128xf32> to vector<400x128xf32>
    %add3A_18 = arith.addf %get3A_12, %get3A_17 : vector<400x128xf32>
    %get3A_19 = arith.constant 0 : index
    %get3A_20 = arith.constant 0 : index
    %get3A_21 = vector.load %arg2[%get3A_19, %get3A_20] : memref<400x128xf32, #tpu.memory_space<vmem>>, vector<400x128xf32>
    %add3A_22 = arith.addf %add3A_18, %get3A_21 : vector<400x128xf32>
    %mul3A = vector.broadcast %rsqrt3A : vector<400x1xf32> to vector<400x128xf32>
    %mul3A_23 = arith.mulf %mul3A, %add3A_22 : vector<400x128xf32>
    %get3A_24 = arith.constant 0 : index
    %get3A_25 = arith.constant 0 : index
    %get3A_26 = vector.load %arg4[%get3A_24, %get3A_25] : memref<1x128xf32, #tpu.memory_space<vmem>>, vector<1x128xf32>
    %add3A_27 = vector.broadcast %get3A_26 : vector<1x128xf32> to vector<400x128xf32>
    %add3A_28 = arith.addf %mul3A_23, %add3A_27 : vector<400x128xf32>
    %gt3A = arith.constant 0.000000e+00 : f32
    %gt3A_29 = vector.broadcast %gt3A : f32 to vector<400x128xf32>
    %gt3A_30 = arith.cmpf ogt, %add3A_28, %gt3A_29 : vector<400x128xf32>
    %exp3A = math.exp %add3A_28 : vector<400x128xf32>
    %sub3A = arith.constant 1.000000e+00 : f32
    %sub3A_31 = vector.broadcast %sub3A : f32 to vector<400x128xf32>
    %sub3A_32 = arith.subf %exp3A, %sub3A_31 : vector<400x128xf32>
    %select_n3A = arith.select %gt3A_30, %add3A_28, %sub3A_32 : vector<400x128xi1>, vector<400x128xf32>
    %swap3A = arith.constant 0 : index
    %swap3A_33 = arith.constant 0 : index
    %swap3A_34 = vector.load %arg5[%swap3A, %swap3A_33] : memref<400x128xf32, #tpu.memory_space<vmem>>, vector<400x128xf32>
    tpu.vector_store %arg5[%swap3A, %swap3A_33], %select_n3A {strides = array<i32>} : memref<400x128xf32, #tpu.memory_space<vmem>>, vector<400x128xf32>,
    return
  }
  func.func @transform_0(%arg0: i32) -> (i32, i32, i32) {
    %c0_i32 = arith.constant 0 : i32
    %c0_i32_0 = arith.constant 0 : i32
    %c0_i32_1 = arith.constant 0 : i32
    return %c0_i32, %arg0, %c0_i32_0 : i32, i32, i32
  }
  func.func @transform_1(%arg0: i32) -> (i32, i32) {
    %c0_i32 = arith.constant 0 : i32
    %c0_i32_0 = arith.constant 0 : i32
    return %arg0, %c0_i32 : i32, i32
  }
  func.func @transform_2(%arg0: i32) -> (i32, i32) {
    %c0_i32 = arith.constant 0 : i32
    %c0_i32_0 = arith.constant 0 : i32
    return %arg0, %c0_i32 : i32, i32
  }
  func.func @transform_3(%arg0: i32) -> (i32, i32) {
    %c0_i32 = arith.constant 0 : i32
    %c0_i32_0 = arith.constant 0 : i32
    %c0_i32_1 = arith.constant 0 : i32
    return %c0_i32, %c0_i32_0 : i32, i32
  }
  func.func @transform_4(%arg0: i32) -> (i32, i32) {
    %c0_i32 = arith.constant 0 : i32
    %c0_i32_0 = arith.constant 0 : i32
    return %arg0, %c0_i32 : i32, i32
  }
}

</mosaic_0001>

<sc_bundles>
// kernel: kernel.11.cloned.1.call-start
scs
__scs_entry_jumppad:
0x0: {  	(pc) =	sbr.rel $0x88, $3  }
0x1: {  	(tag) =	ssettag $0x0;
	lr =	simm.s32 $0x1  }
0x2: {  	[smem:$0x3F9B] =	sst lr;
	_ =	strace $0xD0000000  }
0x3: {  	_ = 	snop  }
0x4: {  	_ = 	snop  }
0x5: {  	_ = 	snop  }
0x6: {  	_ = 	snop  }
0x7: {  	_ = 	snop  }
__scs_overlays_trampoline_lowered:
0x8: {  	[smem:$0x3FAA] =	sst s0  }
0x9: {  	[smem:$0x3FAB] =	sst s1  }
0xa: {  	[smem:$0x3FAC] =	sst s2  }
0xb: {  	[smem:$0x3FAD] =	sst s3  }
0xc: {  	[smem:$0x3FAE] =	sst s4  }
0xd: {  	[smem:$0x3FAF] =	sst s5  }
0xe: {  	[smem:$0x3FB0] =	sst s6  }
0xf: {  	[smem:$0x3FB1] =	sst s7  }
0x10: {  	[smem:$0x3FB2] =	sst s8  }
0x11: {  	[smem:$0x3FB3] =	sst s9;
	s0 =	simm.s32 @!p0 $0x0  }
0x12: {  	s1 =	sld [smem:$0x3F99];
	s0 =	simm.s32 @p0 $0x1  }
0x13: {  	[smem:$0x3FB4] =	sst s0;
	s0 =	simm.s32 @!p1 $0x0  }
0x14: {  	s2 =	sld [smem:$0x3F98];
	s0 =	simm.s32 @p1 $0x1  }
0x15: {  	[smem:$0x3FB5] =	sst s0;
	s0 =	simm.s32 @!p2 $0x0  }
0x16: {  	s3 =	sld [smem:$0x3FDB];
	s0 =	simm.s32 @p2 $0x1  }
0x17: {  	s4 =	simm.s32 $0x1BF5;
	[smem:$0x3FB7] =	sst s0  }
0x18: {  	s0 =	sld [smem:$0x3F9A];
	_ =	swait.ge [sflag:s4], $0x0  }
0x19: {  	s7 =	sld [smem:$0x3F9B]  }
0x1a: {  	s8 =	sadd.s32 $0xFFFFE003, lr  }
0x1b: {  	s9 =	sadd.s32 $0xFFFFFEF7, lr;
	s5 =	simm.s32 $0xFFFFFFFF;
	p2 =	slt.u32 s8, $0xFFFFF086  }
0x1c: {  	p1 =	slt.u32 s9, $0xF7A;
	s5 =	simm.s32 @!p2 $0x0  }
0x1d: {  	s5 =	simm.s32 @p1 $0x1;
	p0 =	seq.s32 s7, s2  }
0x1e: {  	s7 =	smul.u32 @!p0 $0xF7A, s2;
	p2 =	seq.s32 @!p0 s5, $0x0  }
0x1f: {  	s9 =	smul.u32 $0xF7A, s1;
	s8 =	simm.s32 @!p0 $0x1BF5;
	p2 =	por !p2, p0  }
0x20: {  	[sflag:s8] =	ssyncset.s32 @!p0 $0xFFFFF086;
	s6 =	sadd.s32 @!p0 s3, s7;
	s7 =	simm.s32 @!p0 $0x108  }
0x21: {  	s3 =	sadd.s32 s3, s9;
	s6 =	sadd.s32 @!p0 $0x88, s6;
	s7 =	simm.s32 @p2 $0x1082  }
0x22: {  	[simem:s7], [sflag:s8] =	dma.local @!p0 [hbm:s6], $0xF7A  }
0x23: {  	s9 =	sor.u32 $0xD0000000, s2;
	s6 =	simm.s32 $0x108;
	_ =	swait.ge @!p0 [sflag:s8], $0x0  }
0x24: {  	s3 =	sadd.s32 $0x88, s3;
	s6 =	simm.s32 @!p1 $0x1082;
	[sflag:s4] =	ssyncset.s32 $0xFFFFF086  }
0x25: {  	[simem:s6], [sflag:s4] =	dma.local [hbm:s3], $0xF7A  }
0x26: {  	[smem:$0x3F9B] =	sst s1;
	(tag) =	ssettag s2;
	_ =	strace s9  }
0x27: {  	s1 =	sld [smem:$0x3FAB]  }
0x28: {  	s2 =	sld [smem:$0x3FAC]  }
0x29: {  	s4 =	sld [smem:$0x3FAE]  }
0x2a: {  	p0 =	seq.s32 s5, $0x0;
	s5 =	sld [smem:$0x3FAF]  }
0x2b: {  	s6 =	sld [smem:$0x3FB0]  }
0x2c: {  	s7 =	sld [smem:$0x3FB1]  }
0x2d: {  	s3 =	simm.s32 $0x108;
	s8 =	sld [smem:$0x3FB2]  }
0x2e: {  	s3 =	simm.s32 @!p0 $0x1082;
	s9 =	sld [smem:$0x3FB3]  }
0x2f: {  	lr =	sadd.s32 s0, s3;
	s0 =	sld [smem:$0x3FAA]  }
0x30: {  	s3 =	sld [smem:$0x3FAD]  }
0x31: {  	[smem:$0x3FB6] =	sst s10  }
0x32: {  	s10 =	sld [smem:$0x3FB4];
	_ =	sdelay $0x3  }
0x33: {  	p0 =	seq.s32 s10, $0x1;
	s10 =	sld [smem:$0x3FB6];
	_ =	sdelay $0x3  }
0x34: {  	[smem:$0x3FB6] =	sst s10  }
0x35: {  	s10 =	sld [smem:$0x3FB5];
	_ =	sdelay $0x3  }
0x36: {  	p1 =	seq.s32 s10, $0x1;
	s10 =	sld [smem:$0x3FB6];
	_ =	sdelay $0x3  }
0x37: {  	[smem:$0x3FB6] =	sst s10  }
0x38: {  	s10 =	sld [smem:$0x3FB7]  }
0x39: {  	_ = 	snop;
	(pc) =	sbr.ind lr, $3  }
0x3a: {  	_ = 	snop  }
0x3b: {  	_ = 	snop  }
0x3c: {  	p2 =	seq.s32 s10, $0x1;
	s10 =	sld [smem:$0x3FB6]  }
0x3d: {  	_ =	shalt  }
0x3e: {  	_ =	shalt  }
0x3f: {  	_ =	shalt  }
0x40: {  	_ =	shalt  }
0x41: {  	_ =	shalt  }
0x42: {  	_ =	shalt  }
0x43: {  	_ =	shalt  }
0x44: {  	_ =	shalt  }
0x45: {  	_ =	shalt  }
0x46: {  	_ =	shalt  }
0x47: {  	_ =	shalt  }
0x48: {  	_ =	shalt  }
0x49: {  	_ =	shalt  }
0x4a: {  	_ =	shalt  }
0x4b: {  	_ =	shalt  }
0x4c: {  	_ =	shalt  }
0x4d: {  	_ =	shalt  }
0x4e: {  	_ =	shalt  }
0x4f: {  	_ =	shalt  }
0x50: {  	_ =	shalt  }
0x51: {  	_ =	shalt  }
0x52: {  	_ =	shalt  }
0x53: {  	_ =	shalt  }
0x54: {  	_ =	shalt  }
0x55: {  	_ =	shalt  }
0x56: {  	_ =	shalt  }
0x57: {  	_ =	shalt  }
0x58: {  	_ =	shalt  }
0x59: {  	_ =	shalt  }
0x5a: {  	_ =	shalt  }
0x5b: {  	_ =	shalt  }
0x5c: {  	_ =	shalt  }
0x5d: {  	_ =	shalt  }
0x5e: {  	_ =	shalt  }
0x5f: {  	_ =	shalt  }
0x60: {  	_ =	shalt  }
0x61: {  	_ =	shalt  }
0x62: {  	_ =	shalt  }
0x63: {  	_ =	shalt  }
0x64: {  	_ =	shalt  }
0x65: {  	_ =	shalt  }
0x66: {  	_ =	shalt  }
0x67: {  	_ =	shalt  }
0x68: {  	_ =	shalt  }
0x69: {  	_ =	shalt  }
0x6a: {  	_ =	shalt  }
0x6b: {  	_ =	shalt  }
0x6c: {  	_ =	shalt  }
0x6d: {  	_ =	shalt  }
0x6e: {  	_ =	shalt  }
0x6f: {  	_ =	shalt  }
0x70: {  	_ =	shalt  }
0x71: {  	_ =	shalt  }
0x72: {  	_ =	shalt  }
0x73: {  	_ =	shalt  }
0x74: {  	_ =	shalt  }
0x75: {  	_ =	shalt  }
0x76: {  	_ =	shalt  }
0x77: {  	_ =	shalt  }
0x78: {  	_ =	shalt  }
0x79: {  	_ =	shalt  }
0x7a: {  	_ =	shalt  }
0x7b: {  	_ =	shalt  }
0x7c: {  	_ =	shalt  }
0x7d: {  	_ =	shalt  }
0x7e: {  	_ =	shalt  }
0x7f: {  	_ =	shalt  }
0x80: {  	_ =	shalt  }
0x81: {  	_ =	shalt  }
0x82: {  	_ =	shalt  }
0x83: {  	_ =	shalt  }
0x84: {  	_ =	shalt  }
0x85: {  	_ =	shalt  }
0x86: {  	_ =	shalt  }
0x87: {  	_ =	shalt  }
.Lfunc_end0:
.L_simem_size_0:
called_computation.1_lowered:
.L_overlay_start_0:
0x88: {  	s2 =	sld [smem:$0x3FD9]  }
0x89: {  	s3 =	sld [smem:$0x3FFE];
	_ =	sdelay $0x1  }
0x8a: {  	s1 =	srdreg.scid  }
0x8b: {  	s0 =	sand.u32 $0x1, s1  }
0x8c: {  	s17 =	sshll.u32 s0, $0xA;
	s2 =	sadd.s32 s3, s2  }
0x8d: {  	s2 =	sadd.s32 s2, s17  }
0x8e: {  	[smem:$0x3FC2] =	sst s2  }
0x8f: {  	_ = 	snop  }
0x90: {  	s2 =	sld [smem:$0x3FD0];
	(tm) =	ssettm $0x1  }
0x91: {  	s18 =	sld [smem:$0x3FFB];
	_ =	sdelay $0x3  }
0x92: {  	_ =	strace s18  }
0x93: {  	s3 =	sld [smem:$0x3FFC];
	_ =	sdelay $0x3  }
0x94: {  	_ =	strace s3  }
0x95: {  	s3 =	sld [smem:$0x3FFD];
	_ =	sdelay $0x3  }
0x96: {  	_ =	strace s3  }
0x97: {  	_ =	strace $0x8FFFFFFF  }
0x98: {  	s19 =	sld [smem:$0x3FDB];
	_ =	sdelay $0x1  }
0x99: {  	s4 =	simm.s32 $_scs_section_size  }
0x9a: {  	s5 =	simm.s32 $_size__tile_overlayer_lowered;
	s6 =	simm.s32 $_tile_overlayer_lowered  }
0x9b: {  	s22 =	simm.s32 $0x1BFF;
	s21 =	sshll.u32 s6, $0x1;
	s3 =	sadd.s32 s4, s19  }
0x9c: {  	s7 =	simm.s32 $0x0;
	s20 =	sshll.u32 s5, $0x1;
	s5 =	sadd.s32 s21, s3  }
0x9d: {  	[timem:s7], [sflag:s22] =	dma.local [hbm:s5], s20  }
0x9e: {  	_ =	swait.ge [sflag:s22], s20  }
0x9f: {  	s4 =	ssub.s32 $0x0, s20;
	[sflag:s22] =	ssyncset.done $0x0  }
0xa0: {  	[sflag:s22] =	ssyncadd.s32 s4;
	_ =	sdelay $0x1  }
0xa1: {  	s23 =	simm.s32 $0x1B8B  }
0xa2: {  	_ =	swait.ge [sflag:s23], $0x1  }
0xa3: {  	[sflag:s23] =	ssyncset.done $0x0  }
0xa4: {  	s25 =	simm.s32 $0x1B8E;
	s24 =	sld [smem:$0x3FFE];
	[sflag:s23] =	ssyncadd.s32 $0xFFFFFFFF  }
0xa5: {  	s26 =	simm.s32 $execute0_lowered;
	[smem:$0x3FD2] =	sst s25  }
0xa6: {  	s5 =	sshll.u32 s26, $0x1;
	_ =	strace $0x80000049;
	[dreg:$0x1] =	wrdreg $0xFFFFFFFF  }
0xa7: {  	s28 =	simm.s32 $_size_execute0_lowered;
	s3 =	sadd.s32 s3, s5;
	[dreg:$0x0] =	wrdreg $0x0  }
0xa8: {  	s5 =	sshll.u32 s28, $0x1;
	[dreg:$0x2] =	wrdreg s3  }
0xa9: {  	[dreg:$0x3] =	wrdreg s5  }
0xaa: {  	[dreg:$0x4] =	wrdreg $0xC0  }
0xab: {  	_ =	task [dreg:s7], $0x5FFFF  }
0xac: {  	[dreg:$0x1] =	wrdreg $0xFFFFFFFF  }
0xad: {  	[dreg:$0x0] =	wrdreg $0x60  }
0xae: {  	[dreg:$0x2] =	wrdreg s2  }
0xaf: {  	[dreg:$0x3] =	wrdreg s24  }
0xb0: {  	[dreg:$0x4] =	wrdreg $0x98000  }
0xb1: {  	[dreg:$0x5] =	wrdreg $0x9  }
0xb2: {  	_ =	task.clear_ibuf [dreg:s7], $0x6FFFF;
	_ =	strace $0x90000049  }
0xb3: {  	s29 =	simm.s32 $0x9;
	_ =	strace $0x8000004B  }
0xb4: {  	_ =	swait.ge [sflag:s29], $0x1  }
0xb5: {  	[sflag:s29] =	ssyncadd.s32 $0xFFFFFFFF  }
0xb6: {  	_ =	strace $0x9000004B  }
0xb7: {  	_ =	sfence  }
0xb8: {  	s30 =	sld [smem:$0x0];
	_ =	sdelay $0x2  }
0xb9: {  	s31 =	sshll.u32 s1, $0xD;
	s1 =	sshrl.u32 s1, $0x2  }
0xba: {  	s3 =	sand.u32 $0x4000, s31;
	s1 =	sadd.s32 s1, s30  }
0xbb: {  	s0 =	sor.u32 s3, s0;
	s1 =	sshll.u32 s1, $0x11  }
0xbc: {  	s0 =	sor.u32 s1, s0  }
0xbd: {  	s0 =	sadd.s32 $0x8F2B, s0  }
0xbe: {  	[sflag:s0] =	ssyncadd.remote.s32 $0x1  }
0xbf: {  	_ =	sfence.sel $0xFFFF  }
0xc0: {  	[dreg:$0x0] =	wrdreg $0xFFFFFFFF;
	(pc) =	sbr.abs _section_cstart, $3  }
0xc1: {  	[dreg:$0x1] =	wrdreg $0xFFFFFFFF  }
0xc2: {  	_ =	task.clear_ibuf [dreg:s7], $0x2FFFF;
	_ =	strace $0x9FFFFFFF  }
0xc3: {  	(tm) =	ssettm $0x7FFFFFFF  }
tec
execute0_lowered:
.L_overlay_start_1:
0x0: {  	(tag) =	ssettag $0x1  }
0x1: {  	s1 =	rddreg [dreg:$0x0]  }
0x2: {  	s0 =	rddreg [dreg:$0x1]  }
0x3: {  	s3 =	rddreg [dreg:$0x2]  }
0x4: {  	s2 =	srdreg.scid;
	s11 =	stileid.u32  }
0x5: {  	s4 =	simm.s32 $0x0;
	s28 =	simm.s32 $0x80;
	s29 =	simm.s32 $0x3800  }
0x6: {  	s31 =	simm.s32 $0x5800;
	s30 =	simm.s32 $0xE80;
	s5 =	smul.u32 $0x90, s11  }
0x7: {  	s2 =	sand.u32 $0x1, s2;
	s6 =	sshll.u32 s11, $0x4;
	s7 =	smul.u32 $0x50000, s11  }
0x8: {  	[smem:$0x7FF] =	sst s4;
	s8 =	sadd.s32 $0x16600, s0;
	s26 =	smul.u32 $0x14000, s11  }
0x9: {  	p0 =	seq.s32 s2, $0x0;
	s6 =	sor.u32 $0x900, s6;
	_ =	strace $0x8000004A  }
0xa: {  	[dreg:$0x4] =	wrdreg s8;
	s25 =	ssub.s32 $0x2, s2;
	s10 =	smul.u32 $0x140000, s2  }
0xb: {  	s6 =	smov.u32 @p0 s5;
	s9 =	sshrl.u32 s25, $0x1;
	s7 =	sshrl.u32 s7, $0x2  }
0xc: {  	s14 =	sadd.s32 $0x4000, s26;
	s18 =	sadd.s32 $0x8000, s26;
	s20 =	sadd.s32 $0xC000, s26  }
0xd: {  	p0 =	sne.s32 s2, $0x0;
	s2 =	simm.s32 $0x7800;
	s5 =	sshll.u32 s6, $0x5  }
0xe: {  	s6 =	sshll.u32 s6, $0x4;
	s8 =	ssub.s32 s25, s9;
	s21 =	sadd.s32 s7, s3  }
0xf: {  	s13 =	sadd.s32 s10, s26;
	s16 =	sadd.s32 s10, s14;
	s9 =	sadd.s32 s14, s3  }
0x10: {  	s19 =	sadd.s32 s18, s3;
	s22 =	sadd.s32 s10, s20;
	s7 =	sadd.s32 $0x10000, s26  }
0x11: {  	s5 =	sadd.s32 s5, s0;
	s6 =	sadd.s32 s6, s0;
	[dreg:$0xc] =	wrdreg s9  }
0x12: {  	s0 =	sadd.s32 $0x2B200, s0;
	s8 =	smax.u32 s8, $0x1;
	[dreg:$0xe] =	wrdreg s19  }
0x13: {  	s11 =	sadd.s32 $0x4000, s21;
	s12 =	sadd.s32 $0x8000, s21;
	[dreg:$0x5] =	wrdreg s21  }
0x14: {  	s15 =	sadd.s32 $0xC000, s21;
	s17 =	sshrl.u32 s16, $0x3;
	[dreg:$0x6] =	wrdreg s8  }
0x15: {  	s23 =	sshrl.u32 s22, $0x3;
	s9 =	sadd.s32 s20, s3;
	[dreg:$0x7] =	wrdreg s11  }
0x16: {  	s16 =	simm.s32 $0x1580;
	s19 =	simm.s32 $0x1600;
	[dreg:$0x8] =	wrdreg s12  }
0x17: {  	s20 =	simm.s32 $0xE00;
	[dreg:$0x9] =	wrdreg s15;
	s8 =	sshrl.u32 s13, $0x3  }
0x18: {  	s12 =	sadd.s32 $0x10000, s21;
	[dreg:$0x10] =	wrdreg s9;
	s25 =	sadd.s32 $0xC600, s6  }
0x19: {  	s26 =	sadd.s32 $0x17200, s5;
	s5 =	simm.s32 $0x1;
	s11 =	simm.s32 $0x4  }
0x1a: {  	s15 =	simm.s32 $0xC80;
	s9 =	simm.s32 $0xF80;
	[dreg:$0xa] =	wrdreg s12  }
0x1b: {  	s13 =	simm.s32 $0x1780;
	s8 =	sadd.s32 s0, s8;
	[dreg:$0x14] =	wrdreg s25  }
0x1c: {  	[dreg:$0x15] =	wrdreg s26;
	s25 =	simm.s32 $0x1000;
	s26 =	simm.s32 $0x40  }
0x1d: {  	s12 =	simm.s32 $0x1700;
	[dreg:$0xb] =	wrdreg s8;
	s8 =	sadd.s32 s0, s17  }
0x1e: {  	s17 =	simm.s32 $0xD00;
	[dreg:$0xd] =	wrdreg s8;
	s8 =	sadd.s32 s10, s18  }
0x1f: {  	s10 =	sadd.s32 s10, s7;
	s7 =	sadd.s32 s7, s3;
	s18 =	simm.s32 $0xD80  }
0x20: {  	s8 =	sshrl.u32 s8, $0x3;
	s24 =	sshrl.u32 s10, $0x3;
	[dreg:$0x12] =	wrdreg s7  }
0x21: {  	s7 =	simm.s32 $0x2;
	s10 =	simm.s32 $0x3;
	s8 =	sadd.s32 s0, s8  }
0x22: {  	[dreg:$0xf] =	wrdreg s8;
	s8 =	sadd.s32 s0, s23;
	s0 =	sadd.s32 s0, s24  }
0x23: {  	s23 =	simm.s32 $0x1800;
	s24 =	simm.s32 $0x5;
	[dreg:$0x11] =	wrdreg s8  }
0x24: {  	[dreg:$0x13] =	wrdreg s0;
	s0 =	simm.s32 $0x0;
	s8 =	simm.s32 $0xF00  }
.LBB2_1:
0x25: {  	[dreg:$0x16] =	wrdreg s0  }
0x26: {  	s6 =	rddreg [dreg:$0x4]  }
0x27: {  	[tilespmem:s23], [sflag:$0x5] =	stream.linear.gather [hbm4b:s6+s4], $0x4000, $0x38;
	[tilespmem:$0x1D800] =	vst v63  }
0x28: {  	_ =	swait.ge [sflag:s24], $0x4000  }
0x29: {  	[sflag:s24] =	ssyncset.done $0x0  }
0x2a: {  	[sflag:s24] =	ssyncadd.s32 $0xFFFFC000  }
0x2b: {  	[spmem:s21] =	stream.linear.scatter [tilespmem:s23], [sflag:$0x5], $0x4000, $0x38;
	[tilespmem:$0x1D800] =	vst v63  }
0x2c: {  	_ =	swait.ge [sflag:s24], $0x4000  }
0x2d: {  	[sflag:s24] =	ssyncset.done $0x0  }
0x2e: {  	s0 =	rddreg [dreg:$0x7];
	[sflag:s24] =	ssyncadd.s32 $0xFFFFC000  }
0x2f: {  	[spmem:s0] =	stream.linear.scatter [tilespmem:s23], [sflag:$0x5], $0x4000, $0x38;
	[tilespmem:$0x1D800] =	vst v63  }
0x30: {  	_ =	swait.ge [sflag:s24], $0x4000  }
0x31: {  	[sflag:s24] =	ssyncset.done $0x0  }
0x32: {  	s14 =	rddreg [dreg:$0x8];
	[sflag:s24] =	ssyncadd.s32 $0xFFFFC000  }
0x33: {  	[spmem:s14] =	stream.linear.scatter [tilespmem:s23], [sflag:$0x5], $0x4000, $0x38;
	[tilespmem:$0x1D800] =	vst v63  }
0x34: {  	_ =	swait.ge [sflag:s24], $0x4000  }
0x35: {  	[sflag:s24] =	ssyncset.done $0x0  }
0x36: {  	s21 =	rddreg [dreg:$0x9];
	[sflag:s24] =	ssyncadd.s32 $0xFFFFC000  }
0x37: {  	[spmem:s21] =	stream.linear.scatter [tilespmem:s23], [sflag:$0x5], $0x4000, $0x38;
	[tilespmem:$0x1D800] =	vst v63  }
0x38: {  	_ =	swait.ge [sflag:s24], $0x4000  }
0x39: {  	[sflag:s24] =	ssyncset.done $0x0  }
0x3a: {  	s22 =	rddreg [dreg:$0xa];
	[sflag:s24] =	ssyncadd.s32 $0xFFFFC000  }
0x3b: {  	[spmem:s22] =	stream.linear.scatter [tilespmem:s23], [sflag:$0x5], $0x4000, $0x38;
	[tilespmem:$0x1D800] =	vst v63  }
0x3c: {  	_ =	swait.ge [sflag:s24], $0x4000  }
0x3d: {  	[sflag:s24] =	ssyncset.done $0x0  }
0x3e: {  	[sflag:s24] =	ssyncadd.s32 $0xFFFFC000  }
0x3f: {  	[bflag:$0x0] =	sbarrier.arrive $0xFFFF  }
0x40: {  	s21 =	rddreg [dreg:$0x15]  }
0x41: {  	s6 =	simm.s32 $0x0;
	s0 =	simm.s32 $0x1680;
	s22 =	rddreg [dreg:$0x14]  }
.LBB2_2:
0x42: {  	[tilespmem:s4], [sflag:$0x5] =	stream.linear.gather [hbm4b:s21+s4], $0x1000, $0x38;
	[tilespmem:$0x1D800] =	vst v63  }
0x43: {  	_ =	swait.ge [sflag:s24], $0x1000  }
0x44: {  	[sflag:s24] =	ssyncset.done $0x0  }
0x45: {  	[sflag:s24] =	ssyncadd.s32 $0xFFFFF000  }
0x46: {  	[tilespmem:s25], [sflag:$0x5] =	stream.linear.gather [hbm4b:s22+s4], $0x800, $0x38;
	[tilespmem:$0x1D800] =	vst v63  }
0x47: {  	_ =	swait.ge [sflag:s24], $0x800  }
0x48: {  	[sflag:s24] =	ssyncset.done $0x0  }
0x49: {  	[sflag:s24] =	ssyncadd.s32 $0xFFFFF800  }
0x4a: {  	[tilespmem:s23], [sflag:$0x1] =	stream.indirect.gather [hbm4b:s1+s26], $0x80, s4, s26, $0xb8;
	[tilespmem:$0x1D800] =	vst v63  }
0x4b: {  	_ = 	snop  }
0x4c: {  	[tilespmem:s29], [sflag:$0x2] =	stream.indirect.gather [hbm4b:s1+s26], $0x80, s28, s26, $0xb8;
	[tilespmem:$0x1D800] =	vst v63  }
0x4d: {  	s14 =	simm.s32 $0x100  }
0x4e: {  	[tilespmem:s31], [sflag:$0x3] =	stream.indirect.gather [hbm4b:s1+s26], $0x80, s14, s26, $0xb8;
	[tilespmem:$0x1D800] =	vst v63  }
0x4f: {  	s14 =	simm.s32 $0x180  }
0x50: {  	[tilespmem:s2], [sflag:$0x4] =	stream.indirect.gather [hbm4b:s1+s26], $0x80, s14, s26, $0xb8;
	[tilespmem:$0x1D800] =	vst v63  }
0x51: {  	_ =	swait.ge [sflag:s5], $0x2000  }
0x52: {  	[sflag:s5] =	ssyncset.done $0x0  }
0x53: {  	[sflag:s5] =	ssyncadd.s32 $0xFFFFE000  }
0x54: {  	_ =	swait.ge [sflag:s7], $0x2000  }
0x55: {  	[sflag:s7] =	ssyncset.done $0x0  }
0x56: {  	[sflag:s7] =	ssyncadd.s32 $0xFFFFE000  }
0x57: {  	[spmem:s3] =	stream.indirect.scatter.add.f32 [tilespmem:s23], [sflag:$0x5], $0x80, s25, s28, $0xb8;
	[tilespmem:$0x1D800] =	vst v63  }
0x58: {  	_ =	swait.ge [sflag:s24], $0x4000  }
0x59: {  	[sflag:s24] =	ssyncset.done $0x0  }
0x5a: {  	s14 =	simm.s32 $0x200;
	[sflag:s24] =	ssyncadd.s32 $0xFFFFC000  }
0x5b: {  	[tilespmem:s23], [sflag:$0x1] =	stream.indirect.gather [hbm4b:s1+s26], $0x80, s14, s26, $0xb8;
	[tilespmem:$0x1D800] =	vst v63  }
0x5c: {  	s14 =	simm.s32 $0x280  }
0x5d: {  	[tilespmem:s29], [sflag:$0x2] =	stream.indirect.gather [hbm4b:s1+s26], $0x80, s14, s26, $0xb8;
	[tilespmem:$0x1D800] =	vst v63  }
0x5e: {  	_ =	swait.ge [sflag:s10], $0x2000  }
0x5f: {  	[sflag:s10] =	ssyncset.done $0x0  }
0x60: {  	[sflag:s10] =	ssyncadd.s32 $0xFFFFE000  }
0x61: {  	_ =	swait.ge [sflag:s11], $0x2000  }
0x62: {  	[sflag:s11] =	ssyncset.done $0x0  }
0x63: {  	s14 =	simm.s32 $0x1080;
	[sflag:s11] =	ssyncadd.s32 $0xFFFFE000  }
0x64: {  	[spmem:s3] =	stream.indirect.scatter.add.f32 [tilespmem:s31], [sflag:$0x5], $0x80, s14, s28, $0xb8;
	[tilespmem:$0x1D800] =	vst v63  }
0x65: {  	_ =	swait.ge [sflag:s24], $0x4000  }
0x66: {  	[sflag:s24] =	ssyncset.done $0x0  }
0x67: {  	s14 =	simm.s32 $0x300;
	[sflag:s24] =	ssyncadd.s32 $0xFFFFC000  }
0x68: {  	[tilespmem:s31], [sflag:$0x3] =	stream.indirect.gather [hbm4b:s1+s26], $0x80, s14, s26, $0xb8;
	[tilespmem:$0x1D800] =	vst v63  }
0x69: {  	s14 =	simm.s32 $0x380  }
0x6a: {  	[tilespmem:s2], [sflag:$0x4] =	stream.indirect.gather [hbm4b:s1+s26], $0x80, s14, s26, $0xb8;
	[tilespmem:$0x1D800] =	vst v63  }
0x6b: {  	_ =	swait.ge [sflag:s5], $0x2000  }
0x6c: {  	[sflag:s5] =	ssyncset.done $0x0  }
0x6d: {  	[sflag:s5] =	ssyncadd.s32 $0xFFFFE000  }
0x6e: {  	_ =	swait.ge [sflag:s7], $0x2000  }
0x6f: {  	[sflag:s7] =	ssyncset.done $0x0  }
0x70: {  	s14 =	simm.s32 $0x1100;
	[sflag:s7] =	ssyncadd.s32 $0xFFFFE000  }
0x71: {  	[spmem:s3] =	stream.indirect.scatter.add.f32 [tilespmem:s23], [sflag:$0x5], $0x80, s14, s28, $0xb8;
	[tilespmem:$0x1D800] =	vst v63  }
0x72: {  	_ =	swait.ge [sflag:s24], $0x4000  }
0x73: {  	[sflag:s24] =	ssyncset.done $0x0  }
0x74: {  	s14 =	simm.s32 $0x400;
	[sflag:s24] =	ssyncadd.s32 $0xFFFFC000  }
0x75: {  	[tilespmem:s23], [sflag:$0x1] =	stream.indirect.gather [hbm4b:s1+s26], $0x80, s14, s26, $0xb8;
	[tilespmem:$0x1D800] =	vst v63  }
0x76: {  	s14 =	simm.s32 $0x480  }
0x77: {  	[tilespmem:s29], [sflag:$0x2] =	stream.indirect.gather [hbm4b:s1+s26], $0x80, s14, s26, $0xb8;
	[tilespmem:$0x1D800] =	vst v63  }
0x78: {  	_ =	swait.ge [sflag:s10], $0x2000  }
0x79: {  	[sflag:s10] =	ssyncset.done $0x0  }
0x7a: {  	[sflag:s10] =	ssyncadd.s32 $0xFFFFE000  }
0x7b: {  	_ =	swait.ge [sflag:s11], $0x2000  }
0x7c: {  	[sflag:s11] =	ssyncset.done $0x0  }
0x7d: {  	s14 =	simm.s32 $0x1180;
	[sflag:s11] =	ssyncadd.s32 $0xFFFFE000  }
0x7e: {  	[spmem:s3] =	stream.indirect.scatter.add.f32 [tilespmem:s31], [sflag:$0x5], $0x80, s14, s28, $0xb8;
	[tilespmem:$0x1D800] =	vst v63  }
0x7f: {  	_ =	swait.ge [sflag:s24], $0x4000  }
0x80: {  	[sflag:s24] =	ssyncset.done $0x0  }
0x81: {  	s14 =	simm.s32 $0x500;
	[sflag:s24] =	ssyncadd.s32 $0xFFFFC000  }
0x82: {  	[tilespmem:s31], [sflag:$0x3] =	stream.indirect.gather [hbm4b:s1+s26], $0x80, s14, s26, $0xb8;
	[tilespmem:$0x1D800] =	vst v63  }
0x83: {  	s14 =	simm.s32 $0x580  }
0x84: {  	[tilespmem:s2], [sflag:$0x4] =	stream.indirect.gather [hbm4b:s1+s26], $0x80, s14, s26, $0xb8;
	[tilespmem:$0x1D800] =	vst v63  }
0x85: {  	_ =	swait.ge [sflag:s5], $0x2000  }
0x86: {  	[sflag:s5] =	ssyncset.done $0x0  }
0x87: {  	[sflag:s5] =	ssyncadd.s32 $0xFFFFE000  }
0x88: {  	_ =	swait.ge [sflag:s7], $0x2000  }
0x89: {  	[sflag:s7] =	ssyncset.done $0x0  }
0x8a: {  	s14 =	simm.s32 $0x1200;
	[sflag:s7] =	ssyncadd.s32 $0xFFFFE000  }
0x8b: {  	[spmem:s3] =	stream.indirect.scatter.add.f32 [tilespmem:s23], [sflag:$0x5], $0x80, s14, s28, $0xb8;
	[tilespmem:$0x1D800] =	vst v63  }
0x8c: {  	_ =	swait.ge [sflag:s24], $0x4000  }
0x8d: {  	[sflag:s24] =	ssyncset.done $0x0  }
0x8e: {  	s14 =	simm.s32 $0x600;
	[sflag:s24] =	ssyncadd.s32 $0xFFFFC000  }
0x8f: {  	[tilespmem:s23], [sflag:$0x1] =	stream.indirect.gather [hbm4b:s1+s26], $0x80, s14, s26, $0xb8;
	[tilespmem:$0x1D800] =	vst v63  }
0x90: {  	s14 =	simm.s32 $0x680  }
0x91: {  	[tilespmem:s29], [sflag:$0x2] =	stream.indirect.gather [hbm4b:s1+s26], $0x80, s14, s26, $0xb8;
	[tilespmem:$0x1D800] =	vst v63  }
0x92: {  	_ =	swait.ge [sflag:s10], $0x2000  }
0x93: {  	[sflag:s10] =	ssyncset.done $0x0  }
0x94: {  	[sflag:s10] =	ssyncadd.s32 $0xFFFFE000  }
0x95: {  	_ =	swait.ge [sflag:s11], $0x2000  }
0x96: {  	[sflag:s11] =	ssyncset.done $0x0  }
0x97: {  	s14 =	simm.s32 $0x1280;
	[sflag:s11] =	ssyncadd.s32 $0xFFFFE000  }
0x98: {  	[spmem:s3] =	stream.indirect.scatter.add.f32 [tilespmem:s31], [sflag:$0x5], $0x80, s14, s28, $0xb8;
	[tilespmem:$0x1D800] =	vst v63  }
0x99: {  	_ =	swait.ge [sflag:s24], $0x4000  }
0x9a: {  	[sflag:s24] =	ssyncset.done $0x0  }
0x9b: {  	s14 =	simm.s32 $0x700;
	[sflag:s24] =	ssyncadd.s32 $0xFFFFC000  }
0x9c: {  	[tilespmem:s31], [sflag:$0x3] =	stream.indirect.gather [hbm4b:s1+s26], $0x80, s14, s26, $0xb8;
	[tilespmem:$0x1D800] =	vst v63  }
0x9d: {  	s14 =	simm.s32 $0x780  }
0x9e: {  	[tilespmem:s2], [sflag:$0x4] =	stream.indirect.gather [hbm4b:s1+s26], $0x80, s14, s26, $0xb8;
	[tilespmem:$0x1D800] =	vst v63  }
0x9f: {  	_ =	swait.ge [sflag:s5], $0x2000  }
0xa0: {  	[sflag:s5] =	ssyncset.done $0x0  }
0xa1: {  	[sflag:s5] =	ssyncadd.s32 $0xFFFFE000  }
0xa2: {  	_ =	swait.ge [sflag:s7], $0x2000  }
0xa3: {  	[sflag:s7] =	ssyncset.done $0x0  }
0xa4: {  	s14 =	simm.s32 $0x1300;
	[sflag:s7] =	ssyncadd.s32 $0xFFFFE000  }
0xa5: {  	[spmem:s3] =	stream.indirect.scatter.add.f32 [tilespmem:s23], [sflag:$0x5], $0x80, s14, s28, $0xb8;
	[tilespmem:$0x1D800] =	vst v63  }
0xa6: {  	_ =	swait.ge [sflag:s24], $0x4000  }
0xa7: {  	[sflag:s24] =	ssyncset.done $0x0  }
0xa8: {  	s14 =	simm.s32 $0x800;
	[sflag:s24] =	ssyncadd.s32 $0xFFFFC000  }
0xa9: {  	[tilespmem:s23], [sflag:$0x1] =	stream.indirect.gather [hbm4b:s1+s26], $0x80, s14, s26, $0xb8;
	[tilespmem:$0x1D800] =	vst v63  }
0xaa: {  	s14 =	simm.s32 $0x880  }
0xab: {  	[tilespmem:s29], [sflag:$0x2] =	stream.indirect.gather [hbm4b:s1+s26], $0x80, s14, s26, $0xb8;
	[tilespmem:$0x1D800] =	vst v63  }
0xac: {  	_ =	swait.ge [sflag:s10], $0x2000  }
0xad: {  	[sflag:s10] =	ssyncset.done $0x0  }
0xae: {  	[sflag:s10] =	ssyncadd.s32 $0xFFFFE000  }
0xaf: {  	_ =	swait.ge [sflag:s11], $0x2000  }
0xb0: {  	[sflag:s11] =	ssyncset.done $0x0  }
0xb1: {  	s14 =	simm.s32 $0x1380;
	[sflag:s11] =	ssyncadd.s32 $0xFFFFE000  }
0xb2: {  	[spmem:s3] =	stream.indirect.scatter.add.f32 [tilespmem:s31], [sflag:$0x5], $0x80, s14, s28, $0xb8;
	[tilespmem:$0x1D800] =	vst v63  }
0xb3: {  	_ =	swait.ge [sflag:s24], $0x4000  }
0xb4: {  	[sflag:s24] =	ssyncset.done $0x0  }
0xb5: {  	s14 =	simm.s32 $0x900;
	[sflag:s24] =	ssyncadd.s32 $0xFFFFC000  }
0xb6: {  	[tilespmem:s31], [sflag:$0x3] =	stream.indirect.gather [hbm4b:s1+s26], $0x80, s14, s26, $0xb8;
	[tilespmem:$0x1D800] =	vst v63  }
0xb7: {  	s14 =	simm.s32 $0x980  }
0xb8: {  	[tilespmem:s2], [sflag:$0x4] =	stream.indirect.gather [hbm4b:s1+s26], $0x80, s14, s26, $0xb8;
	[tilespmem:$0x1D800] =	vst v63  }
0xb9: {  	_ =	swait.ge [sflag:s5], $0x2000  }
0xba: {  	[sflag:s5] =	ssyncset.done $0x0  }
0xbb: {  	[sflag:s5] =	ssyncadd.s32 $0xFFFFE000  }
0xbc: {  	_ =	swait.ge [sflag:s7], $0x2000  }
0xbd: {  	[sflag:s7] =	ssyncset.done $0x0  }
0xbe: {  	s14 =	simm.s32 $0x1400;
	[sflag:s7] =	ssyncadd.s32 $0xFFFFE000  }
0xbf: {  	[spmem:s3] =	stream.indirect.scatter.add.f32 [tilespmem:s23], [sflag:$0x5], $0x80, s14, s28, $0xb8;
	[tilespmem:$0x1D800] =	vst v63  }
0xc0: {  	_ =	swait.ge [sflag:s24], $0x4000  }
0xc1: {  	[sflag:s24] =	ssyncset.done $0x0  }
0xc2: {  	s14 =	simm.s32 $0xA00;
	[sflag:s24] =	ssyncadd.s32 $0xFFFFC000  }
0xc3: {  	[tilespmem:s23], [sflag:$0x1] =	stream.indirect.gather [hbm4b:s1+s26], $0x80, s14, s26, $0xb8;
	[tilespmem:$0x1D800] =	vst v63  }
0xc4: {  	s14 =	simm.s32 $0xA80  }
0xc5: {  	[tilespmem:s29], [sflag:$0x2] =	stream.indirect.gather [hbm4b:s1+s26], $0x80, s14, s26, $0xb8;
	[tilespmem:$0x1D800] =	vst v63  }
0xc6: {  	_ =	swait.ge [sflag:s10], $0x2000  }
0xc7: {  	[sflag:s10] =	ssyncset.done $0x0  }
0xc8: {  	[sflag:s10] =	ssyncadd.s32 $0xFFFFE000  }
0xc9: {  	_ =	swait.ge [sflag:s11], $0x2000  }
0xca: {  	[sflag:s11] =	ssyncset.done $0x0  }
0xcb: {  	s14 =	simm.s32 $0x1480;
	[sflag:s11] =	ssyncadd.s32 $0xFFFFE000  }
0xcc: {  	[spmem:s3] =	stream.indirect.scatter.add.f32 [tilespmem:s31], [sflag:$0x5], $0x80, s14, s28, $0xb8;
	[tilespmem:$0x1D800] =	vst v63  }
0xcd: {  	_ =	swait.ge [sflag:s24], $0x4000  }
0xce: {  	[sflag:s24] =	ssyncset.done $0x0  }
0xcf: {  	s14 =	simm.s32 $0xB00;
	[sflag:s24] =	ssyncadd.s32 $0xFFFFC000  }
0xd0: {  	[tilespmem:s31], [sflag:$0x3] =	stream.indirect.gather [hbm4b:s1+s26], $0x80, s14, s26, $0xb8;
	[tilespmem:$0x1D800] =	vst v63  }
0xd1: {  	s14 =	simm.s32 $0xB80  }
0xd2: {  	[tilespmem:s2], [sflag:$0x4] =	stream.indirect.gather [hbm4b:s1+s26], $0x80, s14, s26, $0xb8;
	[tilespmem:$0x1D800] =	vst v63  }
0xd3: {  	_ =	swait.ge [sflag:s5], $0x2000  }
0xd4: {  	[sflag:s5] =	ssyncset.done $0x0  }
0xd5: {  	[sflag:s5] =	ssyncadd.s32 $0xFFFFE000  }
0xd6: {  	_ =	swait.ge [sflag:s7], $0x2000  }
0xd7: {  	[sflag:s7] =	ssyncset.done $0x0  }
0xd8: {  	s14 =	simm.s32 $0x1500;
	[sflag:s7] =	ssyncadd.s32 $0xFFFFE000  }
0xd9: {  	[spmem:s3] =	stream.indirect.scatter.add.f32 [tilespmem:s23], [sflag:$0x5], $0x80, s14, s28, $0xb8;
	[tilespmem:$0x1D800] =	vst v63  }
0xda: {  	_ =	swait.ge [sflag:s24], $0x4000  }
0xdb: {  	[sflag:s24] =	ssyncset.done $0x0  }
0xdc: {  	s14 =	simm.s32 $0xC00;
	[sflag:s24] =	ssyncadd.s32 $0xFFFFC000  }
0xdd: {  	[tilespmem:s23], [sflag:$0x1] =	stream.indirect.gather [hbm4b:s1+s26], $0x80, s14, s26, $0xb8;
	[tilespmem:$0x1D800] =	vst v63  }
0xde: {  	_ = 	snop  }
0xdf: {  	[tilespmem:s29], [sflag:$0x2] =	stream.indirect.gather [hbm4b:s1+s26], $0x80, s15, s26, $0xb8;
	[tilespmem:$0x1D800] =	vst v63  }
0xe0: {  	_ =	swait.ge [sflag:s10], $0x2000  }
0xe1: {  	[sflag:s10] =	ssyncset.done $0x0  }
0xe2: {  	[sflag:s10] =	ssyncadd.s32 $0xFFFFE000  }
0xe3: {  	_ =	swait.ge [sflag:s11], $0x2000  }
0xe4: {  	[sflag:s11] =	ssyncset.done $0x0  }
0xe5: {  	[sflag:s11] =	ssyncadd.s32 $0xFFFFE000  }
0xe6: {  	[spmem:s3] =	stream.indirect.scatter.add.f32 [tilespmem:s31], [sflag:$0x5], $0x80, s16, s28, $0xb8;
	[tilespmem:$0x1D800] =	vst v63  }
0xe7: {  	_ =	swait.ge [sflag:s24], $0x4000  }
0xe8: {  	[sflag:s24] =	ssyncset.done $0x0  }
0xe9: {  	[sflag:s24] =	ssyncadd.s32 $0xFFFFC000  }
0xea: {  	[tilespmem:s31], [sflag:$0x3] =	stream.indirect.gather [hbm4b:s1+s26], $0x80, s17, s26, $0xb8;
	[tilespmem:$0x1D800] =	vst v63  }
0xeb: {  	_ = 	snop  }
0xec: {  	[tilespmem:s2], [sflag:$0x4] =	stream.indirect.gather [hbm4b:s1+s26], $0x80, s18, s26, $0xb8;
	[tilespmem:$0x1D800] =	vst v63  }
0xed: {  	_ =	swait.ge [sflag:s5], $0x2000  }
0xee: {  	[sflag:s5] =	ssyncset.done $0x0  }
0xef: {  	[sflag:s5] =	ssyncadd.s32 $0xFFFFE000  }
0xf0: {  	_ =	swait.ge [sflag:s7], $0x2000  }
0xf1: {  	[sflag:s7] =	ssyncset.done $0x0  }
0xf2: {  	[sflag:s7] =	ssyncadd.s32 $0xFFFFE000  }
0xf3: {  	[spmem:s3] =	stream.indirect.scatter.add.f32 [tilespmem:s23], [sflag:$0x5], $0x80, s19, s28, $0xb8;
	[tilespmem:$0x1D800] =	vst v63  }
0xf4: {  	_ =	swait.ge [sflag:s24], $0x4000  }
0xf5: {  	[sflag:s24] =	ssyncset.done $0x0  }
0xf6: {  	[sflag:s24] =	ssyncadd.s32 $0xFFFFC000  }
0xf7: {  	[tilespmem:s23], [sflag:$0x1] =	stream.indirect.gather [hbm4b:s1+s26], $0x80, s20, s26, $0xb8;
	[tilespmem:$0x1D800] =	vst v63  }
0xf8: {  	_ = 	snop  }
0xf9: {  	[tilespmem:s29], [sflag:$0x2] =	stream.indirect.gather [hbm4b:s1+s26], $0x80, s30, s26, $0xb8;
	[tilespmem:$0x1D800] =	vst v63  }
0xfa: {  	_ =	swait.ge [sflag:s10], $0x2000  }
0xfb: {  	[sflag:s10] =	ssyncset.done $0x0  }
0xfc: {  	[sflag:s10] =	ssyncadd.s32 $0xFFFFE000  }
0xfd: {  	_ =	swait.ge [sflag:s11], $0x2000  }
0xfe: {  	[sflag:s11] =	ssyncset.done $0x0  }
0xff: {  	[sflag:s11] =	ssyncadd.s32 $0xFFFFE000  }
0x100: {  	[spmem:s3] =	stream.indirect.scatter.add.f32 [tilespmem:s31], [sflag:$0x5], $0x80, s0, s28, $0xb8;
	[tilespmem:$0x1D800] =	vst v63  }
0x101: {  	_ =	swait.ge [sflag:s24], $0x4000  }
0x102: {  	[sflag:s24] =	ssyncset.done $0x0  }
0x103: {  	[sflag:s24] =	ssyncadd.s32 $0xFFFFC000  }
0x104: {  	[tilespmem:s31], [sflag:$0x3] =	stream.indirect.gather [hbm4b:s1+s26], $0x80, s8, s26, $0xb8;
	[tilespmem:$0x1D800] =	vst v63  }
0x105: {  	_ = 	snop  }
0x106: {  	[tilespmem:s2], [sflag:$0x4] =	stream.indirect.gather [hbm4b:s1+s26], $0x80, s9, s26, $0xb8;
	[tilespmem:$0x1D800] =	vst v63  }
0x107: {  	_ =	swait.ge [sflag:s5], $0x2000  }
0x108: {  	[sflag:s5] =	ssyncset.done $0x0  }
0x109: {  	[sflag:s5] =	ssyncadd.s32 $0xFFFFE000  }
0x10a: {  	_ =	swait.ge [sflag:s7], $0x2000  }
0x10b: {  	[sflag:s7] =	ssyncset.done $0x0  }
0x10c: {  	[sflag:s7] =	ssyncadd.s32 $0xFFFFE000  }
0x10d: {  	[spmem:s3] =	stream.indirect.scatter.add.f32 [tilespmem:s23], [sflag:$0x5], $0x80, s12, s28, $0xb8;
	[tilespmem:$0x1D800] =	vst v63  }
0x10e: {  	_ =	swait.ge [sflag:s24], $0x4000  }
0x10f: {  	[sflag:s24] =	ssyncset.done $0x0  }
0x110: {  	[sflag:s24] =	ssyncadd.s32 $0xFFFFC000  }
0x111: {  	_ =	swait.ge [sflag:s10], $0x2000  }
0x112: {  	[sflag:s10] =	ssyncset.done $0x0  }
0x113: {  	[sflag:s10] =	ssyncadd.s32 $0xFFFFE000  }
0x114: {  	p1 =	slt.u32 @!p0 s6, $0x8;
	_ =	swait.ge [sflag:s11], $0x2000  }
0x115: {  	p1 =	por p0, !p1;
	[sflag:s11] =	ssyncset.done $0x0  }
.Ltmp0:
0x116: {  	[sflag:s11] =	ssyncadd.s32 $0xFFFFE000;
	(pc) =	sbr.rel @!p1 .LBB2_2-.Ltmp0, $4  }
0x117: {  	[spmem:s3] =	stream.indirect.scatter.add.f32 [tilespmem:s31], [sflag:$0x5], $0x80, s13, s28, $0xb8;
	[tilespmem:$0x1D800] =	vst v63  }
0x118: {  	_ =	swait.ge [sflag:s24], $0x4000  }
0x119: {  	s6 =	sadd.s32 $0x1, s6;
	[sflag:s24] =	ssyncset.done $0x0  }
0x11a: {  	s21 =	sadd.s32 $0x200, s21;
	s22 =	sadd.s32 $0x100, s22;
	[sflag:s24] =	ssyncadd.s32 $0xFFFFC000  }
0x11b: {  	[bflag:$0x0] =	sbarrier.arrive $0xFFFF  }
0x11c: {  	s21 =	rddreg [dreg:$0x5]  }
0x11d: {  	[tilespmem:s23], [sflag:$0x5] =	stream.linear.gather [spmem:s21], $0x4000, $0x38;
	[tilespmem:$0x1D800] =	vst v63  }
0x11e: {  	_ =	swait.ge [sflag:s24], $0x4000  }
0x11f: {  	[sflag:s24] =	ssyncset.done $0x0  }
0x120: {  	s6 =	rddreg [dreg:$0xb];
	[sflag:s24] =	ssyncadd.s32 $0xFFFFC000  }
0x121: {  	[hbm4b:s6+s4] =	stream.linear.scatter [tilespmem:s23], [sflag:$0x5], $0x4000, $0x38;
	[tilespmem:$0x1D800] =	vst v63  }
0x122: {  	_ =	swait.ge [sflag:s24], $0x4000  }
0x123: {  	[sflag:s24] =	ssyncset.done $0x0  }
0x124: {  	s0 =	rddreg [dreg:$0xc];
	[sflag:s24] =	ssyncadd.s32 $0xFFFFC000  }
0x125: {  	[tilespmem:s23], [sflag:$0x5] =	stream.linear.gather [spmem:s0], $0x4000, $0x38;
	[tilespmem:$0x1D800] =	vst v63  }
0x126: {  	_ =	swait.ge [sflag:s24], $0x4000  }
0x127: {  	[sflag:s24] =	ssyncset.done $0x0  }
0x128: {  	s14 =	rddreg [dreg:$0xd];
	[sflag:s24] =	ssyncadd.s32 $0xFFFFC000  }
0x129: {  	[hbm4b:s14+s4] =	stream.linear.scatter [tilespmem:s23], [sflag:$0x5], $0x4000, $0x38;
	[tilespmem:$0x1D800] =	vst v63  }
0x12a: {  	_ =	swait.ge [sflag:s24], $0x4000  }
0x12b: {  	[sflag:s24] =	ssyncset.done $0x0  }
0x12c: {  	s22 =	rddreg [dreg:$0xe];
	[sflag:s24] =	ssyncadd.s32 $0xFFFFC000  }
0x12d: {  	[tilespmem:s23], [sflag:$0x5] =	stream.linear.gather [spmem:s22], $0x4000, $0x38;
	[tilespmem:$0x1D800] =	vst v63  }
0x12e: {  	_ =	swait.ge [sflag:s24], $0x4000  }
0x12f: {  	[sflag:s24] =	ssyncset.done $0x0  }
0x130: {  	s0 =	rddreg [dreg:$0xf];
	[sflag:s24] =	ssyncadd.s32 $0xFFFFC000  }
0x131: {  	[hbm4b:s0+s4] =	stream.linear.scatter [tilespmem:s23], [sflag:$0x5], $0x4000, $0x38;
	[tilespmem:$0x1D800] =	vst v63  }
0x132: {  	_ =	swait.ge [sflag:s24], $0x4000  }
0x133: {  	[sflag:s24] =	ssyncset.done $0x0  }
0x134: {  	s14 =	rddreg [dreg:$0x10];
	[sflag:s24] =	ssyncadd.s32 $0xFFFFC000  }
0x135: {  	[tilespmem:s23], [sflag:$0x5] =	stream.linear.gather [spmem:s14], $0x4000, $0x38;
	[tilespmem:$0x1D800] =	vst v63  }
0x136: {  	_ =	swait.ge [sflag:s24], $0x4000  }
0x137: {  	[sflag:s24] =	ssyncset.done $0x0  }
0x138: {  	s22 =	rddreg [dreg:$0x11];
	[sflag:s24] =	ssyncadd.s32 $0xFFFFC000  }
0x139: {  	[hbm4b:s22+s4] =	stream.linear.scatter [tilespmem:s23], [sflag:$0x5], $0x4000, $0x38;
	[tilespmem:$0x1D800] =	vst v63  }
0x13a: {  	_ =	swait.ge [sflag:s24], $0x4000  }
0x13b: {  	[sflag:s24] =	ssyncset.done $0x0  }
0x13c: {  	s0 =	rddreg [dreg:$0x12];
	[sflag:s24] =	ssyncadd.s32 $0xFFFFC000  }
0x13d: {  	[tilespmem:s23], [sflag:$0x5] =	stream.linear.gather [spmem:s0], $0x4000, $0x38;
	[tilespmem:$0x1D800] =	vst v63  }
0x13e: {  	_ =	swait.ge [sflag:s24], $0x4000  }
0x13f: {  	[sflag:s24] =	ssyncset.done $0x0  }
0x140: {  	s14 =	rddreg [dreg:$0x13];
	[sflag:s24] =	ssyncadd.s32 $0xFFFFC000  }
0x141: {  	[hbm4b:s14+s4] =	stream.linear.scatter [tilespmem:s23], [sflag:$0x5], $0x4000, $0x38;
	[tilespmem:$0x1D800] =	vst v63  }
0x142: {  	_ =	swait.ge [sflag:s24], $0x4000  }
0x143: {  	s0 =	rddreg [dreg:$0x16]  }
0x144: {  	s22 =	rddreg [dreg:$0x6];
	s0 =	sadd.s32 $0x1, s0  }
0x145: {  	p1 =	sne.s32 s0, s22  }
.Ltmp1:
0x146: {  	_ = 	snop;
	(pc) =	sbr.rel @p1 .LBB2_1-.Ltmp1, $3  }
0x147: {  	_ =	sdelay $0x1  }
0x148: {  	[sflag:s24] =	ssyncset.done $0x0  }
0x149: {  	[sflag:s24] =	ssyncadd.s32 $0xFFFFC000  }
0x14a: {  	_ =	sfence.sel $0x180000  }
0x14b: {  	[bflag:$0x0] =	sbarrier.arrive $0xFFFF  }
0x14c: {  	_ =	strace $0x9000004A  }
0x14d: {  	s0 =	stileid.u32;
	[bflag:$0x2] =	sbarrier.arrive $0xFFFF  }
0x14e: {  	p0 =	sne.s32 s0, $0x0;
	s0 =	rddreg [dreg:$0x3]  }
0x14f: {  	s0 =	sadd.s32 @!p0 $0x100000, s0  }
0x150: {  	[sflag:s0] =	ssyncadd.tile.s32 @!p0 $0x1;
	_ =	shalt  }
.Lfunc_end2:
_tile_overlayer_lowered:
.L_overlay_start_2:
0x151: {  	(tag) =	ssettag $0x2  }
0x152: {  	s0 =	rddreg [dreg:$0x0];
	s2 =	stileid.u32  }
0x153: {  	s1 =	rddreg [dreg:$0x1];
	p0 =	sne.s32 s2, $0x0  }
0x154: {  	s3 =	rddreg [dreg:$0x2];
	[bflag:$0x3] =	sbarrier.arrive $0xFFFF;
	s2 =	simm.s32 @!p0 $0x1C05  }
0x155: {  	[timem:s3], [sflag:s2] =	dma.local @!p0 [hbm:s0], s1  }
0x156: {  	s0 =	simm.s32 @!p0 $0x5  }
0x157: {  	_ =	swait.ge @!p0 [sflag:s0], s1  }
0x158: {  	s1 =	ssub.s32 @!p0 $0x0, s1;
	[sflag:s0] =	ssyncset.done @!p0 $0x0  }
0x159: {  	[sflag:s0] =	ssyncadd.s32 @!p0 s1  }
0x15a: {  	[bflag:$0x3] =	sbarrier.arrive $0xFFFF  }
0x15b: {  	_ =	shalt  }

// kernel: kernel.14.cloned.1.call-start
scs
__scs_entry_jumppad:
0x0: {  	(pc) =	sbr.rel $0x88, $3  }
0x1: {  	(tag) =	ssettag $0x0;
	lr =	simm.s32 $0x1  }
0x2: {  	[smem:$0x3F9B] =	sst lr;
	_ =	strace $0xD0000000  }
0x3: {  	_ = 	snop  }
0x4: {  	_ = 	snop  }
0x5: {  	_ = 	snop  }
0x6: {  	_ = 	snop  }
0x7: {  	_ = 	snop  }
__scs_overlays_trampoline_lowered:
0x8: {  	[smem:$0x3FAA] =	sst s0  }
0x9: {  	[smem:$0x3FAB] =	sst s1  }
0xa: {  	[smem:$0x3FAC] =	sst s2  }
0xb: {  	[smem:$0x3FAD] =	sst s3  }
0xc: {  	[smem:$0x3FAE] =	sst s4  }
0xd: {  	[smem:$0x3FAF] =	sst s5  }
0xe: {  	[smem:$0x3FB0] =	sst s6  }
0xf: {  	[smem:$0x3FB1] =	sst s7  }
0x10: {  	[smem:$0x3FB2] =	sst s8  }
0x11: {  	[smem:$0x3FB3] =	sst s9;
	s0 =	simm.s32 @!p0 $0x0  }
0x12: {  	s1 =	sld [smem:$0x3F99];
	s0 =	simm.s32 @p0 $0x1  }
0x13: {  	[smem:$0x3FB4] =	sst s0;
	s0 =	simm.s32 @!p1 $0x0  }
0x14: {  	s2 =	sld [smem:$0x3F98];
	s0 =	simm.s32 @p1 $0x1  }
0x15: {  	[smem:$0x3FB5] =	sst s0;
	s0 =	simm.s32 @!p2 $0x0  }
0x16: {  	s3 =	sld [smem:$0x3FDB];
	s0 =	simm.s32 @p2 $0x1  }
0x17: {  	s4 =	simm.s32 $0x1BF5;
	[smem:$0x3FB7] =	sst s0  }
0x18: {  	s0 =	sld [smem:$0x3F9A];
	_ =	swait.ge [sflag:s4], $0x0  }
0x19: {  	s7 =	sld [smem:$0x3F9B]  }
0x1a: {  	s8 =	sadd.s32 $0xFFFFE003, lr  }
0x1b: {  	s9 =	sadd.s32 $0xFFFFFEF7, lr;
	s5 =	simm.s32 $0xFFFFFFFF;
	p2 =	slt.u32 s8, $0xFFFFF086  }
0x1c: {  	p1 =	slt.u32 s9, $0xF7A;
	s5 =	simm.s32 @!p2 $0x0  }
0x1d: {  	s5 =	simm.s32 @p1 $0x1;
	p0 =	seq.s32 s7, s2  }
0x1e: {  	s7 =	smul.u32 @!p0 $0xF7A, s2;
	p2 =	seq.s32 @!p0 s5, $0x0  }
0x1f: {  	s9 =	smul.u32 $0xF7A, s1;
	s8 =	simm.s32 @!p0 $0x1BF5;
	p2 =	por !p2, p0  }
0x20: {  	[sflag:s8] =	ssyncset.s32 @!p0 $0xFFFFF086;
	s6 =	sadd.s32 @!p0 s3, s7;
	s7 =	simm.s32 @!p0 $0x108  }
0x21: {  	s3 =	sadd.s32 s3, s9;
	s6 =	sadd.s32 @!p0 $0x88, s6;
	s7 =	simm.s32 @p2 $0x1082  }
0x22: {  	[simem:s7], [sflag:s8] =	dma.local @!p0 [hbm:s6], $0xF7A  }
0x23: {  	s9 =	sor.u32 $0xD0000000, s2;
	s6 =	simm.s32 $0x108;
	_ =	swait.ge @!p0 [sflag:s8], $0x0  }
0x24: {  	s3 =	sadd.s32 $0x88, s3;
	s6 =	simm.s32 @!p1 $0x1082;
	[sflag:s4] =	ssyncset.s32 $0xFFFFF086  }
0x25: {  	[simem:s6], [sflag:s4] =	dma.local [hbm:s3], $0xF7A  }
0x26: {  	[smem:$0x3F9B] =	sst s1;
	(tag) =	ssettag s2;
	_ =	strace s9  }
0x27: {  	s1 =	sld [smem:$0x3FAB]  }
0x28: {  	s2 =	sld [smem:$0x3FAC]  }
0x29: {  	s4 =	sld [smem:$0x3FAE]  }
0x2a: {  	p0 =	seq.s32 s5, $0x0;
	s5 =	sld [smem:$0x3FAF]  }
0x2b: {  	s6 =	sld [smem:$0x3FB0]  }
0x2c: {  	s7 =	sld [smem:$0x3FB1]  }
0x2d: {  	s3 =	simm.s32 $0x108;
	s8 =	sld [smem:$0x3FB2]  }
0x2e: {  	s3 =	simm.s32 @!p0 $0x1082;
	s9 =	sld [smem:$0x3FB3]  }
0x2f: {  	lr =	sadd.s32 s0, s3;
	s0 =	sld [smem:$0x3FAA]  }
0x30: {  	s3 =	sld [smem:$0x3FAD]  }
0x31: {  	[smem:$0x3FB6] =	sst s10  }
0x32: {  	s10 =	sld [smem:$0x3FB4];
	_ =	sdelay $0x3  }
0x33: {  	p0 =	seq.s32 s10, $0x1;
	s10 =	sld [smem:$0x3FB6];
	_ =	sdelay $0x3  }
0x34: {  	[smem:$0x3FB6] =	sst s10  }
0x35: {  	s10 =	sld [smem:$0x3FB5];
	_ =	sdelay $0x3  }
0x36: {  	p1 =	seq.s32 s10, $0x1;
	s10 =	sld [smem:$0x3FB6];
	_ =	sdelay $0x3  }
0x37: {  	[smem:$0x3FB6] =	sst s10  }
0x38: {  	s10 =	sld [smem:$0x3FB7]  }
0x39: {  	_ = 	snop;
	(pc) =	sbr.ind lr, $3  }
0x3a: {  	_ = 	snop  }
0x3b: {  	_ = 	snop  }
0x3c: {  	p2 =	seq.s32 s10, $0x1;
	s10 =	sld [smem:$0x3FB6]  }
0x3d: {  	_ =	shalt  }
0x3e: {  	_ =	shalt  }
0x3f: {  	_ =	shalt  }
0x40: {  	_ =	shalt  }
0x41: {  	_ =	shalt  }
0x42: {  	_ =	shalt  }
0x43: {  	_ =	shalt  }
0x44: {  	_ =	shalt  }
0x45: {  	_ =	shalt  }
0x46: {  	_ =	shalt  }
0x47: {  	_ =	shalt  }
0x48: {  	_ =	shalt  }
0x49: {  	_ =	shalt  }
0x4a: {  	_ =	shalt  }
0x4b: {  	_ =	shalt  }
0x4c: {  	_ =	shalt  }
0x4d: {  	_ =	shalt  }
0x4e: {  	_ =	shalt  }
0x4f: {  	_ =	shalt  }
0x50: {  	_ =	shalt  }
0x51: {  	_ =	shalt  }
0x52: {  	_ =	shalt  }
0x53: {  	_ =	shalt  }
0x54: {  	_ =	shalt  }
0x55: {  	_ =	shalt  }
0x56: {  	_ =	shalt  }
0x57: {  	_ =	shalt  }
0x58: {  	_ =	shalt  }
0x59: {  	_ =	shalt  }
0x5a: {  	_ =	shalt  }
0x5b: {  	_ =	shalt  }
0x5c: {  	_ =	shalt  }
0x5d: {  	_ =	shalt  }
0x5e: {  	_ =	shalt  }
0x5f: {  	_ =	shalt  }
0x60: {  	_ =	shalt  }
0x61: {  	_ =	shalt  }
0x62: {  	_ =	shalt  }
0x63: {  	_ =	shalt  }
0x64: {  	_ =	shalt  }
0x65: {  	_ =	shalt  }
0x66: {  	_ =	shalt  }
0x67: {  	_ =	shalt  }
0x68: {  	_ =	shalt  }
0x69: {  	_ =	shalt  }
0x6a: {  	_ =	shalt  }
0x6b: {  	_ =	shalt  }
0x6c: {  	_ =	shalt  }
0x6d: {  	_ =	shalt  }
0x6e: {  	_ =	shalt  }
0x6f: {  	_ =	shalt  }
0x70: {  	_ =	shalt  }
0x71: {  	_ =	shalt  }
0x72: {  	_ =	shalt  }
0x73: {  	_ =	shalt  }
0x74: {  	_ =	shalt  }
0x75: {  	_ =	shalt  }
0x76: {  	_ =	shalt  }
0x77: {  	_ =	shalt  }
0x78: {  	_ =	shalt  }
0x79: {  	_ =	shalt  }
0x7a: {  	_ =	shalt  }
0x7b: {  	_ =	shalt  }
0x7c: {  	_ =	shalt  }
0x7d: {  	_ =	shalt  }
0x7e: {  	_ =	shalt  }
0x7f: {  	_ =	shalt  }
0x80: {  	_ =	shalt  }
0x81: {  	_ =	shalt  }
0x82: {  	_ =	shalt  }
0x83: {  	_ =	shalt  }
0x84: {  	_ =	shalt  }
0x85: {  	_ =	shalt  }
0x86: {  	_ =	shalt  }
0x87: {  	_ =	shalt  }
.Lfunc_end0:
.L_simem_size_0:
called_computation.2_lowered:
.L_overlay_start_0:
0x88: {  	s2 =	sld [smem:$0x3FD9]  }
0x89: {  	s3 =	sld [smem:$0x3FFE];
	_ =	sdelay $0x1  }
0x8a: {  	s1 =	srdreg.scid  }
0x8b: {  	s0 =	sand.u32 $0x1, s1  }
0x8c: {  	s17 =	sshll.u32 s0, $0xA;
	s2 =	sadd.s32 s3, s2  }
0x8d: {  	s2 =	sadd.s32 s2, s17  }
0x8e: {  	[smem:$0x3FC2] =	sst s2  }
0x8f: {  	_ = 	snop  }
0x90: {  	s2 =	sld [smem:$0x3FD0];
	(tm) =	ssettm $0x1  }
0x91: {  	s18 =	sld [smem:$0x3FFB];
	_ =	sdelay $0x3  }
0x92: {  	_ =	strace s18  }
0x93: {  	s3 =	sld [smem:$0x3FFC];
	_ =	sdelay $0x3  }
0x94: {  	_ =	strace s3  }
0x95: {  	s3 =	sld [smem:$0x3FFD];
	_ =	sdelay $0x3  }
0x96: {  	_ =	strace s3  }
0x97: {  	_ =	strace $0x8FFFFFFF  }
0x98: {  	s19 =	sld [smem:$0x3FDB];
	_ =	sdelay $0x1  }
0x99: {  	s4 =	simm.s32 $_scs_section_size  }
0x9a: {  	s5 =	simm.s32 $_size__tile_overlayer_lowered;
	s6 =	simm.s32 $_tile_overlayer_lowered  }
0x9b: {  	s22 =	simm.s32 $0x1BFF;
	s21 =	sshll.u32 s6, $0x1;
	s3 =	sadd.s32 s4, s19  }
0x9c: {  	s7 =	simm.s32 $0x0;
	s20 =	sshll.u32 s5, $0x1;
	s5 =	sadd.s32 s21, s3  }
0x9d: {  	[timem:s7], [sflag:s22] =	dma.local [hbm:s5], s20  }
0x9e: {  	_ =	swait.ge [sflag:s22], s20  }
0x9f: {  	s4 =	ssub.s32 $0x0, s20;
	[sflag:s22] =	ssyncset.done $0x0  }
0xa0: {  	[sflag:s22] =	ssyncadd.s32 s4;
	_ =	sdelay $0x1  }
0xa1: {  	s23 =	simm.s32 $0x1B8B  }
0xa2: {  	_ =	swait.ge [sflag:s23], $0x1  }
0xa3: {  	[sflag:s23] =	ssyncset.done $0x0  }
0xa4: {  	s25 =	simm.s32 $0x1B8E;
	s24 =	sld [smem:$0x3FFE];
	[sflag:s23] =	ssyncadd.s32 $0xFFFFFFFF  }
0xa5: {  	s26 =	simm.s32 $execute0_lowered;
	[smem:$0x3FD2] =	sst s25  }
0xa6: {  	s5 =	sshll.u32 s26, $0x1;
	_ =	strace $0x8000004C;
	[dreg:$0x1] =	wrdreg $0xFFFFFFFF  }
0xa7: {  	s28 =	simm.s32 $_size_execute0_lowered;
	s3 =	sadd.s32 s3, s5;
	[dreg:$0x0] =	wrdreg $0x0  }
0xa8: {  	s5 =	sshll.u32 s28, $0x1;
	[dreg:$0x2] =	wrdreg s3  }
0xa9: {  	[dreg:$0x3] =	wrdreg s5  }
0xaa: {  	[dreg:$0x4] =	wrdreg $0xC0  }
0xab: {  	_ =	task [dreg:s7], $0x5FFFF  }
0xac: {  	[dreg:$0x1] =	wrdreg $0xFFFFFFFF  }
0xad: {  	[dreg:$0x0] =	wrdreg $0x60  }
0xae: {  	[dreg:$0x2] =	wrdreg s2  }
0xaf: {  	[dreg:$0x3] =	wrdreg s24  }
0xb0: {  	[dreg:$0x4] =	wrdreg $0x98000  }
0xb1: {  	[dreg:$0x5] =	wrdreg $0x9  }
0xb2: {  	_ =	task.clear_ibuf [dreg:s7], $0x6FFFF;
	_ =	strace $0x9000004C  }
0xb3: {  	s29 =	simm.s32 $0x9;
	_ =	strace $0x8000004E  }
0xb4: {  	_ =	swait.ge [sflag:s29], $0x1  }
0xb5: {  	[sflag:s29] =	ssyncadd.s32 $0xFFFFFFFF  }
0xb6: {  	_ =	strace $0x9000004E  }
0xb7: {  	_ =	sfence  }
0xb8: {  	s30 =	sld [smem:$0x0];
	_ =	sdelay $0x2  }
0xb9: {  	s31 =	sshll.u32 s1, $0xD;
	s1 =	sshrl.u32 s1, $0x2  }
0xba: {  	s3 =	sand.u32 $0x4000, s31;
	s1 =	sadd.s32 s1, s30  }
0xbb: {  	s0 =	sor.u32 s3, s0;
	s1 =	sshll.u32 s1, $0x11  }
0xbc: {  	s0 =	sor.u32 s1, s0  }
0xbd: {  	s0 =	sadd.s32 $0x8F2B, s0  }
0xbe: {  	[sflag:s0] =	ssyncadd.remote.s32 $0x1  }
0xbf: {  	_ =	sfence.sel $0xFFFF  }
0xc0: {  	[dreg:$0x0] =	wrdreg $0xFFFFFFFF;
	(pc) =	sbr.abs _section_cstart, $3  }
0xc1: {  	[dreg:$0x1] =	wrdreg $0xFFFFFFFF  }
0xc2: {  	_ =	task.clear_ibuf [dreg:s7], $0x2FFFF;
	_ =	strace $0x9FFFFFFF  }
0xc3: {  	(tm) =	ssettm $0x7FFFFFFF  }
tec
execute0_lowered:
.L_overlay_start_1:
0x0: {  	(tag) =	ssettag $0x1  }
0x1: {  	s1 =	rddreg [dreg:$0x0]  }
0x2: {  	s0 =	rddreg [dreg:$0x1]  }
0x3: {  	s3 =	rddreg [dreg:$0x2]  }
0x4: {  	s2 =	srdreg.scid;
	s11 =	stileid.u32  }
0x5: {  	s4 =	simm.s32 $0x0;
	s28 =	simm.s32 $0x80;
	s29 =	simm.s32 $0x3800  }
0x6: {  	s31 =	simm.s32 $0x5800;
	s30 =	simm.s32 $0xE80;
	s5 =	smul.u32 $0x90, s11  }
0x7: {  	s2 =	sand.u32 $0x1, s2;
	s6 =	sshll.u32 s11, $0x4;
	s7 =	smul.u32 $0x50000, s11  }
0x8: {  	[smem:$0x7FF] =	sst s4;
	s8 =	sadd.s32 $0x16600, s0;
	s26 =	smul.u32 $0x14000, s11  }
0x9: {  	p0 =	seq.s32 s2, $0x0;
	s6 =	sor.u32 $0x900, s6;
	_ =	strace $0x8000004D  }
0xa: {  	[dreg:$0x4] =	wrdreg s8;
	s25 =	ssub.s32 $0x2, s2;
	s10 =	smul.u32 $0x140000, s2  }
0xb: {  	s6 =	smov.u32 @p0 s5;
	s9 =	sshrl.u32 s25, $0x1;
	s7 =	sshrl.u32 s7, $0x2  }
0xc: {  	s14 =	sadd.s32 $0x4000, s26;
	s18 =	sadd.s32 $0x8000, s26;
	s20 =	sadd.s32 $0xC000, s26  }
0xd: {  	p0 =	sne.s32 s2, $0x0;
	s2 =	simm.s32 $0x7800;
	s5 =	sshll.u32 s6, $0x5  }
0xe: {  	s6 =	sshll.u32 s6, $0x4;
	s8 =	ssub.s32 s25, s9;
	s21 =	sadd.s32 s7, s3  }
0xf: {  	s13 =	sadd.s32 s10, s26;
	s16 =	sadd.s32 s10, s14;
	s9 =	sadd.s32 s14, s3  }
0x10: {  	s19 =	sadd.s32 s18, s3;
	s22 =	sadd.s32 s10, s20;
	s7 =	sadd.s32 $0x10000, s26  }
0x11: {  	s5 =	sadd.s32 s5, s0;
	s6 =	sadd.s32 s6, s0;
	[dreg:$0xc] =	wrdreg s9  }
0x12: {  	s0 =	sadd.s32 $0x2B200, s0;
	s8 =	smax.u32 s8, $0x1;
	[dreg:$0xe] =	wrdreg s19  }
0x13: {  	s11 =	sadd.s32 $0x4000, s21;
	s12 =	sadd.s32 $0x8000, s21;
	[dreg:$0x5] =	wrdreg s21  }
0x14: {  	s15 =	sadd.s32 $0xC000, s21;
	s17 =	sshrl.u32 s16, $0x3;
	[dreg:$0x6] =	wrdreg s8  }
0x15: {  	s23 =	sshrl.u32 s22, $0x3;
	s9 =	sadd.s32 s20, s3;
	[dreg:$0x7] =	wrdreg s11  }
0x16: {  	s16 =	simm.s32 $0x1580;
	s19 =	simm.s32 $0x1600;
	[dreg:$0x8] =	wrdreg s12  }
0x17: {  	s20 =	simm.s32 $0xE00;
	[dreg:$0x9] =	wrdreg s15;
	s8 =	sshrl.u32 s13, $0x3  }
0x18: {  	s12 =	sadd.s32 $0x10000, s21;
	[dreg:$0x10] =	wrdreg s9;
	s25 =	sadd.s32 $0xC600, s6  }
0x19: {  	s26 =	sadd.s32 $0x17200, s5;
	s5 =	simm.s32 $0x1;
	s11 =	simm.s32 $0x4  }
0x1a: {  	s15 =	simm.s32 $0xC80;
	s9 =	simm.s32 $0xF80;
	[dreg:$0xa] =	wrdreg s12  }
0x1b: {  	s13 =	simm.s32 $0x1780;
	s8 =	sadd.s32 s0, s8;
	[dreg:$0x14] =	wrdreg s25  }
0x1c: {  	[dreg:$0x15] =	wrdreg s26;
	s25 =	simm.s32 $0x1000;
	s26 =	simm.s32 $0x40  }
0x1d: {  	s12 =	simm.s32 $0x1700;
	[dreg:$0xb] =	wrdreg s8;
	s8 =	sadd.s32 s0, s17  }
0x1e: {  	s17 =	simm.s32 $0xD00;
	[dreg:$0xd] =	wrdreg s8;
	s8 =	sadd.s32 s10, s18  }
0x1f: {  	s10 =	sadd.s32 s10, s7;
	s7 =	sadd.s32 s7, s3;
	s18 =	simm.s32 $0xD80  }
0x20: {  	s8 =	sshrl.u32 s8, $0x3;
	s24 =	sshrl.u32 s10, $0x3;
	[dreg:$0x12] =	wrdreg s7  }
0x21: {  	s7 =	simm.s32 $0x2;
	s10 =	simm.s32 $0x3;
	s8 =	sadd.s32 s0, s8  }
0x22: {  	[dreg:$0xf] =	wrdreg s8;
	s8 =	sadd.s32 s0, s23;
	s0 =	sadd.s32 s0, s24  }
0x23: {  	s23 =	simm.s32 $0x1800;
	s24 =	simm.s32 $0x5;
	[dreg:$0x11] =	wrdreg s8  }
0x24: {  	[dreg:$0x13] =	wrdreg s0;
	s0 =	simm.s32 $0x0;
	s8 =	simm.s32 $0xF00  }
.LBB2_1:
0x25: {  	[dreg:$0x16] =	wrdreg s0  }
0x26: {  	s6 =	rddreg [dreg:$0x4]  }
0x27: {  	[tilespmem:s23], [sflag:$0x5] =	stream.linear.gather [hbm4b:s6+s4], $0x4000, $0x38;
	[tilespmem:$0x1D800] =	vst v63  }
0x28: {  	_ =	swait.ge [sflag:s24], $0x4000  }
0x29: {  	[sflag:s24] =	ssyncset.done $0x0  }
0x2a: {  	[sflag:s24] =	ssyncadd.s32 $0xFFFFC000  }
0x2b: {  	[spmem:s21] =	stream.linear.scatter [tilespmem:s23], [sflag:$0x5], $0x4000, $0x38;
	[tilespmem:$0x1D800] =	vst v63  }
0x2c: {  	_ =	swait.ge [sflag:s24], $0x4000  }
0x2d: {  	[sflag:s24] =	ssyncset.done $0x0  }
0x2e: {  	s0 =	rddreg [dreg:$0x7];
	[sflag:s24] =	ssyncadd.s32 $0xFFFFC000  }
0x2f: {  	[spmem:s0] =	stream.linear.scatter [tilespmem:s23], [sflag:$0x5], $0x4000, $0x38;
	[tilespmem:$0x1D800] =	vst v63  }
0x30: {  	_ =	swait.ge [sflag:s24], $0x4000  }
0x31: {  	[sflag:s24] =	ssyncset.done $0x0  }
0x32: {  	s14 =	rddreg [dreg:$0x8];
	[sflag:s24] =	ssyncadd.s32 $0xFFFFC000  }
0x33: {  	[spmem:s14] =	stream.linear.scatter [tilespmem:s23], [sflag:$0x5], $0x4000, $0x38;
	[tilespmem:$0x1D800] =	vst v63  }
0x34: {  	_ =	swait.ge [sflag:s24], $0x4000  }
0x35: {  	[sflag:s24] =	ssyncset.done $0x0  }
0x36: {  	s21 =	rddreg [dreg:$0x9];
	[sflag:s24] =	ssyncadd.s32 $0xFFFFC000  }
0x37: {  	[spmem:s21] =	stream.linear.scatter [tilespmem:s23], [sflag:$0x5], $0x4000, $0x38;
	[tilespmem:$0x1D800] =	vst v63  }
0x38: {  	_ =	swait.ge [sflag:s24], $0x4000  }
0x39: {  	[sflag:s24] =	ssyncset.done $0x0  }
0x3a: {  	s22 =	rddreg [dreg:$0xa];
	[sflag:s24] =	ssyncadd.s32 $0xFFFFC000  }
0x3b: {  	[spmem:s22] =	stream.linear.scatter [tilespmem:s23], [sflag:$0x5], $0x4000, $0x38;
	[tilespmem:$0x1D800] =	vst v63  }
0x3c: {  	_ =	swait.ge [sflag:s24], $0x4000  }
0x3d: {  	[sflag:s24] =	ssyncset.done $0x0  }
0x3e: {  	[sflag:s24] =	ssyncadd.s32 $0xFFFFC000  }
0x3f: {  	[bflag:$0x0] =	sbarrier.arrive $0xFFFF  }
0x40: {  	s21 =	rddreg [dreg:$0x15]  }
0x41: {  	s6 =	simm.s32 $0x0;
	s0 =	simm.s32 $0x1680;
	s22 =	rddreg [dreg:$0x14]  }
.LBB2_2:
0x42: {  	[tilespmem:s4], [sflag:$0x5] =	stream.linear.gather [hbm4b:s21+s4], $0x1000, $0x38;
	[tilespmem:$0x1D800] =	vst v63  }
0x43: {  	_ =	swait.ge [sflag:s24], $0x1000  }
0x44: {  	[sflag:s24] =	ssyncset.done $0x0  }
0x45: {  	[sflag:s24] =	ssyncadd.s32 $0xFFFFF000  }
0x46: {  	[tilespmem:s25], [sflag:$0x5] =	stream.linear.gather [hbm4b:s22+s4], $0x800, $0x38;
	[tilespmem:$0x1D800] =	vst v63  }
0x47: {  	_ =	swait.ge [sflag:s24], $0x800  }
0x48: {  	[sflag:s24] =	ssyncset.done $0x0  }
0x49: {  	[sflag:s24] =	ssyncadd.s32 $0xFFFFF800  }
0x4a: {  	[tilespmem:s23], [sflag:$0x1] =	stream.indirect.gather [hbm4b:s1+s26], $0x80, s4, s26, $0xb8;
	[tilespmem:$0x1D800] =	vst v63  }
0x4b: {  	_ = 	snop  }
0x4c: {  	[tilespmem:s29], [sflag:$0x2] =	stream.indirect.gather [hbm4b:s1+s26], $0x80, s28, s26, $0xb8;
	[tilespmem:$0x1D800] =	vst v63  }
0x4d: {  	s14 =	simm.s32 $0x100  }
0x4e: {  	[tilespmem:s31], [sflag:$0x3] =	stream.indirect.gather [hbm4b:s1+s26], $0x80, s14, s26, $0xb8;
	[tilespmem:$0x1D800] =	vst v63  }
0x4f: {  	s14 =	simm.s32 $0x180  }
0x50: {  	[tilespmem:s2], [sflag:$0x4] =	stream.indirect.gather [hbm4b:s1+s26], $0x80, s14, s26, $0xb8;
	[tilespmem:$0x1D800] =	vst v63  }
0x51: {  	_ =	swait.ge [sflag:s5], $0x2000  }
0x52: {  	[sflag:s5] =	ssyncset.done $0x0  }
0x53: {  	[sflag:s5] =	ssyncadd.s32 $0xFFFFE000  }
0x54: {  	_ =	swait.ge [sflag:s7], $0x2000  }
0x55: {  	[sflag:s7] =	ssyncset.done $0x0  }
0x56: {  	[sflag:s7] =	ssyncadd.s32 $0xFFFFE000  }
0x57: {  	[spmem:s3] =	stream.indirect.scatter.add.f32 [tilespmem:s23], [sflag:$0x5], $0x80, s25, s28, $0xb8;
	[tilespmem:$0x1D800] =	vst v63  }
0x58: {  	_ =	swait.ge [sflag:s24], $0x4000  }
0x59: {  	[sflag:s24] =	ssyncset.done $0x0  }
0x5a: {  	s14 =	simm.s32 $0x200;
	[sflag:s24] =	ssyncadd.s32 $0xFFFFC000  }
0x5b: {  	[tilespmem:s23], [sflag:$0x1] =	stream.indirect.gather [hbm4b:s1+s26], $0x80, s14, s26, $0xb8;
	[tilespmem:$0x1D800] =	vst v63  }
0x5c: {  	s14 =	simm.s32 $0x280  }
0x5d: {  	[tilespmem:s29], [sflag:$0x2] =	stream.indirect.gather [hbm4b:s1+s26], $0x80, s14, s26, $0xb8;
	[tilespmem:$0x1D800] =	vst v63  }
0x5e: {  	_ =	swait.ge [sflag:s10], $0x2000  }
0x5f: {  	[sflag:s10] =	ssyncset.done $0x0  }
0x60: {  	[sflag:s10] =	ssyncadd.s32 $0xFFFFE000  }
0x61: {  	_ =	swait.ge [sflag:s11], $0x2000  }
0x62: {  	[sflag:s11] =	ssyncset.done $0x0  }
0x63: {  	s14 =	simm.s32 $0x1080;
	[sflag:s11] =	ssyncadd.s32 $0xFFFFE000  }
0x64: {  	[spmem:s3] =	stream.indirect.scatter.add.f32 [tilespmem:s31], [sflag:$0x5], $0x80, s14, s28, $0xb8;
	[tilespmem:$0x1D800] =	vst v63  }
0x65: {  	_ =	swait.ge [sflag:s24], $0x4000  }
0x66: {  	[sflag:s24] =	ssyncset.done $0x0  }
0x67: {  	s14 =	simm.s32 $0x300;
	[sflag:s24] =	ssyncadd.s32 $0xFFFFC000  }
0x68: {  	[tilespmem:s31], [sflag:$0x3] =	stream.indirect.gather [hbm4b:s1+s26], $0x80, s14, s26, $0xb8;
	[tilespmem:$0x1D800] =	vst v63  }
0x69: {  	s14 =	simm.s32 $0x380  }
0x6a: {  	[tilespmem:s2], [sflag:$0x4] =	stream.indirect.gather [hbm4b:s1+s26], $0x80, s14, s26, $0xb8;
	[tilespmem:$0x1D800] =	vst v63  }
0x6b: {  	_ =	swait.ge [sflag:s5], $0x2000  }
0x6c: {  	[sflag:s5] =	ssyncset.done $0x0  }
0x6d: {  	[sflag:s5] =	ssyncadd.s32 $0xFFFFE000  }
0x6e: {  	_ =	swait.ge [sflag:s7], $0x2000  }
0x6f: {  	[sflag:s7] =	ssyncset.done $0x0  }
0x70: {  	s14 =	simm.s32 $0x1100;
	[sflag:s7] =	ssyncadd.s32 $0xFFFFE000  }
0x71: {  	[spmem:s3] =	stream.indirect.scatter.add.f32 [tilespmem:s23], [sflag:$0x5], $0x80, s14, s28, $0xb8;
	[tilespmem:$0x1D800] =	vst v63  }
0x72: {  	_ =	swait.ge [sflag:s24], $0x4000  }
0x73: {  	[sflag:s24] =	ssyncset.done $0x0  }
0x74: {  	s14 =	simm.s32 $0x400;
	[sflag:s24] =	ssyncadd.s32 $0xFFFFC000  }
0x75: {  	[tilespmem:s23], [sflag:$0x1] =	stream.indirect.gather [hbm4b:s1+s26], $0x80, s14, s26, $0xb8;
	[tilespmem:$0x1D800] =	vst v63  }
0x76: {  	s14 =	simm.s32 $0x480  }
0x77: {  	[tilespmem:s29], [sflag:$0x2] =	stream.indirect.gather [hbm4b:s1+s26], $0x80, s14, s26, $0xb8;
	[tilespmem:$0x1D800] =	vst v63  }
0x78: {  	_ =	swait.ge [sflag:s10], $0x2000  }
0x79: {  	[sflag:s10] =	ssyncset.done $0x0  }
0x7a: {  	[sflag:s10] =	ssyncadd.s32 $0xFFFFE000  }
0x7b: {  	_ =	swait.ge [sflag:s11], $0x2000  }
0x7c: {  	[sflag:s11] =	ssyncset.done $0x0  }
0x7d: {  	s14 =	simm.s32 $0x1180;
	[sflag:s11] =	ssyncadd.s32 $0xFFFFE000  }
0x7e: {  	[spmem:s3] =	stream.indirect.scatter.add.f32 [tilespmem:s31], [sflag:$0x5], $0x80, s14, s28, $0xb8;
	[tilespmem:$0x1D800] =	vst v63  }
0x7f: {  	_ =	swait.ge [sflag:s24], $0x4000  }
0x80: {  	[sflag:s24] =	ssyncset.done $0x0  }
0x81: {  	s14 =	simm.s32 $0x500;
	[sflag:s24] =	ssyncadd.s32 $0xFFFFC000  }
0x82: {  	[tilespmem:s31], [sflag:$0x3] =	stream.indirect.gather [hbm4b:s1+s26], $0x80, s14, s26, $0xb8;
	[tilespmem:$0x1D800] =	vst v63  }
0x83: {  	s14 =	simm.s32 $0x580  }
0x84: {  	[tilespmem:s2], [sflag:$0x4] =	stream.indirect.gather [hbm4b:s1+s26], $0x80, s14, s26, $0xb8;
	[tilespmem:$0x1D800] =	vst v63  }
0x85: {  	_ =	swait.ge [sflag:s5], $0x2000  }
0x86: {  	[sflag:s5] =	ssyncset.done $0x0  }
0x87: {  	[sflag:s5] =	ssyncadd.s32 $0xFFFFE000  }
0x88: {  	_ =	swait.ge [sflag:s7], $0x2000  }
0x89: {  	[sflag:s7] =	ssyncset.done $0x0  }
0x8a: {  	s14 =	simm.s32 $0x1200;
	[sflag:s7] =	ssyncadd.s32 $0xFFFFE000  }
0x8b: {  	[spmem:s3] =	stream.indirect.scatter.add.f32 [tilespmem:s23], [sflag:$0x5], $0x80, s14, s28, $0xb8;
	[tilespmem:$0x1D800] =	vst v63  }
0x8c: {  	_ =	swait.ge [sflag:s24], $0x4000  }
0x8d: {  	[sflag:s24] =	ssyncset.done $0x0  }
0x8e: {  	s14 =	simm.s32 $0x600;
	[sflag:s24] =	ssyncadd.s32 $0xFFFFC000  }
0x8f: {  	[tilespmem:s23], [sflag:$0x1] =	stream.indirect.gather [hbm4b:s1+s26], $0x80, s14, s26, $0xb8;
	[tilespmem:$0x1D800] =	vst v63  }
0x90: {  	s14 =	simm.s32 $0x680  }
0x91: {  	[tilespmem:s29], [sflag:$0x2] =	stream.indirect.gather [hbm4b:s1+s26], $0x80, s14, s26, $0xb8;
	[tilespmem:$0x1D800] =	vst v63  }
0x92: {  	_ =	swait.ge [sflag:s10], $0x2000  }
0x93: {  	[sflag:s10] =	ssyncset.done $0x0  }
0x94: {  	[sflag:s10] =	ssyncadd.s32 $0xFFFFE000  }
0x95: {  	_ =	swait.ge [sflag:s11], $0x2000  }
0x96: {  	[sflag:s11] =	ssyncset.done $0x0  }
0x97: {  	s14 =	simm.s32 $0x1280;
	[sflag:s11] =	ssyncadd.s32 $0xFFFFE000  }
0x98: {  	[spmem:s3] =	stream.indirect.scatter.add.f32 [tilespmem:s31], [sflag:$0x5], $0x80, s14, s28, $0xb8;
	[tilespmem:$0x1D800] =	vst v63  }
0x99: {  	_ =	swait.ge [sflag:s24], $0x4000  }
0x9a: {  	[sflag:s24] =	ssyncset.done $0x0  }
0x9b: {  	s14 =	simm.s32 $0x700;
	[sflag:s24] =	ssyncadd.s32 $0xFFFFC000  }
0x9c: {  	[tilespmem:s31], [sflag:$0x3] =	stream.indirect.gather [hbm4b:s1+s26], $0x80, s14, s26, $0xb8;
	[tilespmem:$0x1D800] =	vst v63  }
0x9d: {  	s14 =	simm.s32 $0x780  }
0x9e: {  	[tilespmem:s2], [sflag:$0x4] =	stream.indirect.gather [hbm4b:s1+s26], $0x80, s14, s26, $0xb8;
	[tilespmem:$0x1D800] =	vst v63  }
0x9f: {  	_ =	swait.ge [sflag:s5], $0x2000  }
0xa0: {  	[sflag:s5] =	ssyncset.done $0x0  }
0xa1: {  	[sflag:s5] =	ssyncadd.s32 $0xFFFFE000  }
0xa2: {  	_ =	swait.ge [sflag:s7], $0x2000  }
0xa3: {  	[sflag:s7] =	ssyncset.done $0x0  }
0xa4: {  	s14 =	simm.s32 $0x1300;
	[sflag:s7] =	ssyncadd.s32 $0xFFFFE000  }
0xa5: {  	[spmem:s3] =	stream.indirect.scatter.add.f32 [tilespmem:s23], [sflag:$0x5], $0x80, s14, s28, $0xb8;
	[tilespmem:$0x1D800] =	vst v63  }
0xa6: {  	_ =	swait.ge [sflag:s24], $0x4000  }
0xa7: {  	[sflag:s24] =	ssyncset.done $0x0  }
0xa8: {  	s14 =	simm.s32 $0x800;
	[sflag:s24] =	ssyncadd.s32 $0xFFFFC000  }
0xa9: {  	[tilespmem:s23], [sflag:$0x1] =	stream.indirect.gather [hbm4b:s1+s26], $0x80, s14, s26, $0xb8;
	[tilespmem:$0x1D800] =	vst v63  }
0xaa: {  	s14 =	simm.s32 $0x880  }
0xab: {  	[tilespmem:s29], [sflag:$0x2] =	stream.indirect.gather [hbm4b:s1+s26], $0x80, s14, s26, $0xb8;
	[tilespmem:$0x1D800] =	vst v63  }
0xac: {  	_ =	swait.ge [sflag:s10], $0x2000  }
0xad: {  	[sflag:s10] =	ssyncset.done $0x0  }
0xae: {  	[sflag:s10] =	ssyncadd.s32 $0xFFFFE000  }
0xaf: {  	_ =	swait.ge [sflag:s11], $0x2000  }
0xb0: {  	[sflag:s11] =	ssyncset.done $0x0  }
0xb1: {  	s14 =	simm.s32 $0x1380;
	[sflag:s11] =	ssyncadd.s32 $0xFFFFE000  }
0xb2: {  	[spmem:s3] =	stream.indirect.scatter.add.f32 [tilespmem:s31], [sflag:$0x5], $0x80, s14, s28, $0xb8;
	[tilespmem:$0x1D800] =	vst v63  }
0xb3: {  	_ =	swait.ge [sflag:s24], $0x4000  }
0xb4: {  	[sflag:s24] =	ssyncset.done $0x0  }
0xb5: {  	s14 =	simm.s32 $0x900;
	[sflag:s24] =	ssyncadd.s32 $0xFFFFC000  }
0xb6: {  	[tilespmem:s31], [sflag:$0x3] =	stream.indirect.gather [hbm4b:s1+s26], $0x80, s14, s26, $0xb8;
	[tilespmem:$0x1D800] =	vst v63  }
0xb7: {  	s14 =	simm.s32 $0x980  }
0xb8: {  	[tilespmem:s2], [sflag:$0x4] =	stream.indirect.gather [hbm4b:s1+s26], $0x80, s14, s26, $0xb8;
	[tilespmem:$0x1D800] =	vst v63  }
0xb9: {  	_ =	swait.ge [sflag:s5], $0x2000  }
0xba: {  	[sflag:s5] =	ssyncset.done $0x0  }
0xbb: {  	[sflag:s5] =	ssyncadd.s32 $0xFFFFE000  }
0xbc: {  	_ =	swait.ge [sflag:s7], $0x2000  }
0xbd: {  	[sflag:s7] =	ssyncset.done $0x0  }
0xbe: {  	s14 =	simm.s32 $0x1400;
	[sflag:s7] =	ssyncadd.s32 $0xFFFFE000  }
0xbf: {  	[spmem:s3] =	stream.indirect.scatter.add.f32 [tilespmem:s23], [sflag:$0x5], $0x80, s14, s28, $0xb8;
	[tilespmem:$0x1D800] =	vst v63  }
0xc0: {  	_ =	swait.ge [sflag:s24], $0x4000  }
0xc1: {  	[sflag:s24] =	ssyncset.done $0x0  }
0xc2: {  	s14 =	simm.s32 $0xA00;
	[sflag:s24] =	ssyncadd.s32 $0xFFFFC000  }
0xc3: {  	[tilespmem:s23], [sflag:$0x1] =	stream.indirect.gather [hbm4b:s1+s26], $0x80, s14, s26, $0xb8;
	[tilespmem:$0x1D800] =	vst v63  }
0xc4: {  	s14 =	simm.s32 $0xA80  }
0xc5: {  	[tilespmem:s29], [sflag:$0x2] =	stream.indirect.gather [hbm4b:s1+s26], $0x80, s14, s26, $0xb8;
	[tilespmem:$0x1D800] =	vst v63  }
0xc6: {  	_ =	swait.ge [sflag:s10], $0x2000  }
0xc7: {  	[sflag:s10] =	ssyncset.done $0x0  }
0xc8: {  	[sflag:s10] =	ssyncadd.s32 $0xFFFFE000  }
0xc9: {  	_ =	swait.ge [sflag:s11], $0x2000  }
0xca: {  	[sflag:s11] =	ssyncset.done $0x0  }
0xcb: {  	s14 =	simm.s32 $0x1480;
	[sflag:s11] =	ssyncadd.s32 $0xFFFFE000  }
0xcc: {  	[spmem:s3] =	stream.indirect.scatter.add.f32 [tilespmem:s31], [sflag:$0x5], $0x80, s14, s28, $0xb8;
	[tilespmem:$0x1D800] =	vst v63  }
0xcd: {  	_ =	swait.ge [sflag:s24], $0x4000  }
0xce: {  	[sflag:s24] =	ssyncset.done $0x0  }
0xcf: {  	s14 =	simm.s32 $0xB00;
	[sflag:s24] =	ssyncadd.s32 $0xFFFFC000  }
0xd0: {  	[tilespmem:s31], [sflag:$0x3] =	stream.indirect.gather [hbm4b:s1+s26], $0x80, s14, s26, $0xb8;
	[tilespmem:$0x1D800] =	vst v63  }
0xd1: {  	s14 =	simm.s32 $0xB80  }
0xd2: {  	[tilespmem:s2], [sflag:$0x4] =	stream.indirect.gather [hbm4b:s1+s26], $0x80, s14, s26, $0xb8;
	[tilespmem:$0x1D800] =	vst v63  }
0xd3: {  	_ =	swait.ge [sflag:s5], $0x2000  }
0xd4: {  	[sflag:s5] =	ssyncset.done $0x0  }
0xd5: {  	[sflag:s5] =	ssyncadd.s32 $0xFFFFE000  }
0xd6: {  	_ =	swait.ge [sflag:s7], $0x2000  }
0xd7: {  	[sflag:s7] =	ssyncset.done $0x0  }
0xd8: {  	s14 =	simm.s32 $0x1500;
	[sflag:s7] =	ssyncadd.s32 $0xFFFFE000  }
0xd9: {  	[spmem:s3] =	stream.indirect.scatter.add.f32 [tilespmem:s23], [sflag:$0x5], $0x80, s14, s28, $0xb8;
	[tilespmem:$0x1D800] =	vst v63  }
0xda: {  	_ =	swait.ge [sflag:s24], $0x4000  }
0xdb: {  	[sflag:s24] =	ssyncset.done $0x0  }
0xdc: {  	s14 =	simm.s32 $0xC00;
	[sflag:s24] =	ssyncadd.s32 $0xFFFFC000  }
0xdd: {  	[tilespmem:s23], [sflag:$0x1] =	stream.indirect.gather [hbm4b:s1+s26], $0x80, s14, s26, $0xb8;
	[tilespmem:$0x1D800] =	vst v63  }
0xde: {  	_ = 	snop  }
0xdf: {  	[tilespmem:s29], [sflag:$0x2] =	stream.indirect.gather [hbm4b:s1+s26], $0x80, s15, s26, $0xb8;
	[tilespmem:$0x1D800] =	vst v63  }
0xe0: {  	_ =	swait.ge [sflag:s10], $0x2000  }
0xe1: {  	[sflag:s10] =	ssyncset.done $0x0  }
0xe2: {  	[sflag:s10] =	ssyncadd.s32 $0xFFFFE000  }
0xe3: {  	_ =	swait.ge [sflag:s11], $0x2000  }
0xe4: {  	[sflag:s11] =	ssyncset.done $0x0  }
0xe5: {  	[sflag:s11] =	ssyncadd.s32 $0xFFFFE000  }
0xe6: {  	[spmem:s3] =	stream.indirect.scatter.add.f32 [tilespmem:s31], [sflag:$0x5], $0x80, s16, s28, $0xb8;
	[tilespmem:$0x1D800] =	vst v63  }
0xe7: {  	_ =	swait.ge [sflag:s24], $0x4000  }
0xe8: {  	[sflag:s24] =	ssyncset.done $0x0  }
0xe9: {  	[sflag:s24] =	ssyncadd.s32 $0xFFFFC000  }
0xea: {  	[tilespmem:s31], [sflag:$0x3] =	stream.indirect.gather [hbm4b:s1+s26], $0x80, s17, s26, $0xb8;
	[tilespmem:$0x1D800] =	vst v63  }
0xeb: {  	_ = 	snop  }
0xec: {  	[tilespmem:s2], [sflag:$0x4] =	stream.indirect.gather [hbm4b:s1+s26], $0x80, s18, s26, $0xb8;
	[tilespmem:$0x1D800] =	vst v63  }
0xed: {  	_ =	swait.ge [sflag:s5], $0x2000  }
0xee: {  	[sflag:s5] =	ssyncset.done $0x0  }
0xef: {  	[sflag:s5] =	ssyncadd.s32 $0xFFFFE000  }
0xf0: {  	_ =	swait.ge [sflag:s7], $0x2000  }
0xf1: {  	[sflag:s7] =	ssyncset.done $0x0  }
0xf2: {  	[sflag:s7] =	ssyncadd.s32 $0xFFFFE000  }
0xf3: {  	[spmem:s3] =	stream.indirect.scatter.add.f32 [tilespmem:s23], [sflag:$0x5], $0x80, s19, s28, $0xb8;
	[tilespmem:$0x1D800] =	vst v63  }
0xf4: {  	_ =	swait.ge [sflag:s24], $0x4000  }
0xf5: {  	[sflag:s24] =	ssyncset.done $0x0  }
0xf6: {  	[sflag:s24] =	ssyncadd.s32 $0xFFFFC000  }
0xf7: {  	[tilespmem:s23], [sflag:$0x1] =	stream.indirect.gather [hbm4b:s1+s26], $0x80, s20, s26, $0xb8;
	[tilespmem:$0x1D800] =	vst v63  }
0xf8: {  	_ = 	snop  }
0xf9: {  	[tilespmem:s29], [sflag:$0x2] =	stream.indirect.gather [hbm4b:s1+s26], $0x80, s30, s26, $0xb8;
	[tilespmem:$0x1D800] =	vst v63  }
0xfa: {  	_ =	swait.ge [sflag:s10], $0x2000  }
0xfb: {  	[sflag:s10] =	ssyncset.done $0x0  }
0xfc: {  	[sflag:s10] =	ssyncadd.s32 $0xFFFFE000  }
0xfd: {  	_ =	swait.ge [sflag:s11], $0x2000  }
0xfe: {  	[sflag:s11] =	ssyncset.done $0x0  }
0xff: {  	[sflag:s11] =	ssyncadd.s32 $0xFFFFE000  }
0x100: {  	[spmem:s3] =	stream.indirect.scatter.add.f32 [tilespmem:s31], [sflag:$0x5], $0x80, s0, s28, $0xb8;
	[tilespmem:$0x1D800] =	vst v63  }
0x101: {  	_ =	swait.ge [sflag:s24], $0x4000  }
0x102: {  	[sflag:s24] =	ssyncset.done $0x0  }
0x103: {  	[sflag:s24] =	ssyncadd.s32 $0xFFFFC000  }
0x104: {  	[tilespmem:s31], [sflag:$0x3] =	stream.indirect.gather [hbm4b:s1+s26], $0x80, s8, s26, $0xb8;
	[tilespmem:$0x1D800] =	vst v63  }
0x105: {  	_ = 	snop  }
0x106: {  	[tilespmem:s2], [sflag:$0x4] =	stream.indirect.gather [hbm4b:s1+s26], $0x80, s9, s26, $0xb8;
	[tilespmem:$0x1D800] =	vst v63  }
0x107: {  	_ =	swait.ge [sflag:s5], $0x2000  }
0x108: {  	[sflag:s5] =	ssyncset.done $0x0  }
0x109: {  	[sflag:s5] =	ssyncadd.s32 $0xFFFFE000  }
0x10a: {  	_ =	swait.ge [sflag:s7], $0x2000  }
0x10b: {  	[sflag:s7] =	ssyncset.done $0x0  }
0x10c: {  	[sflag:s7] =	ssyncadd.s32 $0xFFFFE000  }
0x10d: {  	[spmem:s3] =	stream.indirect.scatter.add.f32 [tilespmem:s23], [sflag:$0x5], $0x80, s12, s28, $0xb8;
	[tilespmem:$0x1D800] =	vst v63  }
0x10e: {  	_ =	swait.ge [sflag:s24], $0x4000  }
0x10f: {  	[sflag:s24] =	ssyncset.done $0x0  }
0x110: {  	[sflag:s24] =	ssyncadd.s32 $0xFFFFC000  }
0x111: {  	_ =	swait.ge [sflag:s10], $0x2000  }
0x112: {  	[sflag:s10] =	ssyncset.done $0x0  }
0x113: {  	[sflag:s10] =	ssyncadd.s32 $0xFFFFE000  }
0x114: {  	p1 =	slt.u32 @!p0 s6, $0x8;
	_ =	swait.ge [sflag:s11], $0x2000  }
0x115: {  	p1 =	por p0, !p1;
	[sflag:s11] =	ssyncset.done $0x0  }
.Ltmp0:
0x116: {  	[sflag:s11] =	ssyncadd.s32 $0xFFFFE000;
	(pc) =	sbr.rel @!p1 .LBB2_2-.Ltmp0, $4  }
0x117: {  	[spmem:s3] =	stream.indirect.scatter.add.f32 [tilespmem:s31], [sflag:$0x5], $0x80, s13, s28, $0xb8;
	[tilespmem:$0x1D800] =	vst v63  }
0x118: {  	_ =	swait.ge [sflag:s24], $0x4000  }
0x119: {  	s6 =	sadd.s32 $0x1, s6;
	[sflag:s24] =	ssyncset.done $0x0  }
0x11a: {  	s21 =	sadd.s32 $0x200, s21;
	s22 =	sadd.s32 $0x100, s22;
	[sflag:s24] =	ssyncadd.s32 $0xFFFFC000  }
0x11b: {  	[bflag:$0x0] =	sbarrier.arrive $0xFFFF  }
0x11c: {  	s21 =	rddreg [dreg:$0x5]  }
0x11d: {  	[tilespmem:s23], [sflag:$0x5] =	stream.linear.gather [spmem:s21], $0x4000, $0x38;
	[tilespmem:$0x1D800] =	vst v63  }
0x11e: {  	_ =	swait.ge [sflag:s24], $0x4000  }
0x11f: {  	[sflag:s24] =	ssyncset.done $0x0  }
0x120: {  	s6 =	rddreg [dreg:$0xb];
	[sflag:s24] =	ssyncadd.s32 $0xFFFFC000  }
0x121: {  	[hbm4b:s6+s4] =	stream.linear.scatter [tilespmem:s23], [sflag:$0x5], $0x4000, $0x38;
	[tilespmem:$0x1D800] =	vst v63  }
0x122: {  	_ =	swait.ge [sflag:s24], $0x4000  }
0x123: {  	[sflag:s24] =	ssyncset.done $0x0  }
0x124: {  	s0 =	rddreg [dreg:$0xc];
	[sflag:s24] =	ssyncadd.s32 $0xFFFFC000  }
0x125: {  	[tilespmem:s23], [sflag:$0x5] =	stream.linear.gather [spmem:s0], $0x4000, $0x38;
	[tilespmem:$0x1D800] =	vst v63  }
0x126: {  	_ =	swait.ge [sflag:s24], $0x4000  }
0x127: {  	[sflag:s24] =	ssyncset.done $0x0  }
0x128: {  	s14 =	rddreg [dreg:$0xd];
	[sflag:s24] =	ssyncadd.s32 $0xFFFFC000  }
0x129: {  	[hbm4b:s14+s4] =	stream.linear.scatter [tilespmem:s23], [sflag:$0x5], $0x4000, $0x38;
	[tilespmem:$0x1D800] =	vst v63  }
0x12a: {  	_ =	swait.ge [sflag:s24], $0x4000  }
0x12b: {  	[sflag:s24] =	ssyncset.done $0x0  }
0x12c: {  	s22 =	rddreg [dreg:$0xe];
	[sflag:s24] =	ssyncadd.s32 $0xFFFFC000  }
0x12d: {  	[tilespmem:s23], [sflag:$0x5] =	stream.linear.gather [spmem:s22], $0x4000, $0x38;
	[tilespmem:$0x1D800] =	vst v63  }
0x12e: {  	_ =	swait.ge [sflag:s24], $0x4000  }
0x12f: {  	[sflag:s24] =	ssyncset.done $0x0  }
0x130: {  	s0 =	rddreg [dreg:$0xf];
	[sflag:s24] =	ssyncadd.s32 $0xFFFFC000  }
0x131: {  	[hbm4b:s0+s4] =	stream.linear.scatter [tilespmem:s23], [sflag:$0x5], $0x4000, $0x38;
	[tilespmem:$0x1D800] =	vst v63  }
0x132: {  	_ =	swait.ge [sflag:s24], $0x4000  }
0x133: {  	[sflag:s24] =	ssyncset.done $0x0  }
0x134: {  	s14 =	rddreg [dreg:$0x10];
	[sflag:s24] =	ssyncadd.s32 $0xFFFFC000  }
0x135: {  	[tilespmem:s23], [sflag:$0x5] =	stream.linear.gather [spmem:s14], $0x4000, $0x38;
	[tilespmem:$0x1D800] =	vst v63  }
0x136: {  	_ =	swait.ge [sflag:s24], $0x4000  }
0x137: {  	[sflag:s24] =	ssyncset.done $0x0  }
0x138: {  	s22 =	rddreg [dreg:$0x11];
	[sflag:s24] =	ssyncadd.s32 $0xFFFFC000  }
0x139: {  	[hbm4b:s22+s4] =	stream.linear.scatter [tilespmem:s23], [sflag:$0x5], $0x4000, $0x38;
	[tilespmem:$0x1D800] =	vst v63  }
0x13a: {  	_ =	swait.ge [sflag:s24], $0x4000  }
0x13b: {  	[sflag:s24] =	ssyncset.done $0x0  }
0x13c: {  	s0 =	rddreg [dreg:$0x12];
	[sflag:s24] =	ssyncadd.s32 $0xFFFFC000  }
0x13d: {  	[tilespmem:s23], [sflag:$0x5] =	stream.linear.gather [spmem:s0], $0x4000, $0x38;
	[tilespmem:$0x1D800] =	vst v63  }
0x13e: {  	_ =	swait.ge [sflag:s24], $0x4000  }
0x13f: {  	[sflag:s24] =	ssyncset.done $0x0  }
0x140: {  	s14 =	rddreg [dreg:$0x13];
	[sflag:s24] =	ssyncadd.s32 $0xFFFFC000  }
0x141: {  	[hbm4b:s14+s4] =	stream.linear.scatter [tilespmem:s23], [sflag:$0x5], $0x4000, $0x38;
	[tilespmem:$0x1D800] =	vst v63  }
0x142: {  	_ =	swait.ge [sflag:s24], $0x4000  }
0x143: {  	s0 =	rddreg [dreg:$0x16]  }
0x144: {  	s22 =	rddreg [dreg:$0x6];
	s0 =	sadd.s32 $0x1, s0  }
0x145: {  	p1 =	sne.s32 s0, s22  }
.Ltmp1:
0x146: {  	_ = 	snop;
	(pc) =	sbr.rel @p1 .LBB2_1-.Ltmp1, $3  }
0x147: {  	_ =	sdelay $0x1  }
0x148: {  	[sflag:s24] =	ssyncset.done $0x0  }
0x149: {  	[sflag:s24] =	ssyncadd.s32 $0xFFFFC000  }
0x14a: {  	_ =	sfence.sel $0x180000  }
0x14b: {  	[bflag:$0x0] =	sbarrier.arrive $0xFFFF  }
0x14c: {  	_ =	strace $0x9000004D  }
0x14d: {  	s0 =	stileid.u32;
	[bflag:$0x2] =	sbarrier.arrive $0xFFFF  }
0x14e: {  	p0 =	sne.s32 s0, $0x0;
	s0 =	rddreg [dreg:$0x3]  }
0x14f: {  	s0 =	sadd.s32 @!p0 $0x100000, s0  }
0x150: {  	[sflag:s0] =	ssyncadd.tile.s32 @!p0 $0x1;
	_ =	shalt  }
.Lfunc_end2:
_tile_overlayer_lowered:
.L_overlay_start_2:
0x151: {  	(tag) =	ssettag $0x2  }
0x152: {  	s0 =	rddreg [dreg:$0x0];
	s2 =	stileid.u32  }
0x153: {  	s1 =	rddreg [dreg:$0x1];
	p0 =	sne.s32 s2, $0x0  }
0x154: {  	s3 =	rddreg [dreg:$0x2];
	[bflag:$0x3] =	sbarrier.arrive $0xFFFF;
	s2 =	simm.s32 @!p0 $0x1C05  }
0x155: {  	[timem:s3], [sflag:s2] =	dma.local @!p0 [hbm:s0], s1  }
0x156: {  	s0 =	simm.s32 @!p0 $0x5  }
0x157: {  	_ =	swait.ge @!p0 [sflag:s0], s1  }
0x158: {  	s1 =	ssub.s32 @!p0 $0x0, s1;
	[sflag:s0] =	ssyncset.done @!p0 $0x0  }
0x159: {  	[sflag:s0] =	ssyncadd.s32 @!p0 s1  }
0x15a: {  	[bflag:$0x3] =	sbarrier.arrive $0xFFFF  }
0x15b: {  	_ =	shalt  }

// kernel: kernel.8.cloned.1.call-start
scs
__scs_entry_jumppad:
0x0: {  	(pc) =	sbr.rel $0x88, $3  }
0x1: {  	(tag) =	ssettag $0x0;
	lr =	simm.s32 $0x1  }
0x2: {  	[smem:$0x3F9B] =	sst lr;
	_ =	strace $0xD0000000  }
0x3: {  	_ = 	snop  }
0x4: {  	_ = 	snop  }
0x5: {  	_ = 	snop  }
0x6: {  	_ = 	snop  }
0x7: {  	_ = 	snop  }
__scs_overlays_trampoline_lowered:
0x8: {  	[smem:$0x3FAA] =	sst s0  }
0x9: {  	[smem:$0x3FAB] =	sst s1  }
0xa: {  	[smem:$0x3FAC] =	sst s2  }
0xb: {  	[smem:$0x3FAD] =	sst s3  }
0xc: {  	[smem:$0x3FAE] =	sst s4  }
0xd: {  	[smem:$0x3FAF] =	sst s5  }
0xe: {  	[smem:$0x3FB0] =	sst s6  }
0xf: {  	[smem:$0x3FB1] =	sst s7  }
0x10: {  	[smem:$0x3FB2] =	sst s8  }
0x11: {  	[smem:$0x3FB3] =	sst s9;
	s0 =	simm.s32 @!p0 $0x0  }
0x12: {  	s1 =	sld [smem:$0x3F99];
	s0 =	simm.s32 @p0 $0x1  }
0x13: {  	[smem:$0x3FB4] =	sst s0;
	s0 =	simm.s32 @!p1 $0x0  }
0x14: {  	s2 =	sld [smem:$0x3F98];
	s0 =	simm.s32 @p1 $0x1  }
0x15: {  	[smem:$0x3FB5] =	sst s0;
	s0 =	simm.s32 @!p2 $0x0  }
0x16: {  	s3 =	sld [smem:$0x3FDB];
	s0 =	simm.s32 @p2 $0x1  }
0x17: {  	s4 =	simm.s32 $0x1BF5;
	[smem:$0x3FB7] =	sst s0  }
0x18: {  	s0 =	sld [smem:$0x3F9A];
	_ =	swait.ge [sflag:s4], $0x0  }
0x19: {  	s7 =	sld [smem:$0x3F9B]  }
0x1a: {  	s8 =	sadd.s32 $0xFFFFE003, lr  }
0x1b: {  	s9 =	sadd.s32 $0xFFFFFEF7, lr;
	s5 =	simm.s32 $0xFFFFFFFF;
	p2 =	slt.u32 s8, $0xFFFFF086  }
0x1c: {  	p1 =	slt.u32 s9, $0xF7A;
	s5 =	simm.s32 @!p2 $0x0  }
0x1d: {  	s5 =	simm.s32 @p1 $0x1;
	p0 =	seq.s32 s7, s2  }
0x1e: {  	s7 =	smul.u32 @!p0 $0xF7A, s2;
	p2 =	seq.s32 @!p0 s5, $0x0  }
0x1f: {  	s9 =	smul.u32 $0xF7A, s1;
	s8 =	simm.s32 @!p0 $0x1BF5;
	p2 =	por !p2, p0  }
0x20: {  	[sflag:s8] =	ssyncset.s32 @!p0 $0xFFFFF086;
	s6 =	sadd.s32 @!p0 s3, s7;
	s7 =	simm.s32 @!p0 $0x108  }
0x21: {  	s3 =	sadd.s32 s3, s9;
	s6 =	sadd.s32 @!p0 $0x88, s6;
	s7 =	simm.s32 @p2 $0x1082  }
0x22: {  	[simem:s7], [sflag:s8] =	dma.local @!p0 [hbm:s6], $0xF7A  }
0x23: {  	s9 =	sor.u32 $0xD0000000, s2;
	s6 =	simm.s32 $0x108;
	_ =	swait.ge @!p0 [sflag:s8], $0x0  }
0x24: {  	s3 =	sadd.s32 $0x88, s3;
	s6 =	simm.s32 @!p1 $0x1082;
	[sflag:s4] =	ssyncset.s32 $0xFFFFF086  }
0x25: {  	[simem:s6], [sflag:s4] =	dma.local [hbm:s3], $0xF7A  }
0x26: {  	[smem:$0x3F9B] =	sst s1;
	(tag) =	ssettag s2;
	_ =	strace s9  }
0x27: {  	s1 =	sld [smem:$0x3FAB]  }
0x28: {  	s2 =	sld [smem:$0x3FAC]  }
0x29: {  	s4 =	sld [smem:$0x3FAE]  }
0x2a: {  	p0 =	seq.s32 s5, $0x0;
	s5 =	sld [smem:$0x3FAF]  }
0x2b: {  	s6 =	sld [smem:$0x3FB0]  }
0x2c: {  	s7 =	sld [smem:$0x3FB1]  }
0x2d: {  	s3 =	simm.s32 $0x108;
	s8 =	sld [smem:$0x3FB2]  }
0x2e: {  	s3 =	simm.s32 @!p0 $0x1082;
	s9 =	sld [smem:$0x3FB3]  }
0x2f: {  	lr =	sadd.s32 s0, s3;
	s0 =	sld [smem:$0x3FAA]  }
0x30: {  	s3 =	sld [smem:$0x3FAD]  }
0x31: {  	[smem:$0x3FB6] =	sst s10  }
0x32: {  	s10 =	sld [smem:$0x3FB4];
	_ =	sdelay $0x3  }
0x33: {  	p0 =	seq.s32 s10, $0x1;
	s10 =	sld [smem:$0x3FB6];
	_ =	sdelay $0x3  }
0x34: {  	[smem:$0x3FB6] =	sst s10  }
0x35: {  	s10 =	sld [smem:$0x3FB5];
	_ =	sdelay $0x3  }
0x36: {  	p1 =	seq.s32 s10, $0x1;
	s10 =	sld [smem:$0x3FB6];
	_ =	sdelay $0x3  }
0x37: {  	[smem:$0x3FB6] =	sst s10  }
0x38: {  	s10 =	sld [smem:$0x3FB7]  }
0x39: {  	_ = 	snop;
	(pc) =	sbr.ind lr, $3  }
0x3a: {  	_ = 	snop  }
0x3b: {  	_ = 	snop  }
0x3c: {  	p2 =	seq.s32 s10, $0x1;
	s10 =	sld [smem:$0x3FB6]  }
0x3d: {  	_ =	shalt  }
0x3e: {  	_ =	shalt  }
0x3f: {  	_ =	shalt  }
0x40: {  	_ =	shalt  }
0x41: {  	_ =	shalt  }
0x42: {  	_ =	shalt  }
0x43: {  	_ =	shalt  }
0x44: {  	_ =	shalt  }
0x45: {  	_ =	shalt  }
0x46: {  	_ =	shalt  }
0x47: {  	_ =	shalt  }
0x48: {  	_ =	shalt  }
0x49: {  	_ =	shalt  }
0x4a: {  	_ =	shalt  }
0x4b: {  	_ =	shalt  }
0x4c: {  	_ =	shalt  }
0x4d: {  	_ =	shalt  }
0x4e: {  	_ =	shalt  }
0x4f: {  	_ =	shalt  }
0x50: {  	_ =	shalt  }
0x51: {  	_ =	shalt  }
0x52: {  	_ =	shalt  }
0x53: {  	_ =	shalt  }
0x54: {  	_ =	shalt  }
0x55: {  	_ =	shalt  }
0x56: {  	_ =	shalt  }
0x57: {  	_ =	shalt  }
0x58: {  	_ =	shalt  }
0x59: {  	_ =	shalt  }
0x5a: {  	_ =	shalt  }
0x5b: {  	_ =	shalt  }
0x5c: {  	_ =	shalt  }
0x5d: {  	_ =	shalt  }
0x5e: {  	_ =	shalt  }
0x5f: {  	_ =	shalt  }
0x60: {  	_ =	shalt  }
0x61: {  	_ =	shalt  }
0x62: {  	_ =	shalt  }
0x63: {  	_ =	shalt  }
0x64: {  	_ =	shalt  }
0x65: {  	_ =	shalt  }
0x66: {  	_ =	shalt  }
0x67: {  	_ =	shalt  }
0x68: {  	_ =	shalt  }
0x69: {  	_ =	shalt  }
0x6a: {  	_ =	shalt  }
0x6b: {  	_ =	shalt  }
0x6c: {  	_ =	shalt  }
0x6d: {  	_ =	shalt  }
0x6e: {  	_ =	shalt  }
0x6f: {  	_ =	shalt  }
0x70: {  	_ =	shalt  }
0x71: {  	_ =	shalt  }
0x72: {  	_ =	shalt  }
0x73: {  	_ =	shalt  }
0x74: {  	_ =	shalt  }
0x75: {  	_ =	shalt  }
0x76: {  	_ =	shalt  }
0x77: {  	_ =	shalt  }
0x78: {  	_ =	shalt  }
0x79: {  	_ =	shalt  }
0x7a: {  	_ =	shalt  }
0x7b: {  	_ =	shalt  }
0x7c: {  	_ =	shalt  }
0x7d: {  	_ =	shalt  }
0x7e: {  	_ =	shalt  }
0x7f: {  	_ =	shalt  }
0x80: {  	_ =	shalt  }
0x81: {  	_ =	shalt  }
0x82: {  	_ =	shalt  }
0x83: {  	_ =	shalt  }
0x84: {  	_ =	shalt  }
0x85: {  	_ =	shalt  }
0x86: {  	_ =	shalt  }
0x87: {  	_ =	shalt  }
.Lfunc_end0:
.L_simem_size_0:
called_computation_lowered:
.L_overlay_start_0:
0x88: {  	s2 =	sld [smem:$0x3FD9]  }
0x89: {  	s3 =	sld [smem:$0x3FFE];
	_ =	sdelay $0x1  }
0x8a: {  	s1 =	srdreg.scid  }
0x8b: {  	s0 =	sand.u32 $0x1, s1  }
0x8c: {  	s17 =	sshll.u32 s0, $0xA;
	s2 =	sadd.s32 s3, s2  }
0x8d: {  	s2 =	sadd.s32 s2, s17  }
0x8e: {  	[smem:$0x3FC2] =	sst s2  }
0x8f: {  	_ = 	snop  }
0x90: {  	s2 =	sld [smem:$0x3FD0];
	(tm) =	ssettm $0x1  }
0x91: {  	s18 =	sld [smem:$0x3FFB];
	_ =	sdelay $0x3  }
0x92: {  	_ =	strace s18  }
0x93: {  	s3 =	sld [smem:$0x3FFC];
	_ =	sdelay $0x3  }
0x94: {  	_ =	strace s3  }
0x95: {  	s3 =	sld [smem:$0x3FFD];
	_ =	sdelay $0x3  }
0x96: {  	_ =	strace s3  }
0x97: {  	_ =	strace $0x8FFFFFFF  }
0x98: {  	s19 =	sld [smem:$0x3FDB];
	_ =	sdelay $0x1  }
0x99: {  	s4 =	simm.s32 $_scs_section_size  }
0x9a: {  	s5 =	simm.s32 $_size__tile_overlayer_lowered;
	s6 =	simm.s32 $_tile_overlayer_lowered  }
0x9b: {  	s22 =	simm.s32 $0x1BFF;
	s21 =	sshll.u32 s6, $0x1;
	s3 =	sadd.s32 s4, s19  }
0x9c: {  	s7 =	simm.s32 $0x0;
	s20 =	sshll.u32 s5, $0x1;
	s5 =	sadd.s32 s21, s3  }
0x9d: {  	[timem:s7], [sflag:s22] =	dma.local [hbm:s5], s20  }
0x9e: {  	_ =	swait.ge [sflag:s22], s20  }
0x9f: {  	s4 =	ssub.s32 $0x0, s20;
	[sflag:s22] =	ssyncset.done $0x0  }
0xa0: {  	[sflag:s22] =	ssyncadd.s32 s4;
	_ =	sdelay $0x1  }
0xa1: {  	s23 =	simm.s32 $0x1B8B  }
0xa2: {  	_ =	swait.ge [sflag:s23], $0x1  }
0xa3: {  	[sflag:s23] =	ssyncset.done $0x0  }
0xa4: {  	s25 =	simm.s32 $0x1B8E;
	s24 =	sld [smem:$0x3FFE];
	[sflag:s23] =	ssyncadd.s32 $0xFFFFFFFF  }
0xa5: {  	s26 =	simm.s32 $execute0_lowered;
	[smem:$0x3FD2] =	sst s25  }
0xa6: {  	s5 =	sshll.u32 s26, $0x1;
	_ =	strace $0x80000046;
	[dreg:$0x1] =	wrdreg $0xFFFFFFFF  }
0xa7: {  	s28 =	simm.s32 $_size_execute0_lowered;
	s3 =	sadd.s32 s3, s5;
	[dreg:$0x0] =	wrdreg $0x0  }
0xa8: {  	s5 =	sshll.u32 s28, $0x1;
	[dreg:$0x2] =	wrdreg s3  }
0xa9: {  	[dreg:$0x3] =	wrdreg s5  }
0xaa: {  	[dreg:$0x4] =	wrdreg $0xC0  }
0xab: {  	_ =	task [dreg:s7], $0x5FFFF  }
0xac: {  	[dreg:$0x1] =	wrdreg $0xFFFFFFFF  }
0xad: {  	[dreg:$0x0] =	wrdreg $0x60  }
0xae: {  	[dreg:$0x2] =	wrdreg s2  }
0xaf: {  	[dreg:$0x3] =	wrdreg s24  }
0xb0: {  	[dreg:$0x4] =	wrdreg $0x2B000  }
0xb1: {  	[dreg:$0x5] =	wrdreg $0x9  }
0xb2: {  	_ =	task.clear_ibuf [dreg:s7], $0x6FFFF;
	_ =	strace $0x90000046  }
0xb3: {  	s29 =	simm.s32 $0x9;
	_ =	strace $0x80000048  }
0xb4: {  	_ =	swait.ge [sflag:s29], $0x1  }
0xb5: {  	[sflag:s29] =	ssyncadd.s32 $0xFFFFFFFF  }
0xb6: {  	_ =	strace $0x90000048  }
0xb7: {  	_ =	sfence  }
0xb8: {  	s30 =	sld [smem:$0x0];
	_ =	sdelay $0x2  }
0xb9: {  	s31 =	sshll.u32 s1, $0xD;
	s1 =	sshrl.u32 s1, $0x2  }
0xba: {  	s3 =	sand.u32 $0x4000, s31;
	s1 =	sadd.s32 s1, s30  }
0xbb: {  	s0 =	sor.u32 s3, s0;
	s1 =	sshll.u32 s1, $0x11  }
0xbc: {  	s0 =	sor.u32 s1, s0  }
0xbd: {  	s0 =	sadd.s32 $0x8F2B, s0  }
0xbe: {  	[sflag:s0] =	ssyncadd.remote.s32 $0x1  }
0xbf: {  	_ =	sfence.sel $0xFFFF  }
0xc0: {  	[dreg:$0x0] =	wrdreg $0xFFFFFFFF;
	(pc) =	sbr.abs _section_cstart, $3  }
0xc1: {  	[dreg:$0x1] =	wrdreg $0xFFFFFFFF  }
0xc2: {  	_ =	task.clear_ibuf [dreg:s7], $0x2FFFF;
	_ =	strace $0x9FFFFFFF  }
0xc3: {  	(tm) =	ssettm $0x7FFFFFFF  }
tec
execute0_lowered:
.L_overlay_start_1:
0x0: {  	(tag) =	ssettag $0x1  }
0x1: {  	s6 =	rddreg [dreg:$0x0]  }
0x2: {  	s5 =	rddreg [dreg:$0x1]  }
0x3: {  	s2 =	rddreg [dreg:$0x2]  }
0x4: {  	s0 =	rddreg [dreg:$0x3]  }
0x5: {  	s4 =	srdreg.scid;
	s1 =	stileid.u32;
	s3 =	simm.s32 $0x0  }
0x6: {  	s12 =	simm.s32 $0x2800;
	s13 =	simm.s32 $0x0;
	s4 =	sand.u32 $0x1, s4  }
0x7: {  	s7 =	smul.u32 $0x280, s1;
	[smem:$0x7FF] =	sst s3;
	s9 =	sshll.u32 s1, $0x1  }
0x8: {  	s8 =	smul.u32 $0x2800, s4;
	s10 =	ssub.s32 $0x2, s4;
	s4 =	sor.u32 s4, s9  }
0x9: {  	_ =	strace $0x80000047;
	s31 =	sshrl.u32 s10, $0x1;
	s11 =	smul.u32 $0x500, s4  }
0xa: {  	s4 =	sadd.s32 $0x16600, s5;
	s8 =	sadd.s32 s7, s8;
	s9 =	ssub.s32 s10, s31  }
0xb: {  	s10 =	simm.s32 $0x1;
	s8 =	sshrl.u32 s8, $0x3;
	s6 =	sadd.s32 s6, s11  }
0xc: {  	s11 =	simm.s32 $0x80;
	s8 =	sadd.s32 s8, s5;
	s5 =	sadd.s32 s7, s2  }
0xd: {  	v0 =	vimm.f32 $1.000000000e+00;
	s7 =	sadd.s32 $0x16800, s8;
	s8 =	smax.u32 s9, $0x1;
	s9 =	simm.s32 $0x2880  }
.LBB2_1:
0xe: {  	[tilespmem:$0x2800] =	vst v0  }
0xf: {  	[tilespmem:$0x2810] =	vst v0  }
0x10: {  	[tilespmem:$0x2820] =	vst v0  }
0x11: {  	[tilespmem:$0x2830] =	vst v0  }
0x12: {  	[tilespmem:$0x2840] =	vst v0  }
0x13: {  	[tilespmem:$0x2850] =	vst v0  }
0x14: {  	[tilespmem:$0x2860] =	vst v0  }
0x15: {  	[tilespmem:$0x2870] =	vst v0  }
0x16: {  	[tilespmem:s9], [sflag:$0x1] =	stream.linear.gather [hbm4b:s4+s3], $0x280, $0x38;
	[tilespmem:$0x2D80] =	vst v63  }
0x17: {  	_ =	swait.ge [sflag:s10], $0x280  }
0x18: {  	[sflag:s10] =	ssyncset.done $0x0  }
0x19: {  	[sflag:s10] =	ssyncadd.s32 $0xFFFFFD80  }
0x1a: {  	[spmem:s5] =	stream.linear.scatter [tilespmem:s9], [sflag:$0x1], $0x280, $0x38;
	[tilespmem:$0x2D80] =	vst v63  }
0x1b: {  	_ =	swait.ge [sflag:s10], $0x280  }
0x1c: {  	[sflag:s10] =	ssyncset.done $0x0  }
0x1d: {  	[sflag:s10] =	ssyncadd.s32 $0xFFFFFD80  }
0x1e: {  	[bflag:$0x0] =	sbarrier.arrive $0xFFFF  }
0x1f: {  	[tilespmem:s3], [sflag:$0x1] =	stream.linear.gather [hbm4b:s6+s3], $0x2800, $0x38;
	[tilespmem:$0x2D80] =	vst v63  }
0x20: {  	_ =	swait.ge [sflag:s10], $0x2800  }
0x21: {  	[sflag:s10] =	ssyncset.done $0x0  }
0x22: {  	s14 =	simm.s32 $0x0;
	[sflag:s10] =	ssyncadd.s32 $0xFFFFD800  }
0x23: {  	[spmem:s2] =	stream.indirect.scatter.add.f32 [tilespmem:s12], [sflag:$0x1], $0x1, s14, s11, $0xb8;
	[tilespmem:$0x2D80] =	vst v63  }
0x24: {  	_ =	swait.ge [sflag:s10], $0x80  }
0x25: {  	s14 =	simm.s32 $0x200;
	[sflag:s10] =	ssyncset.done $0x0  }
.LBB2_2:
0x26: {  	s15 =	sshra.s32 s14, $0x2;
	[sflag:s10] =	ssyncadd.s32 $0xFFFFFF80;
	p0 =	sne.s32 s14, $0x9E00  }
0x27: {  	[spmem:s2] =	stream.indirect.scatter.add.f32 [tilespmem:s12], [sflag:$0x1], $0x1, s15, s11, $0xb8;
	[tilespmem:$0x2D80] =	vst v63  }
.Ltmp0:
0x28: {  	_ = 	snop;
	(pc) =	sbr.rel @p0 .LBB2_2-.Ltmp0, $4  }
0x29: {  	_ = 	snop  }
0x2a: {  	s14 =	sadd.s32 $0x200, s14  }
0x2b: {  	_ =	swait.ge [sflag:s10], $0x80  }
0x2c: {  	[sflag:s10] =	ssyncset.done $0x0  }
0x2d: {  	[sflag:s10] =	ssyncadd.s32 $0xFFFFFF80  }
0x2e: {  	[bflag:$0x0] =	sbarrier.arrive $0xFFFF  }
0x2f: {  	[tilespmem:s9], [sflag:$0x1] =	stream.linear.gather [spmem:s5], $0x280, $0x38;
	[tilespmem:$0x2D80] =	vst v63  }
0x30: {  	s13 =	sadd.s32 $0x1, s13;
	_ =	swait.ge [sflag:s10], $0x280  }
0x31: {  	p0 =	sne.s32 s13, s8;
	[sflag:s10] =	ssyncset.done $0x0  }
.Ltmp1:
0x32: {  	[sflag:s10] =	ssyncadd.s32 $0xFFFFFD80;
	(pc) =	sbr.rel @p0 .LBB2_1-.Ltmp1, $4  }
0x33: {  	[hbm4b:s7+s3] =	stream.linear.scatter [tilespmem:s9], [sflag:$0x1], $0x280, $0x38;
	[tilespmem:$0x2D80] =	vst v63  }
0x34: {  	_ =	swait.ge [sflag:s10], $0x280  }
0x35: {  	[sflag:s10] =	ssyncset.done $0x0  }
0x36: {  	[sflag:s10] =	ssyncadd.s32 $0xFFFFFD80  }
0x37: {  	_ =	sfence.sel $0x180000  }
0x38: {  	[bflag:$0x0] =	sbarrier.arrive $0xFFFF  }
0x39: {  	p0 =	sne.s32 s1, $0x0;
	_ =	strace $0x90000047  }
0x3a: {  	s0 =	sadd.s32 @!p0 $0x100000, s0;
	[bflag:$0x2] =	sbarrier.arrive $0xFFFF  }
0x3b: {  	[sflag:s0] =	ssyncadd.tile.s32 @!p0 $0x1;
	_ =	shalt  }
.Lfunc_end2:
_tile_overlayer_lowered:
.L_overlay_start_2:
0x3c: {  	(tag) =	ssettag $0x2  }
0x3d: {  	s0 =	rddreg [dreg:$0x0];
	s2 =	stileid.u32  }
0x3e: {  	s1 =	rddreg [dreg:$0x1];
	p0 =	sne.s32 s2, $0x0  }
0x3f: {  	s3 =	rddreg [dreg:$0x2];
	[bflag:$0x3] =	sbarrier.arrive $0xFFFF;
	s2 =	simm.s32 @!p0 $0x1C01  }
0x40: {  	[timem:s3], [sflag:s2] =	dma.local @!p0 [hbm:s0], s1  }
0x41: {  	s0 =	simm.s32 @!p0 $0x1  }
0x42: {  	_ =	swait.ge @!p0 [sflag:s0], s1  }
0x43: {  	s1 =	ssub.s32 @!p0 $0x0, s1;
	[sflag:s0] =	ssyncset.done @!p0 $0x0  }
0x44: {  	[sflag:s0] =	ssyncadd.s32 @!p0 s1  }
0x45: {  	[bflag:$0x3] =	sbarrier.arrive $0xFFFF  }
0x46: {  	_ =	shalt  }

</sc_bundles>
